<compile_context>
chip_gen: v7x
topology: tpu7x:2x2x1
jax: 0.10.2.dev20260603
libtpu: 0.0.44.dev20260713+nightly
codegen_flags: <defaults>
</compile_context>

<pallas_src>
import jax
import jax.numpy as jnp
from jax import lax
from jax.experimental import pallas as pl
from jax.experimental.pallas import tpu as pltpu
from jax.experimental.pallas import tpu_sc as plsc

N = 10000
D = 128
E = 320000
E2 = E + N
NC = 2
NS = 16
NW = NC * NS
EB = 128
NB = 81
CHUNK = EB * NB
E_PAD = CHUNK * NW
ACC_PAD = 10240
ROWS_PER_TILE = ACC_PAD // NS
S_PAD = 10240
S_PER_TILE = S_PAD // NS

_HIGH = lax.Precision.HIGHEST
FC_BK = 16000


def _k1_body(x_ref, w_ref, av_ref, h_ref, as_ref, ad_ref):
    hb = jnp.dot(x_ref[...], w_ref[...], preferred_element_type=jnp.float32,
                 precision=_HIGH)
    h_ref[...] = hb
    as_ref[...] = lax.dot_general(av_ref[0:1, :], hb, (((1,), (1,)), ((), ())),
                                  preferred_element_type=jnp.float32,
                                  precision=_HIGH)
    ad_ref[...] = lax.dot_general(av_ref[1:2, :], hb, (((1,), (1,)), ((), ())),
                                  preferred_element_type=jnp.float32,
                                  precision=_HIGH)


def _k1(x, W1, avec):
    return pl.pallas_call(
        _k1_body,
        out_shape=[
            jax.ShapeDtypeStruct((N, D), jnp.float32),
            jax.ShapeDtypeStruct((1, N), jnp.float32),
            jax.ShapeDtypeStruct((1, N), jnp.float32),
        ],
    )(x, W1, avec)


def _k2_body(src4, dst4, as1, ad1, h_hbm, acc_out, s_out,
             src_vb, dst_vb, exb, asg_v, adg_v, rows_v, acc_sh, s_sh,
             gsem, asem, dsem):
    c = lax.axis_index("c")
    sid = lax.axis_index("s")
    w = c * NS + sid

    z16 = jnp.zeros((16,), jnp.float32)

    def _z_row(i, carry):
        for kk in range(8):
            rows_v[i, pl.ds(kk * 16, 16)] = z16
        return carry
    lax.fori_loop(0, EB, _z_row, 0)
    for kk in range(8):
        exb[0, pl.ds(kk * 16, 16)] = z16

    for t in range(ROWS_PER_TILE // EB):
        pltpu.sync_copy(rows_v,
                        acc_sh.at[pl.ds(sid * ROWS_PER_TILE + t * EB, EB)])
    for t in range(S_PER_TILE // EB):
        pltpu.sync_copy(exb.at[0],
                        s_sh.at[pl.ds(sid * S_PER_TILE + t * EB, EB)])

    plsc.subcore_barrier()

    def _edge_batch(b, carry):
        pltpu.sync_copy(src4.at[w, b], src_vb)
        pltpu.sync_copy(dst4.at[w, b], dst_vb)
        gh = pltpu.async_copy(h_hbm.at[src_vb.at[0]], rows_v, gsem)
        ca = pltpu.async_copy(as1.at[src_vb.at[0]], asg_v, asem)
        cd = pltpu.async_copy(ad1.at[dst_vb.at[0]], adg_v, dsem)
        ca.wait()
        cd.wait()
        base = w * CHUNK + b * EB
        for i in range(EB // 16):
            u = asg_v[pl.ds(i * 16, 16)] + adg_v[pl.ds(i * 16, 16)]
            e = jnp.maximum(u, 0.2 * u)
            ex = jnp.exp(e)
            eid = base + i * 16 + lax.iota(jnp.int32, 16)
            exb[0, pl.ds(i * 16, 16)] = jnp.where(eid < E2, ex, 0.0)
        pltpu.sync_copy(exb.at[0], s_sh.at[dst_vb.at[0]], add=True)

        gh.wait()
        def _scale(jj, carry2):
            exv = exb[0, pl.ds(jj * 16, 16)]
            for l in range(16):
                sp = lax.broadcast_in_dim(lax.slice(exv, (l, ), (l + 1,)), (16,), (0,))
                j = jj * 16 + l
                for kk in range(8):
                    rows_v[j, pl.ds(kk * 16, 16)] = rows_v[j, pl.ds(kk * 16, 16)] * sp
            return carry2
        lax.fori_loop(0, EB // 16, _scale, 0)

        pltpu.sync_copy(rows_v, acc_sh.at[dst_vb.at[0]], add=True)
        return carry
    lax.fori_loop(0, NB, _edge_batch, 0)

    plsc.subcore_barrier()

    pltpu.sync_copy(acc_sh.at[pl.ds(sid * ROWS_PER_TILE, ROWS_PER_TILE)],
                    acc_out.at[c, pl.ds(sid * ROWS_PER_TILE, ROWS_PER_TILE)])

    @pl.when(sid == 0)
    def _():
        pltpu.sync_copy(s_sh, s_out.at[pl.ds(c * S_PAD, S_PAD)])


def _k2(src4, dst4, as1, ad1, h):
    return pl.kernel(
        _k2_body,
        out_type=[
            jax.ShapeDtypeStruct((NC, ACC_PAD, D), jnp.float32),
            jax.ShapeDtypeStruct((NC * S_PAD,), jnp.float32),
        ],
        mesh=plsc.VectorSubcoreMesh(core_axis_name="c", subcore_axis_name="s"),
        scratch_types=[
            pltpu.VMEM((1, EB), jnp.int32),
            pltpu.VMEM((1, EB), jnp.int32),
            pltpu.VMEM((1, EB), jnp.float32),
            pltpu.VMEM((EB,), jnp.float32),
            pltpu.VMEM((EB,), jnp.float32),
            pltpu.VMEM((EB, D), jnp.float32),
            pltpu.VMEM_SHARED((ACC_PAD, D), jnp.float32),
            pltpu.VMEM_SHARED((S_PAD,), jnp.float32),
            pltpu.SemaphoreType.DMA,
            pltpu.SemaphoreType.DMA,
            pltpu.SemaphoreType.DMA,
        ],
    )(src4, dst4, as1, ad1, h)


def _k3_body(a0_ref, a1_ref, s_ref, b_ref, h1_ref):
    sv = s_ref[:, 0] + s_ref[:, 1]
    inv = 1.0 / (sv + 1e-16)
    h1_ref[...] = jnp.maximum(
        (a0_ref[...] + a1_ref[...]) * inv[:, None] + b_ref[...], 0.0)


def _k3(acc0, acc1, s_out, b1):
    BN = 1000
    return pl.pallas_call(
        _k3_body,
        grid=(N // BN,),
        in_specs=[
            pl.BlockSpec((BN, D), lambda i: (i, 0)),
            pl.BlockSpec((BN, D), lambda i: (i, 0)),
            pl.BlockSpec((BN, 2), lambda i: (i, 0)),
            pl.BlockSpec((1, D), lambda i: (0, 0)),
        ],
        out_specs=pl.BlockSpec((BN, D), lambda i: (i, 0)),
        out_shape=jax.ShapeDtypeStruct((N, D), jnp.float32),
    )(acc0, acc1, s_out, b1)


def _k45_body(xf_ref, w1_ref, b1_ref, w2_ref, b2_ref, out_ref, zacc):
    i = pl.program_id(0)
    part = jnp.dot(xf_ref[...], w1_ref[...], preferred_element_type=jnp.float32,
                   precision=_HIGH)

    @pl.when(i == 0)
    def _():
        zacc[...] = part

    @pl.when(i > 0)
    def _():
        zacc[...] = zacc[...] + part

    @pl.when(i == N * D // FC_BK - 1)
    def _():
        z = jnp.maximum(zacc[...] + b1_ref[...], 0.0)
        out_ref[...] = jnp.maximum(
            jnp.dot(z, w2_ref[...], preferred_element_type=jnp.float32,
                    precision=_HIGH) + b2_ref[...], 0.0)


def _k45(xf, fc1_W, fc1_b, fc2_W, fc2_b):
    BK = FC_BK
    G = N * D // BK
    return pl.pallas_call(
        _k45_body,
        grid=(G,),
        in_specs=[
            pl.BlockSpec((1, BK), lambda i: (0, i)),
            pl.BlockSpec((BK, D), lambda i: (i, 0)),
            pl.BlockSpec((1, D), lambda i: (0, 0)),
            pl.BlockSpec((D, N), lambda i: (0, 0)),
            pl.BlockSpec((1, N), lambda i: (0, 0)),
        ],
        out_specs=pl.BlockSpec((1, N), lambda i: (0, 0)),
        out_shape=jax.ShapeDtypeStruct((1, N), jnp.float32),
        scratch_shapes=[pltpu.VMEM((1, D), jnp.float32)],
        compiler_params=pltpu.CompilerParams(
            dimension_semantics=("arbitrary",)),
    )(xf, fc1_W, fc1_b, fc2_W, fc2_b)


def kernel(x, edge_index, W1, a_src1, a_dst1, b1, W2, a_src2, a_dst2, b2,
           W3, a_src3, a_dst3, b3, fc1_W, fc1_b, fc2_W, fc2_b):
    loop = jnp.arange(N, dtype=edge_index.dtype)
    pad = jnp.zeros((E_PAD - E2,), edge_index.dtype)
    src4 = jnp.concatenate([edge_index[0], loop, pad]).reshape(NW, NB, 1, EB)
    dst4 = jnp.concatenate([edge_index[1], loop, pad]).reshape(NW, NB, 1, EB)
    avec = jnp.stack([a_src1, a_dst1], axis=0)

    h, as2, ad2 = _k1(x, W1, avec)
    acc_out, s_flat = _k2(src4, dst4, as2.reshape(N), ad2.reshape(N), h)
    s_pair = s_flat.reshape(NC, S_PAD).T
    h1 = _k3(acc_out[0], acc_out[1], s_pair, b1.reshape(1, D))
    xf = h1.reshape(1, N * D)
    return _k45(xf, fc1_W, fc1_b.reshape(1, D), fc2_W, fc2_b.reshape(1, N))

# --- scband reference (transcript-rebuilt; emitter-appended) ---
"""Pipeline reference for scband-gat-17016660427225 (READ-ONLY COPY).

The authoritative reference and input builder live on the scoring server;
editing this copy changes nothing except your own understanding.
"""

import jax, jax.numpy as jnp
import numpy as np

N = 10000
E = 320000
D = 128

def gat_conv(x, src, dst, W, a_src, a_dst, b):
    n = x.shape[0]
    h = x @ W
    e = jax.nn.leaky_relu((h @ a_src)[src] + (h @ a_dst)[dst], 0.2)
    m = jax.ops.segment_max(e, dst, num_segments=n)
    m = jnp.where(jnp.isfinite(m), m, 0.0)
    ex = jnp.exp(e - m[dst])
    s = jax.ops.segment_sum(ex, dst, num_segments=n)
    alpha = ex / (s[dst] + 1e-16)
    out = jax.ops.segment_sum(h[src] * alpha[:, None], dst, num_segments=n)
    return out + b

def setup_inputs(seed: int = 0):
    key = jax.random.key(seed)
    ks = jax.random.split(key, 20)
    scale = 1.0 / np.sqrt(D)
    inp = {}
    inp['x'] = jax.random.normal(ks[0], (N, D), jnp.float32)
    inp['edge_index'] = jax.random.randint(ks[1], (2, E), 0, N, dtype=jnp.int32)
    for i in range(3):
        inp['W%d' % (i + 1)] = jax.random.normal(ks[2 + 4 * i], (D, D), jnp.float32) * scale
        inp['a_src%d' % (i + 1)] = jax.random.normal(ks[3 + 4 * i], (D,), jnp.float32) * scale
        inp['a_dst%d' % (i + 1)] = jax.random.normal(ks[4 + 4 * i], (D,), jnp.float32) * scale
        inp['b%d' % (i + 1)] = jnp.zeros((D,), jnp.float32)
    inp['fc1_W'] = jax.random.normal(ks[14], (D * N, 128), jnp.float32) * (1.0 / np.sqrt(D * N))
    inp['fc1_b'] = jnp.zeros((128,), jnp.float32)
    inp['fc2_W'] = jax.random.normal(ks[15], (128, N), jnp.float32) * scale
    inp['fc2_b'] = jnp.zeros((N,), jnp.float32)
    return inp

def reference(x, edge_index, W1, a_src1, a_dst1, b1, W2, a_src2, a_dst2, b2, W3, a_src3, a_dst3, b3, fc1_W, fc1_b, fc2_W, fc2_b):
    loop = jnp.arange(N, dtype=edge_index.dtype)
    src = jnp.concatenate([edge_index[0], loop])
    dst = jnp.concatenate([edge_index[1], loop])
    h1 = jax.nn.relu(gat_conv(x, src, dst, W1, a_src1, a_dst1, b1))
    h2 = jax.nn.relu(gat_conv(h1, src, dst, W2, a_src2, a_dst2, b2))
    h3 = jax.nn.relu(gat_conv(h2, src, dst, W3, a_src3, a_dst3, b3))
    h2_flat = h1.reshape(-1, D * N)
    h3 = jax.nn.relu(h2_flat @ fc1_W + fc1_b)
    out = jax.nn.relu(h3 @ fc2_W + fc2_b)
    return out

if __name__ == "__main__":
    import jax
    _d = setup_inputs()
    print(jax.jit(kernel)(*tuple(_d.values())))

</pallas_src>

<mosaic_0001>
#map = affine_map<(d0, d1) -> (0, 0, 0, 0)>
#map1 = affine_map<(d0, d1) -> (0)>
#map2 = affine_map<(d0, d1) -> (0, 0)>
#map3 = affine_map<(d0, d1) -> (0, 0, 0)>
module attributes {stable_mosaic.version = 14 : i64} {
  func.func @_k2_body(%arg0: i32, %arg1: i32, %arg2: memref<32x81x1x128xi32, #tpu.memory_space<hbm>>, %arg3: memref<32x81x1x128xi32, #tpu.memory_space<hbm>>, %arg4: memref<10000xf32, #tpu.memory_space<hbm>>, %arg5: memref<10000xf32, #tpu.memory_space<hbm>>, %arg6: memref<10000x128xf32, #tpu.memory_space<hbm>>, %arg7: memref<2x10240x128xf32, #tpu.memory_space<hbm>>, %arg8: memref<20480xf32, #tpu.memory_space<hbm>>, %arg9: memref<1x128xi32, #tpu.memory_space<vmem>>, %arg10: memref<1x128xi32, #tpu.memory_space<vmem>>, %arg11: memref<1x128xf32, #tpu.memory_space<vmem>>, %arg12: memref<128xf32, #tpu.memory_space<vmem>>, %arg13: memref<128xf32, #tpu.memory_space<vmem>>, %arg14: memref<128x128xf32, #tpu.memory_space<vmem>>, %arg15: memref<10240x128xf32, #tpu.memory_space<vmem_shared>>, %arg16: memref<10240xf32, #tpu.memory_space<vmem_shared>>, %arg17: memref<!tpu.dma_semaphore, #tpu.memory_space<semaphore_mem>>, %arg18: memref<!tpu.dma_semaphore, #tpu.memory_space<semaphore_mem>>, %arg19: memref<!tpu.dma_semaphore, #tpu.memory_space<semaphore_mem>>) attributes {dimension_semantics = [#tpu.dimension_semantics<core_parallel>, #tpu.dimension_semantics<subcore_parallel>], iteration_bounds = array<i64: 2, 16>, scalar_prefetch = 0 : i64, scratch_operands = 11 : i64, tpu.core_type = #tpu.core_type<sc_vector_subcore>, window_params = [{transform_indices = #map}, {transform_indices = #map}, {transform_indices = #map1}, {transform_indices = #map1}, {transform_indices = #map2}, {transform_indices = #map3}, {transform_indices = #map1}]} {
    %mul3A = arith.constant 16 : i32
    %mul3A_0 = arith.muli %arg0, %mul3A : i32
    %add3A = arith.addi %mul3A_0, %arg1 : i32
    %broadcast_in_dim3A = arith.constant 0.000000e+00 : f32
    %broadcast_in_dim3A_1 = vector.broadcast %broadcast_in_dim3A : f32 to vector<16xf32>
    %scan3A = arith.constant 0 : i32
    %scan3A_2 = arith.constant 0 : i32
    %scan3A_3 = arith.constant 128 : i32
    %scan3A_4 = arith.addi %scan3A_2, %scan3A_3 : i32
    %scan3A_5 = arith.constant 1 : i32
    scf.for %scan3A_111 = %scan3A_2 to %scan3A_4 step %scan3A_5  : i32 {
      %swap3A_112 = arith.index_cast %scan3A_111 : i32 to index
      %swap3A_113 = arith.constant 0 : index
      %swap3A_114 = tpu.vector_load %arg14[%swap3A_112, %swap3A_113] {strides = array<i32>} : memref<128x128xf32, #tpu.memory_space<vmem>>, vector<1x16xf32>,
      %swap3A_115 = vector.shape_cast %swap3A_114 : vector<1x16xf32> to vector<16xf32>
      %swap3A_116 = vector.shape_cast %broadcast_in_dim3A_1 : vector<16xf32> to vector<1x16xf32>
      tpu.vector_store %arg14[%swap3A_112, %swap3A_113], %swap3A_116 {strides = array<i32>} : memref<128x128xf32, #tpu.memory_space<vmem>>, vector<1x16xf32>,
      %swap3A_117 = arith.index_cast %scan3A_111 : i32 to index
      %swap3A_118 = arith.constant 16 : index
      %swap3A_119 = tpu.vector_load %arg14[%swap3A_117, %swap3A_118] {strides = array<i32>} : memref<128x128xf32, #tpu.memory_space<vmem>>, vector<1x16xf32>,
      %swap3A_120 = vector.shape_cast %swap3A_119 : vector<1x16xf32> to vector<16xf32>
      %swap3A_121 = vector.shape_cast %broadcast_in_dim3A_1 : vector<16xf32> to vector<1x16xf32>
      tpu.vector_store %arg14[%swap3A_117, %swap3A_118], %swap3A_121 {strides = array<i32>} : memref<128x128xf32, #tpu.memory_space<vmem>>, vector<1x16xf32>,
      %swap3A_122 = arith.index_cast %scan3A_111 : i32 to index
      %swap3A_123 = arith.constant 32 : index
      %swap3A_124 = tpu.vector_load %arg14[%swap3A_122, %swap3A_123] {strides = array<i32>} : memref<128x128xf32, #tpu.memory_space<vmem>>, vector<1x16xf32>,
      %swap3A_125 = vector.shape_cast %swap3A_124 : vector<1x16xf32> to vector<16xf32>
      %swap3A_126 = vector.shape_cast %broadcast_in_dim3A_1 : vector<16xf32> to vector<1x16xf32>
      tpu.vector_store %arg14[%swap3A_122, %swap3A_123], %swap3A_126 {strides = array<i32>} : memref<128x128xf32, #tpu.memory_space<vmem>>, vector<1x16xf32>,
      %swap3A_127 = arith.index_cast %scan3A_111 : i32 to index
      %swap3A_128 = arith.constant 48 : index
      %swap3A_129 = tpu.vector_load %arg14[%swap3A_127, %swap3A_128] {strides = array<i32>} : memref<128x128xf32, #tpu.memory_space<vmem>>, vector<1x16xf32>,
      %swap3A_130 = vector.shape_cast %swap3A_129 : vector<1x16xf32> to vector<16xf32>
      %swap3A_131 = vector.shape_cast %broadcast_in_dim3A_1 : vector<16xf32> to vector<1x16xf32>
      tpu.vector_store %arg14[%swap3A_127, %swap3A_128], %swap3A_131 {strides = array<i32>} : memref<128x128xf32, #tpu.memory_space<vmem>>, vector<1x16xf32>,
      %swap3A_132 = arith.index_cast %scan3A_111 : i32 to index
      %swap3A_133 = arith.constant 64 : index
      %swap3A_134 = tpu.vector_load %arg14[%swap3A_132, %swap3A_133] {strides = array<i32>} : memref<128x128xf32, #tpu.memory_space<vmem>>, vector<1x16xf32>,
      %swap3A_135 = vector.shape_cast %swap3A_134 : vector<1x16xf32> to vector<16xf32>
      %swap3A_136 = vector.shape_cast %broadcast_in_dim3A_1 : vector<16xf32> to vector<1x16xf32>
      tpu.vector_store %arg14[%swap3A_132, %swap3A_133], %swap3A_136 {strides = array<i32>} : memref<128x128xf32, #tpu.memory_space<vmem>>, vector<1x16xf32>,
      %swap3A_137 = arith.index_cast %scan3A_111 : i32 to index
      %swap3A_138 = arith.constant 80 : index
      %swap3A_139 = tpu.vector_load %arg14[%swap3A_137, %swap3A_138] {strides = array<i32>} : memref<128x128xf32, #tpu.memory_space<vmem>>, vector<1x16xf32>,
      %swap3A_140 = vector.shape_cast %swap3A_139 : vector<1x16xf32> to vector<16xf32>
      %swap3A_141 = vector.shape_cast %broadcast_in_dim3A_1 : vector<16xf32> to vector<1x16xf32>
      tpu.vector_store %arg14[%swap3A_137, %swap3A_138], %swap3A_141 {strides = array<i32>} : memref<128x128xf32, #tpu.memory_space<vmem>>, vector<1x16xf32>,
      %swap3A_142 = arith.index_cast %scan3A_111 : i32 to index
      %swap3A_143 = arith.constant 96 : index
      %swap3A_144 = tpu.vector_load %arg14[%swap3A_142, %swap3A_143] {strides = array<i32>} : memref<128x128xf32, #tpu.memory_space<vmem>>, vector<1x16xf32>,
      %swap3A_145 = vector.shape_cast %swap3A_144 : vector<1x16xf32> to vector<16xf32>
      %swap3A_146 = vector.shape_cast %broadcast_in_dim3A_1 : vector<16xf32> to vector<1x16xf32>
      tpu.vector_store %arg14[%swap3A_142, %swap3A_143], %swap3A_146 {strides = array<i32>} : memref<128x128xf32, #tpu.memory_space<vmem>>, vector<1x16xf32>,
      %swap3A_147 = arith.index_cast %scan3A_111 : i32 to index
      %swap3A_148 = arith.constant 112 : index
      %swap3A_149 = tpu.vector_load %arg14[%swap3A_147, %swap3A_148] {strides = array<i32>} : memref<128x128xf32, #tpu.memory_space<vmem>>, vector<1x16xf32>,
      %swap3A_150 = vector.shape_cast %swap3A_149 : vector<1x16xf32> to vector<16xf32>
      %swap3A_151 = vector.shape_cast %broadcast_in_dim3A_1 : vector<16xf32> to vector<1x16xf32>
      tpu.vector_store %arg14[%swap3A_147, %swap3A_148], %swap3A_151 {strides = array<i32>} : memref<128x128xf32, #tpu.memory_space<vmem>>, vector<1x16xf32>,
    }
    %scan3A_6 = arith.constant 128 : i32
    %swap3A = arith.constant 0 : i32
    %swap3A_7 = arith.index_cast %swap3A : i32 to index
    %swap3A_8 = arith.constant 0 : index
    %swap3A_9 = tpu.vector_load %arg11[%swap3A_7, %swap3A_8] {strides = array<i32>} : memref<1x128xf32, #tpu.memory_space<vmem>>, vector<1x16xf32>,
    %swap3A_10 = vector.shape_cast %swap3A_9 : vector<1x16xf32> to vector<16xf32>
    %swap3A_11 = vector.shape_cast %broadcast_in_dim3A_1 : vector<16xf32> to vector<1x16xf32>
    tpu.vector_store %arg11[%swap3A_7, %swap3A_8], %swap3A_11 {strides = array<i32>} : memref<1x128xf32, #tpu.memory_space<vmem>>, vector<1x16xf32>,
    %swap3A_12 = arith.constant 0 : i32
    %swap3A_13 = arith.index_cast %swap3A_12 : i32 to index
    %swap3A_14 = arith.constant 16 : index
    %swap3A_15 = tpu.vector_load %arg11[%swap3A_13, %swap3A_14] {strides = array<i32>} : memref<1x128xf32, #tpu.memory_space<vmem>>, vector<1x16xf32>,
    %swap3A_16 = vector.shape_cast %swap3A_15 : vector<1x16xf32> to vector<16xf32>
    %swap3A_17 = vector.shape_cast %broadcast_in_dim3A_1 : vector<16xf32> to vector<1x16xf32>
    tpu.vector_store %arg11[%swap3A_13, %swap3A_14], %swap3A_17 {strides = array<i32>} : memref<1x128xf32, #tpu.memory_space<vmem>>, vector<1x16xf32>,
    %swap3A_18 = arith.constant 0 : i32
    %swap3A_19 = arith.index_cast %swap3A_18 : i32 to index
    %swap3A_20 = arith.constant 32 : index
    %swap3A_21 = tpu.vector_load %arg11[%swap3A_19, %swap3A_20] {strides = array<i32>} : memref<1x128xf32, #tpu.memory_space<vmem>>, vector<1x16xf32>,
    %swap3A_22 = vector.shape_cast %swap3A_21 : vector<1x16xf32> to vector<16xf32>
    %swap3A_23 = vector.shape_cast %broadcast_in_dim3A_1 : vector<16xf32> to vector<1x16xf32>
    tpu.vector_store %arg11[%swap3A_19, %swap3A_20], %swap3A_23 {strides = array<i32>} : memref<1x128xf32, #tpu.memory_space<vmem>>, vector<1x16xf32>,
    %swap3A_24 = arith.constant 0 : i32
    %swap3A_25 = arith.index_cast %swap3A_24 : i32 to index
    %swap3A_26 = arith.constant 48 : index
    %swap3A_27 = tpu.vector_load %arg11[%swap3A_25, %swap3A_26] {strides = array<i32>} : memref<1x128xf32, #tpu.memory_space<vmem>>, vector<1x16xf32>,
    %swap3A_28 = vector.shape_cast %swap3A_27 : vector<1x16xf32> to vector<16xf32>
    %swap3A_29 = vector.shape_cast %broadcast_in_dim3A_1 : vector<16xf32> to vector<1x16xf32>
    tpu.vector_store %arg11[%swap3A_25, %swap3A_26], %swap3A_29 {strides = array<i32>} : memref<1x128xf32, #tpu.memory_space<vmem>>, vector<1x16xf32>,
    %swap3A_30 = arith.constant 0 : i32
    %swap3A_31 = arith.index_cast %swap3A_30 : i32 to index
    %swap3A_32 = arith.constant 64 : index
    %swap3A_33 = tpu.vector_load %arg11[%swap3A_31, %swap3A_32] {strides = array<i32>} : memref<1x128xf32, #tpu.memory_space<vmem>>, vector<1x16xf32>,
    %swap3A_34 = vector.shape_cast %swap3A_33 : vector<1x16xf32> to vector<16xf32>
    %swap3A_35 = vector.shape_cast %broadcast_in_dim3A_1 : vector<16xf32> to vector<1x16xf32>
    tpu.vector_store %arg11[%swap3A_31, %swap3A_32], %swap3A_35 {strides = array<i32>} : memref<1x128xf32, #tpu.memory_space<vmem>>, vector<1x16xf32>,
    %swap3A_36 = arith.constant 0 : i32
    %swap3A_37 = arith.index_cast %swap3A_36 : i32 to index
    %swap3A_38 = arith.constant 80 : index
    %swap3A_39 = tpu.vector_load %arg11[%swap3A_37, %swap3A_38] {strides = array<i32>} : memref<1x128xf32, #tpu.memory_space<vmem>>, vector<1x16xf32>,
    %swap3A_40 = vector.shape_cast %swap3A_39 : vector<1x16xf32> to vector<16xf32>
    %swap3A_41 = vector.shape_cast %broadcast_in_dim3A_1 : vector<16xf32> to vector<1x16xf32>
    tpu.vector_store %arg11[%swap3A_37, %swap3A_38], %swap3A_41 {strides = array<i32>} : memref<1x128xf32, #tpu.memory_space<vmem>>, vector<1x16xf32>,
    %swap3A_42 = arith.constant 0 : i32
    %swap3A_43 = arith.index_cast %swap3A_42 : i32 to index
    %swap3A_44 = arith.constant 96 : index
    %swap3A_45 = tpu.vector_load %arg11[%swap3A_43, %swap3A_44] {strides = array<i32>} : memref<1x128xf32, #tpu.memory_space<vmem>>, vector<1x16xf32>,
    %swap3A_46 = vector.shape_cast %swap3A_45 : vector<1x16xf32> to vector<16xf32>
    %swap3A_47 = vector.shape_cast %broadcast_in_dim3A_1 : vector<16xf32> to vector<1x16xf32>
    tpu.vector_store %arg11[%swap3A_43, %swap3A_44], %swap3A_47 {strides = array<i32>} : memref<1x128xf32, #tpu.memory_space<vmem>>, vector<1x16xf32>,
    %swap3A_48 = arith.constant 0 : i32
    %swap3A_49 = arith.index_cast %swap3A_48 : i32 to index
    %swap3A_50 = arith.constant 112 : index
    %swap3A_51 = tpu.vector_load %arg11[%swap3A_49, %swap3A_50] {strides = array<i32>} : memref<1x128xf32, #tpu.memory_space<vmem>>, vector<1x16xf32>,
    %swap3A_52 = vector.shape_cast %swap3A_51 : vector<1x16xf32> to vector<16xf32>
    %swap3A_53 = vector.shape_cast %broadcast_in_dim3A_1 : vector<16xf32> to vector<1x16xf32>
    tpu.vector_store %arg11[%swap3A_49, %swap3A_50], %swap3A_53 {strides = array<i32>} : memref<1x128xf32, #tpu.memory_space<vmem>>, vector<1x16xf32>,
    %mul3A_54 = arith.constant 640 : i32
    %mul3A_55 = arith.muli %arg1, %mul3A_54 : i32
    %add3A_56 = arith.constant 0 : i32
    %add3A_57 = arith.addi %mul3A_55, %add3A_56 : i32
    "tpu.region"() ({
      %run_scoped3A_111 = tpu.sem_alloc : memref<!tpu.dma_semaphore, #tpu.memory_space<semaphore_mem>>
      %dma_start3A = arith.constant 0 : i32
      %dma_start3A_112 = tpu.memref_slice %arg15[%add3A_57, %dma_start3A] : memref<10240x128xf32, #tpu.memory_space<vmem_shared>> -> memref<128x128xf32, #tpu.memory_space<vmem_shared>>
      %dma_start3A_113 = arith.constant 0 : i32
      %dma_start3A_114 = tpu.memref_slice %arg15[%add3A_57, %dma_start3A_113] : memref<10240x128xf32, #tpu.memory_space<vmem_shared>> -> memref<128x128xf32, #tpu.memory_space<vmem_shared>>
      tpu.enqueue_dma source(%arg14 : memref<128x128xf32, #tpu.memory_space<vmem>>) target(%dma_start3A_114 : memref<128x128xf32, #tpu.memory_space<vmem_shared>>) target_semaphore(%run_scoped3A_111 : memref<!tpu.dma_semaphore, #tpu.memory_space<semaphore_mem>>)
      %dma_wait3A = arith.constant 0 : i32
      %dma_wait3A_115 = tpu.memref_slice %arg15[%add3A_57, %dma_wait3A] : memref<10240x128xf32, #tpu.memory_space<vmem_shared>> -> memref<128x128xf32, #tpu.memory_space<vmem_shared>>
      %dma_wait3A_116 = arith.constant 0 : i32
      %dma_wait3A_117 = tpu.memref_slice %arg15[%add3A_57, %dma_wait3A_116] : memref<10240x128xf32, #tpu.memory_space<vmem_shared>> -> memref<128x128xf32, #tpu.memory_space<vmem_shared>>
      tpu.wait_dma2 semaphore(%run_scoped3A_111 : memref<!tpu.dma_semaphore, #tpu.memory_space<semaphore_mem>>) src(%arg14 : memref<128x128xf32, #tpu.memory_space<vmem>>) dst(%dma_wait3A_117 : memref<128x128xf32, #tpu.memory_space<vmem_shared>>)
      tpu.yield
    }) : () -> ()
    %mul3A_58 = arith.constant 640 : i32
    %mul3A_59 = arith.muli %arg1, %mul3A_58 : i32
    %add3A_60 = arith.constant 128 : i32
    %add3A_61 = arith.addi %mul3A_59, %add3A_60 : i32
    "tpu.region"() ({
      %run_scoped3A_111 = tpu.sem_alloc : memref<!tpu.dma_semaphore, #tpu.memory_space<semaphore_mem>>
      %dma_start3A = arith.constant 0 : i32
      %dma_start3A_112 = tpu.memref_slice %arg15[%add3A_61, %dma_start3A] : memref<10240x128xf32, #tpu.memory_space<vmem_shared>> -> memref<128x128xf32, #tpu.memory_space<vmem_shared>>
      %dma_start3A_113 = arith.constant 0 : i32
      %dma_start3A_114 = tpu.memref_slice %arg15[%add3A_61, %dma_start3A_113] : memref<10240x128xf32, #tpu.memory_space<vmem_shared>> -> memref<128x128xf32, #tpu.memory_space<vmem_shared>>
      tpu.enqueue_dma source(%arg14 : memref<128x128xf32, #tpu.memory_space<vmem>>) target(%dma_start3A_114 : memref<128x128xf32, #tpu.memory_space<vmem_shared>>) target_semaphore(%run_scoped3A_111 : memref<!tpu.dma_semaphore, #tpu.memory_space<semaphore_mem>>)
      %dma_wait3A = arith.constant 0 : i32
      %dma_wait3A_115 = tpu.memref_slice %arg15[%add3A_61, %dma_wait3A] : memref<10240x128xf32, #tpu.memory_space<vmem_shared>> -> memref<128x128xf32, #tpu.memory_space<vmem_shared>>
      %dma_wait3A_116 = arith.constant 0 : i32
      %dma_wait3A_117 = tpu.memref_slice %arg15[%add3A_61, %dma_wait3A_116] : memref<10240x128xf32, #tpu.memory_space<vmem_shared>> -> memref<128x128xf32, #tpu.memory_space<vmem_shared>>
      tpu.wait_dma2 semaphore(%run_scoped3A_111 : memref<!tpu.dma_semaphore, #tpu.memory_space<semaphore_mem>>) src(%arg14 : memref<128x128xf32, #tpu.memory_space<vmem>>) dst(%dma_wait3A_117 : memref<128x128xf32, #tpu.memory_space<vmem_shared>>)
      tpu.yield
    }) : () -> ()
    %mul3A_62 = arith.constant 640 : i32
    %mul3A_63 = arith.muli %arg1, %mul3A_62 : i32
    %add3A_64 = arith.constant 256 : i32
    %add3A_65 = arith.addi %mul3A_63, %add3A_64 : i32
    "tpu.region"() ({
      %run_scoped3A_111 = tpu.sem_alloc : memref<!tpu.dma_semaphore, #tpu.memory_space<semaphore_mem>>
      %dma_start3A = arith.constant 0 : i32
      %dma_start3A_112 = tpu.memref_slice %arg15[%add3A_65, %dma_start3A] : memref<10240x128xf32, #tpu.memory_space<vmem_shared>> -> memref<128x128xf32, #tpu.memory_space<vmem_shared>>
      %dma_start3A_113 = arith.constant 0 : i32
      %dma_start3A_114 = tpu.memref_slice %arg15[%add3A_65, %dma_start3A_113] : memref<10240x128xf32, #tpu.memory_space<vmem_shared>> -> memref<128x128xf32, #tpu.memory_space<vmem_shared>>
      tpu.enqueue_dma source(%arg14 : memref<128x128xf32, #tpu.memory_space<vmem>>) target(%dma_start3A_114 : memref<128x128xf32, #tpu.memory_space<vmem_shared>>) target_semaphore(%run_scoped3A_111 : memref<!tpu.dma_semaphore, #tpu.memory_space<semaphore_mem>>)
      %dma_wait3A = arith.constant 0 : i32
      %dma_wait3A_115 = tpu.memref_slice %arg15[%add3A_65, %dma_wait3A] : memref<10240x128xf32, #tpu.memory_space<vmem_shared>> -> memref<128x128xf32, #tpu.memory_space<vmem_shared>>
      %dma_wait3A_116 = arith.constant 0 : i32
      %dma_wait3A_117 = tpu.memref_slice %arg15[%add3A_65, %dma_wait3A_116] : memref<10240x128xf32, #tpu.memory_space<vmem_shared>> -> memref<128x128xf32, #tpu.memory_space<vmem_shared>>
      tpu.wait_dma2 semaphore(%run_scoped3A_111 : memref<!tpu.dma_semaphore, #tpu.memory_space<semaphore_mem>>) src(%arg14 : memref<128x128xf32, #tpu.memory_space<vmem>>) dst(%dma_wait3A_117 : memref<128x128xf32, #tpu.memory_space<vmem_shared>>)
      tpu.yield
    }) : () -> ()
    %mul3A_66 = arith.constant 640 : i32
    %mul3A_67 = arith.muli %arg1, %mul3A_66 : i32
    %add3A_68 = arith.constant 384 : i32
    %add3A_69 = arith.addi %mul3A_67, %add3A_68 : i32
    "tpu.region"() ({
      %run_scoped3A_111 = tpu.sem_alloc : memref<!tpu.dma_semaphore, #tpu.memory_space<semaphore_mem>>
      %dma_start3A = arith.constant 0 : i32
      %dma_start3A_112 = tpu.memref_slice %arg15[%add3A_69, %dma_start3A] : memref<10240x128xf32, #tpu.memory_space<vmem_shared>> -> memref<128x128xf32, #tpu.memory_space<vmem_shared>>
      %dma_start3A_113 = arith.constant 0 : i32
      %dma_start3A_114 = tpu.memref_slice %arg15[%add3A_69, %dma_start3A_113] : memref<10240x128xf32, #tpu.memory_space<vmem_shared>> -> memref<128x128xf32, #tpu.memory_space<vmem_shared>>
      tpu.enqueue_dma source(%arg14 : memref<128x128xf32, #tpu.memory_space<vmem>>) target(%dma_start3A_114 : memref<128x128xf32, #tpu.memory_space<vmem_shared>>) target_semaphore(%run_scoped3A_111 : memref<!tpu.dma_semaphore, #tpu.memory_space<semaphore_mem>>)
      %dma_wait3A = arith.constant 0 : i32
      %dma_wait3A_115 = tpu.memref_slice %arg15[%add3A_69, %dma_wait3A] : memref<10240x128xf32, #tpu.memory_space<vmem_shared>> -> memref<128x128xf32, #tpu.memory_space<vmem_shared>>
      %dma_wait3A_116 = arith.constant 0 : i32
      %dma_wait3A_117 = tpu.memref_slice %arg15[%add3A_69, %dma_wait3A_116] : memref<10240x128xf32, #tpu.memory_space<vmem_shared>> -> memref<128x128xf32, #tpu.memory_space<vmem_shared>>
      tpu.wait_dma2 semaphore(%run_scoped3A_111 : memref<!tpu.dma_semaphore, #tpu.memory_space<semaphore_mem>>) src(%arg14 : memref<128x128xf32, #tpu.memory_space<vmem>>) dst(%dma_wait3A_117 : memref<128x128xf32, #tpu.memory_space<vmem_shared>>)
      tpu.yield
    }) : () -> ()
    %mul3A_70 = arith.constant 640 : i32
    %mul3A_71 = arith.muli %arg1, %mul3A_70 : i32
    %add3A_72 = arith.constant 512 : i32
    %add3A_73 = arith.addi %mul3A_71, %add3A_72 : i32
    "tpu.region"() ({
      %run_scoped3A_111 = tpu.sem_alloc : memref<!tpu.dma_semaphore, #tpu.memory_space<semaphore_mem>>
      %dma_start3A = arith.constant 0 : i32
      %dma_start3A_112 = tpu.memref_slice %arg15[%add3A_73, %dma_start3A] : memref<10240x128xf32, #tpu.memory_space<vmem_shared>> -> memref<128x128xf32, #tpu.memory_space<vmem_shared>>
      %dma_start3A_113 = arith.constant 0 : i32
      %dma_start3A_114 = tpu.memref_slice %arg15[%add3A_73, %dma_start3A_113] : memref<10240x128xf32, #tpu.memory_space<vmem_shared>> -> memref<128x128xf32, #tpu.memory_space<vmem_shared>>
      tpu.enqueue_dma source(%arg14 : memref<128x128xf32, #tpu.memory_space<vmem>>) target(%dma_start3A_114 : memref<128x128xf32, #tpu.memory_space<vmem_shared>>) target_semaphore(%run_scoped3A_111 : memref<!tpu.dma_semaphore, #tpu.memory_space<semaphore_mem>>)
      %dma_wait3A = arith.constant 0 : i32
      %dma_wait3A_115 = tpu.memref_slice %arg15[%add3A_73, %dma_wait3A] : memref<10240x128xf32, #tpu.memory_space<vmem_shared>> -> memref<128x128xf32, #tpu.memory_space<vmem_shared>>
      %dma_wait3A_116 = arith.constant 0 : i32
      %dma_wait3A_117 = tpu.memref_slice %arg15[%add3A_73, %dma_wait3A_116] : memref<10240x128xf32, #tpu.memory_space<vmem_shared>> -> memref<128x128xf32, #tpu.memory_space<vmem_shared>>
      tpu.wait_dma2 semaphore(%run_scoped3A_111 : memref<!tpu.dma_semaphore, #tpu.memory_space<semaphore_mem>>) src(%arg14 : memref<128x128xf32, #tpu.memory_space<vmem>>) dst(%dma_wait3A_117 : memref<128x128xf32, #tpu.memory_space<vmem_shared>>)
      tpu.yield
    }) : () -> ()
    %mul3A_74 = arith.constant 640 : i32
    %mul3A_75 = arith.muli %arg1, %mul3A_74 : i32
    %add3A_76 = arith.constant 0 : i32
    %add3A_77 = arith.addi %mul3A_75, %add3A_76 : i32
    %run_scoped3A = arith.constant 0 : i32
    "tpu.region"() ({
      %run_scoped3A_111 = tpu.sem_alloc : memref<!tpu.dma_semaphore, #tpu.memory_space<semaphore_mem>>
      %dma_start3A = arith.constant 0 : i32
      %dma_start3A_112 = tpu.memref_slice %arg11[%run_scoped3A, %dma_start3A] : memref<1x128xf32, #tpu.memory_space<vmem>> -> memref<1x128xf32, #tpu.memory_space<vmem>>
      %dma_start3A_113 = tpu.memref_squeeze %dma_start3A_112 : memref<1x128xf32, #tpu.memory_space<vmem>> -> memref<128xf32, #tpu.memory_space<vmem>>
      %dma_start3A_114 = tpu.memref_slice %arg16[%add3A_77] : memref<10240xf32, #tpu.memory_space<vmem_shared>> -> memref<128xf32, #tpu.memory_space<vmem_shared>>
      %dma_start3A_115 = tpu.memref_slice %arg16[%add3A_77] : memref<10240xf32, #tpu.memory_space<vmem_shared>> -> memref<128xf32, #tpu.memory_space<vmem_shared>>
      %dma_start3A_116 = arith.constant 0 : i32
      %dma_start3A_117 = tpu.memref_slice %arg11[%run_scoped3A, %dma_start3A_116] : memref<1x128xf32, #tpu.memory_space<vmem>> -> memref<1x128xf32, #tpu.memory_space<vmem>>
      %dma_start3A_118 = tpu.memref_squeeze %dma_start3A_117 : memref<1x128xf32, #tpu.memory_space<vmem>> -> memref<128xf32, #tpu.memory_space<vmem>>
      tpu.enqueue_dma source(%dma_start3A_118 : memref<128xf32, #tpu.memory_space<vmem>>) target(%dma_start3A_115 : memref<128xf32, #tpu.memory_space<vmem_shared>>) target_semaphore(%run_scoped3A_111 : memref<!tpu.dma_semaphore, #tpu.memory_space<semaphore_mem>>)
      %dma_wait3A = arith.constant 0 : i32
      %dma_wait3A_119 = tpu.memref_slice %arg11[%run_scoped3A, %dma_wait3A] : memref<1x128xf32, #tpu.memory_space<vmem>> -> memref<1x128xf32, #tpu.memory_space<vmem>>
      %dma_wait3A_120 = tpu.memref_squeeze %dma_wait3A_119 : memref<1x128xf32, #tpu.memory_space<vmem>> -> memref<128xf32, #tpu.memory_space<vmem>>
      %dma_wait3A_121 = tpu.memref_slice %arg16[%add3A_77] : memref<10240xf32, #tpu.memory_space<vmem_shared>> -> memref<128xf32, #tpu.memory_space<vmem_shared>>
      %dma_wait3A_122 = tpu.memref_slice %arg16[%add3A_77] : memref<10240xf32, #tpu.memory_space<vmem_shared>> -> memref<128xf32, #tpu.memory_space<vmem_shared>>
      %dma_wait3A_123 = arith.constant 0 : i32
      %dma_wait3A_124 = tpu.memref_slice %arg11[%run_scoped3A, %dma_wait3A_123] : memref<1x128xf32, #tpu.memory_space<vmem>> -> memref<1x128xf32, #tpu.memory_space<vmem>>
      %dma_wait3A_125 = tpu.memref_squeeze %dma_wait3A_124 : memref<1x128xf32, #tpu.memory_space<vmem>> -> memref<128xf32, #tpu.memory_space<vmem>>
      tpu.wait_dma2 semaphore(%run_scoped3A_111 : memref<!tpu.dma_semaphore, #tpu.memory_space<semaphore_mem>>) src(%dma_wait3A_125 : memref<128xf32, #tpu.memory_space<vmem>>) dst(%dma_wait3A_122 : memref<128xf32, #tpu.memory_space<vmem_shared>>)
      tpu.yield
    }) : () -> ()
    %mul3A_78 = arith.constant 640 : i32
    %mul3A_79 = arith.muli %arg1, %mul3A_78 : i32
    %add3A_80 = arith.constant 128 : i32
    %add3A_81 = arith.addi %mul3A_79, %add3A_80 : i32
    %run_scoped3A_82 = arith.constant 0 : i32
    "tpu.region"() ({
      %run_scoped3A_111 = tpu.sem_alloc : memref<!tpu.dma_semaphore, #tpu.memory_space<semaphore_mem>>
      %dma_start3A = arith.constant 0 : i32
      %dma_start3A_112 = tpu.memref_slice %arg11[%run_scoped3A_82, %dma_start3A] : memref<1x128xf32, #tpu.memory_space<vmem>> -> memref<1x128xf32, #tpu.memory_space<vmem>>
      %dma_start3A_113 = tpu.memref_squeeze %dma_start3A_112 : memref<1x128xf32, #tpu.memory_space<vmem>> -> memref<128xf32, #tpu.memory_space<vmem>>
      %dma_start3A_114 = tpu.memref_slice %arg16[%add3A_81] : memref<10240xf32, #tpu.memory_space<vmem_shared>> -> memref<128xf32, #tpu.memory_space<vmem_shared>>
      %dma_start3A_115 = tpu.memref_slice %arg16[%add3A_81] : memref<10240xf32, #tpu.memory_space<vmem_shared>> -> memref<128xf32, #tpu.memory_space<vmem_shared>>
      %dma_start3A_116 = arith.constant 0 : i32
      %dma_start3A_117 = tpu.memref_slice %arg11[%run_scoped3A_82, %dma_start3A_116] : memref<1x128xf32, #tpu.memory_space<vmem>> -> memref<1x128xf32, #tpu.memory_space<vmem>>
      %dma_start3A_118 = tpu.memref_squeeze %dma_start3A_117 : memref<1x128xf32, #tpu.memory_space<vmem>> -> memref<128xf32, #tpu.memory_space<vmem>>
      tpu.enqueue_dma source(%dma_start3A_118 : memref<128xf32, #tpu.memory_space<vmem>>) target(%dma_start3A_115 : memref<128xf32, #tpu.memory_space<vmem_shared>>) target_semaphore(%run_scoped3A_111 : memref<!tpu.dma_semaphore, #tpu.memory_space<semaphore_mem>>)
      %dma_wait3A = arith.constant 0 : i32
      %dma_wait3A_119 = tpu.memref_slice %arg11[%run_scoped3A_82, %dma_wait3A] : memref<1x128xf32, #tpu.memory_space<vmem>> -> memref<1x128xf32, #tpu.memory_space<vmem>>
      %dma_wait3A_120 = tpu.memref_squeeze %dma_wait3A_119 : memref<1x128xf32, #tpu.memory_space<vmem>> -> memref<128xf32, #tpu.memory_space<vmem>>
      %dma_wait3A_121 = tpu.memref_slice %arg16[%add3A_81] : memref<10240xf32, #tpu.memory_space<vmem_shared>> -> memref<128xf32, #tpu.memory_space<vmem_shared>>
      %dma_wait3A_122 = tpu.memref_slice %arg16[%add3A_81] : memref<10240xf32, #tpu.memory_space<vmem_shared>> -> memref<128xf32, #tpu.memory_space<vmem_shared>>
      %dma_wait3A_123 = arith.constant 0 : i32
      %dma_wait3A_124 = tpu.memref_slice %arg11[%run_scoped3A_82, %dma_wait3A_123] : memref<1x128xf32, #tpu.memory_space<vmem>> -> memref<1x128xf32, #tpu.memory_space<vmem>>
      %dma_wait3A_125 = tpu.memref_squeeze %dma_wait3A_124 : memref<1x128xf32, #tpu.memory_space<vmem>> -> memref<128xf32, #tpu.memory_space<vmem>>
      tpu.wait_dma2 semaphore(%run_scoped3A_111 : memref<!tpu.dma_semaphore, #tpu.memory_space<semaphore_mem>>) src(%dma_wait3A_125 : memref<128xf32, #tpu.memory_space<vmem>>) dst(%dma_wait3A_122 : memref<128xf32, #tpu.memory_space<vmem_shared>>)
      tpu.yield
    }) : () -> ()
    %mul3A_83 = arith.constant 640 : i32
    %mul3A_84 = arith.muli %arg1, %mul3A_83 : i32
    %add3A_85 = arith.constant 256 : i32
    %add3A_86 = arith.addi %mul3A_84, %add3A_85 : i32
    %run_scoped3A_87 = arith.constant 0 : i32
    "tpu.region"() ({
      %run_scoped3A_111 = tpu.sem_alloc : memref<!tpu.dma_semaphore, #tpu.memory_space<semaphore_mem>>
      %dma_start3A = arith.constant 0 : i32
      %dma_start3A_112 = tpu.memref_slice %arg11[%run_scoped3A_87, %dma_start3A] : memref<1x128xf32, #tpu.memory_space<vmem>> -> memref<1x128xf32, #tpu.memory_space<vmem>>
      %dma_start3A_113 = tpu.memref_squeeze %dma_start3A_112 : memref<1x128xf32, #tpu.memory_space<vmem>> -> memref<128xf32, #tpu.memory_space<vmem>>
      %dma_start3A_114 = tpu.memref_slice %arg16[%add3A_86] : memref<10240xf32, #tpu.memory_space<vmem_shared>> -> memref<128xf32, #tpu.memory_space<vmem_shared>>
      %dma_start3A_115 = tpu.memref_slice %arg16[%add3A_86] : memref<10240xf32, #tpu.memory_space<vmem_shared>> -> memref<128xf32, #tpu.memory_space<vmem_shared>>
      %dma_start3A_116 = arith.constant 0 : i32
      %dma_start3A_117 = tpu.memref_slice %arg11[%run_scoped3A_87, %dma_start3A_116] : memref<1x128xf32, #tpu.memory_space<vmem>> -> memref<1x128xf32, #tpu.memory_space<vmem>>
      %dma_start3A_118 = tpu.memref_squeeze %dma_start3A_117 : memref<1x128xf32, #tpu.memory_space<vmem>> -> memref<128xf32, #tpu.memory_space<vmem>>
      tpu.enqueue_dma source(%dma_start3A_118 : memref<128xf32, #tpu.memory_space<vmem>>) target(%dma_start3A_115 : memref<128xf32, #tpu.memory_space<vmem_shared>>) target_semaphore(%run_scoped3A_111 : memref<!tpu.dma_semaphore, #tpu.memory_space<semaphore_mem>>)
      %dma_wait3A = arith.constant 0 : i32
      %dma_wait3A_119 = tpu.memref_slice %arg11[%run_scoped3A_87, %dma_wait3A] : memref<1x128xf32, #tpu.memory_space<vmem>> -> memref<1x128xf32, #tpu.memory_space<vmem>>
      %dma_wait3A_120 = tpu.memref_squeeze %dma_wait3A_119 : memref<1x128xf32, #tpu.memory_space<vmem>> -> memref<128xf32, #tpu.memory_space<vmem>>
      %dma_wait3A_121 = tpu.memref_slice %arg16[%add3A_86] : memref<10240xf32, #tpu.memory_space<vmem_shared>> -> memref<128xf32, #tpu.memory_space<vmem_shared>>
      %dma_wait3A_122 = tpu.memref_slice %arg16[%add3A_86] : memref<10240xf32, #tpu.memory_space<vmem_shared>> -> memref<128xf32, #tpu.memory_space<vmem_shared>>
      %dma_wait3A_123 = arith.constant 0 : i32
      %dma_wait3A_124 = tpu.memref_slice %arg11[%run_scoped3A_87, %dma_wait3A_123] : memref<1x128xf32, #tpu.memory_space<vmem>> -> memref<1x128xf32, #tpu.memory_space<vmem>>
      %dma_wait3A_125 = tpu.memref_squeeze %dma_wait3A_124 : memref<1x128xf32, #tpu.memory_space<vmem>> -> memref<128xf32, #tpu.memory_space<vmem>>
      tpu.wait_dma2 semaphore(%run_scoped3A_111 : memref<!tpu.dma_semaphore, #tpu.memory_space<semaphore_mem>>) src(%dma_wait3A_125 : memref<128xf32, #tpu.memory_space<vmem>>) dst(%dma_wait3A_122 : memref<128xf32, #tpu.memory_space<vmem_shared>>)
      tpu.yield
    }) : () -> ()
    %mul3A_88 = arith.constant 640 : i32
    %mul3A_89 = arith.muli %arg1, %mul3A_88 : i32
    %add3A_90 = arith.constant 384 : i32
    %add3A_91 = arith.addi %mul3A_89, %add3A_90 : i32
    %run_scoped3A_92 = arith.constant 0 : i32
    "tpu.region"() ({
      %run_scoped3A_111 = tpu.sem_alloc : memref<!tpu.dma_semaphore, #tpu.memory_space<semaphore_mem>>
      %dma_start3A = arith.constant 0 : i32
      %dma_start3A_112 = tpu.memref_slice %arg11[%run_scoped3A_92, %dma_start3A] : memref<1x128xf32, #tpu.memory_space<vmem>> -> memref<1x128xf32, #tpu.memory_space<vmem>>
      %dma_start3A_113 = tpu.memref_squeeze %dma_start3A_112 : memref<1x128xf32, #tpu.memory_space<vmem>> -> memref<128xf32, #tpu.memory_space<vmem>>
      %dma_start3A_114 = tpu.memref_slice %arg16[%add3A_91] : memref<10240xf32, #tpu.memory_space<vmem_shared>> -> memref<128xf32, #tpu.memory_space<vmem_shared>>
      %dma_start3A_115 = tpu.memref_slice %arg16[%add3A_91] : memref<10240xf32, #tpu.memory_space<vmem_shared>> -> memref<128xf32, #tpu.memory_space<vmem_shared>>
      %dma_start3A_116 = arith.constant 0 : i32
      %dma_start3A_117 = tpu.memref_slice %arg11[%run_scoped3A_92, %dma_start3A_116] : memref<1x128xf32, #tpu.memory_space<vmem>> -> memref<1x128xf32, #tpu.memory_space<vmem>>
      %dma_start3A_118 = tpu.memref_squeeze %dma_start3A_117 : memref<1x128xf32, #tpu.memory_space<vmem>> -> memref<128xf32, #tpu.memory_space<vmem>>
      tpu.enqueue_dma source(%dma_start3A_118 : memref<128xf32, #tpu.memory_space<vmem>>) target(%dma_start3A_115 : memref<128xf32, #tpu.memory_space<vmem_shared>>) target_semaphore(%run_scoped3A_111 : memref<!tpu.dma_semaphore, #tpu.memory_space<semaphore_mem>>)
      %dma_wait3A = arith.constant 0 : i32
      %dma_wait3A_119 = tpu.memref_slice %arg11[%run_scoped3A_92, %dma_wait3A] : memref<1x128xf32, #tpu.memory_space<vmem>> -> memref<1x128xf32, #tpu.memory_space<vmem>>
      %dma_wait3A_120 = tpu.memref_squeeze %dma_wait3A_119 : memref<1x128xf32, #tpu.memory_space<vmem>> -> memref<128xf32, #tpu.memory_space<vmem>>
      %dma_wait3A_121 = tpu.memref_slice %arg16[%add3A_91] : memref<10240xf32, #tpu.memory_space<vmem_shared>> -> memref<128xf32, #tpu.memory_space<vmem_shared>>
      %dma_wait3A_122 = tpu.memref_slice %arg16[%add3A_91] : memref<10240xf32, #tpu.memory_space<vmem_shared>> -> memref<128xf32, #tpu.memory_space<vmem_shared>>
      %dma_wait3A_123 = arith.constant 0 : i32
      %dma_wait3A_124 = tpu.memref_slice %arg11[%run_scoped3A_92, %dma_wait3A_123] : memref<1x128xf32, #tpu.memory_space<vmem>> -> memref<1x128xf32, #tpu.memory_space<vmem>>
      %dma_wait3A_125 = tpu.memref_squeeze %dma_wait3A_124 : memref<1x128xf32, #tpu.memory_space<vmem>> -> memref<128xf32, #tpu.memory_space<vmem>>
      tpu.wait_dma2 semaphore(%run_scoped3A_111 : memref<!tpu.dma_semaphore, #tpu.memory_space<semaphore_mem>>) src(%dma_wait3A_125 : memref<128xf32, #tpu.memory_space<vmem>>) dst(%dma_wait3A_122 : memref<128xf32, #tpu.memory_space<vmem_shared>>)
      tpu.yield
    }) : () -> ()
    %mul3A_93 = arith.constant 640 : i32
    %mul3A_94 = arith.muli %arg1, %mul3A_93 : i32
    %add3A_95 = arith.constant 512 : i32
    %add3A_96 = arith.addi %mul3A_94, %add3A_95 : i32
    %run_scoped3A_97 = arith.constant 0 : i32
    "tpu.region"() ({
      %run_scoped3A_111 = tpu.sem_alloc : memref<!tpu.dma_semaphore, #tpu.memory_space<semaphore_mem>>
      %dma_start3A = arith.constant 0 : i32
      %dma_start3A_112 = tpu.memref_slice %arg11[%run_scoped3A_97, %dma_start3A] : memref<1x128xf32, #tpu.memory_space<vmem>> -> memref<1x128xf32, #tpu.memory_space<vmem>>
      %dma_start3A_113 = tpu.memref_squeeze %dma_start3A_112 : memref<1x128xf32, #tpu.memory_space<vmem>> -> memref<128xf32, #tpu.memory_space<vmem>>
      %dma_start3A_114 = tpu.memref_slice %arg16[%add3A_96] : memref<10240xf32, #tpu.memory_space<vmem_shared>> -> memref<128xf32, #tpu.memory_space<vmem_shared>>
      %dma_start3A_115 = tpu.memref_slice %arg16[%add3A_96] : memref<10240xf32, #tpu.memory_space<vmem_shared>> -> memref<128xf32, #tpu.memory_space<vmem_shared>>
      %dma_start3A_116 = arith.constant 0 : i32
      %dma_start3A_117 = tpu.memref_slice %arg11[%run_scoped3A_97, %dma_start3A_116] : memref<1x128xf32, #tpu.memory_space<vmem>> -> memref<1x128xf32, #tpu.memory_space<vmem>>
      %dma_start3A_118 = tpu.memref_squeeze %dma_start3A_117 : memref<1x128xf32, #tpu.memory_space<vmem>> -> memref<128xf32, #tpu.memory_space<vmem>>
      tpu.enqueue_dma source(%dma_start3A_118 : memref<128xf32, #tpu.memory_space<vmem>>) target(%dma_start3A_115 : memref<128xf32, #tpu.memory_space<vmem_shared>>) target_semaphore(%run_scoped3A_111 : memref<!tpu.dma_semaphore, #tpu.memory_space<semaphore_mem>>)
      %dma_wait3A = arith.constant 0 : i32
      %dma_wait3A_119 = tpu.memref_slice %arg11[%run_scoped3A_97, %dma_wait3A] : memref<1x128xf32, #tpu.memory_space<vmem>> -> memref<1x128xf32, #tpu.memory_space<vmem>>
      %dma_wait3A_120 = tpu.memref_squeeze %dma_wait3A_119 : memref<1x128xf32, #tpu.memory_space<vmem>> -> memref<128xf32, #tpu.memory_space<vmem>>
      %dma_wait3A_121 = tpu.memref_slice %arg16[%add3A_96] : memref<10240xf32, #tpu.memory_space<vmem_shared>> -> memref<128xf32, #tpu.memory_space<vmem_shared>>
      %dma_wait3A_122 = tpu.memref_slice %arg16[%add3A_96] : memref<10240xf32, #tpu.memory_space<vmem_shared>> -> memref<128xf32, #tpu.memory_space<vmem_shared>>
      %dma_wait3A_123 = arith.constant 0 : i32
      %dma_wait3A_124 = tpu.memref_slice %arg11[%run_scoped3A_97, %dma_wait3A_123] : memref<1x128xf32, #tpu.memory_space<vmem>> -> memref<1x128xf32, #tpu.memory_space<vmem>>
      %dma_wait3A_125 = tpu.memref_squeeze %dma_wait3A_124 : memref<1x128xf32, #tpu.memory_space<vmem>> -> memref<128xf32, #tpu.memory_space<vmem>>
      tpu.wait_dma2 semaphore(%run_scoped3A_111 : memref<!tpu.dma_semaphore, #tpu.memory_space<semaphore_mem>>) src(%dma_wait3A_125 : memref<128xf32, #tpu.memory_space<vmem>>) dst(%dma_wait3A_122 : memref<128xf32, #tpu.memory_space<vmem_shared>>)
      tpu.yield
    }) : () -> ()
    %barrier3A = arith.constant 0 : index
    tpu.barrier barrier_id(%barrier3A)
    %scan3A_98 = arith.constant 0 : i32
    %scan3A_99 = arith.constant 0 : i32
    %scan3A_100 = arith.constant 81 : i32
    %scan3A_101 = arith.addi %scan3A_99, %scan3A_100 : i32
    %scan3A_102 = arith.constant 1 : i32
    scf.for %scan3A_111 = %scan3A_99 to %scan3A_101 step %scan3A_102  : i32 {
      "tpu.region"() ({
        %run_scoped3A_387 = tpu.sem_alloc : memref<!tpu.dma_semaphore, #tpu.memory_space<semaphore_mem>>
        %dma_start3A_388 = arith.constant 0 : i32
        %dma_start3A_389 = arith.constant 0 : i32
        %dma_start3A_390 = tpu.memref_slice %arg2[%add3A, %scan3A_111, %dma_start3A_388, %dma_start3A_389] : memref<32x81x1x128xi32, #tpu.memory_space<hbm>> -> memref<1x1x1x128xi32, #tpu.memory_space<hbm>>
        %dma_start3A_391 = tpu.memref_squeeze %dma_start3A_390 : memref<1x1x1x128xi32, #tpu.memory_space<hbm>> -> memref<1x128xi32, #tpu.memory_space<hbm>>
        %dma_start3A_392 = arith.constant 0 : i32
        %dma_start3A_393 = arith.constant 0 : i32
        %dma_start3A_394 = tpu.memref_slice %arg2[%add3A, %scan3A_111, %dma_start3A_392, %dma_start3A_393] : memref<32x81x1x128xi32, #tpu.memory_space<hbm>> -> memref<1x1x1x128xi32, #tpu.memory_space<hbm>>
        %dma_start3A_395 = tpu.memref_squeeze %dma_start3A_394 : memref<1x1x1x128xi32, #tpu.memory_space<hbm>> -> memref<1x128xi32, #tpu.memory_space<hbm>>
        tpu.enqueue_dma source(%dma_start3A_395 : memref<1x128xi32, #tpu.memory_space<hbm>>) target(%arg9 : memref<1x128xi32, #tpu.memory_space<vmem>>) target_semaphore(%run_scoped3A_387 : memref<!tpu.dma_semaphore, #tpu.memory_space<semaphore_mem>>)
        %dma_wait3A_396 = arith.constant 0 : i32
        %dma_wait3A_397 = arith.constant 0 : i32
        %dma_wait3A_398 = tpu.memref_slice %arg2[%add3A, %scan3A_111, %dma_wait3A_396, %dma_wait3A_397] : memref<32x81x1x128xi32, #tpu.memory_space<hbm>> -> memref<1x1x1x128xi32, #tpu.memory_space<hbm>>
        %dma_wait3A_399 = tpu.memref_squeeze %dma_wait3A_398 : memref<1x1x1x128xi32, #tpu.memory_space<hbm>> -> memref<1x128xi32, #tpu.memory_space<hbm>>
        %dma_wait3A_400 = arith.constant 0 : i32
        %dma_wait3A_401 = arith.constant 0 : i32
        %dma_wait3A_402 = tpu.memref_slice %arg2[%add3A, %scan3A_111, %dma_wait3A_400, %dma_wait3A_401] : memref<32x81x1x128xi32, #tpu.memory_space<hbm>> -> memref<1x1x1x128xi32, #tpu.memory_space<hbm>>
        %dma_wait3A_403 = tpu.memref_squeeze %dma_wait3A_402 : memref<1x1x1x128xi32, #tpu.memory_space<hbm>> -> memref<1x128xi32, #tpu.memory_space<hbm>>
        tpu.wait_dma2 semaphore(%run_scoped3A_387 : memref<!tpu.dma_semaphore, #tpu.memory_space<semaphore_mem>>) src(%dma_wait3A_403 : memref<1x128xi32, #tpu.memory_space<hbm>>) dst(%arg9 : memref<1x128xi32, #tpu.memory_space<vmem>>)
        tpu.yield
      }) : () -> ()
      "tpu.region"() ({
        %run_scoped3A_387 = tpu.sem_alloc : memref<!tpu.dma_semaphore, #tpu.memory_space<semaphore_mem>>
        %dma_start3A_388 = arith.constant 0 : i32
        %dma_start3A_389 = arith.constant 0 : i32
        %dma_start3A_390 = tpu.memref_slice %arg3[%add3A, %scan3A_111, %dma_start3A_388, %dma_start3A_389] : memref<32x81x1x128xi32, #tpu.memory_space<hbm>> -> memref<1x1x1x128xi32, #tpu.memory_space<hbm>>
        %dma_start3A_391 = tpu.memref_squeeze %dma_start3A_390 : memref<1x1x1x128xi32, #tpu.memory_space<hbm>> -> memref<1x128xi32, #tpu.memory_space<hbm>>
        %dma_start3A_392 = arith.constant 0 : i32
        %dma_start3A_393 = arith.constant 0 : i32
        %dma_start3A_394 = tpu.memref_slice %arg3[%add3A, %scan3A_111, %dma_start3A_392, %dma_start3A_393] : memref<32x81x1x128xi32, #tpu.memory_space<hbm>> -> memref<1x1x1x128xi32, #tpu.memory_space<hbm>>
        %dma_start3A_395 = tpu.memref_squeeze %dma_start3A_394 : memref<1x1x1x128xi32, #tpu.memory_space<hbm>> -> memref<1x128xi32, #tpu.memory_space<hbm>>
        tpu.enqueue_dma source(%dma_start3A_395 : memref<1x128xi32, #tpu.memory_space<hbm>>) target(%arg10 : memref<1x128xi32, #tpu.memory_space<vmem>>) target_semaphore(%run_scoped3A_387 : memref<!tpu.dma_semaphore, #tpu.memory_space<semaphore_mem>>)
        %dma_wait3A_396 = arith.constant 0 : i32
        %dma_wait3A_397 = arith.constant 0 : i32
        %dma_wait3A_398 = tpu.memref_slice %arg3[%add3A, %scan3A_111, %dma_wait3A_396, %dma_wait3A_397] : memref<32x81x1x128xi32, #tpu.memory_space<hbm>> -> memref<1x1x1x128xi32, #tpu.memory_space<hbm>>
        %dma_wait3A_399 = tpu.memref_squeeze %dma_wait3A_398 : memref<1x1x1x128xi32, #tpu.memory_space<hbm>> -> memref<1x128xi32, #tpu.memory_space<hbm>>
        %dma_wait3A_400 = arith.constant 0 : i32
        %dma_wait3A_401 = arith.constant 0 : i32
        %dma_wait3A_402 = tpu.memref_slice %arg3[%add3A, %scan3A_111, %dma_wait3A_400, %dma_wait3A_401] : memref<32x81x1x128xi32, #tpu.memory_space<hbm>> -> memref<1x1x1x128xi32, #tpu.memory_space<hbm>>
        %dma_wait3A_403 = tpu.memref_squeeze %dma_wait3A_402 : memref<1x1x1x128xi32, #tpu.memory_space<hbm>> -> memref<1x128xi32, #tpu.memory_space<hbm>>
        tpu.wait_dma2 semaphore(%run_scoped3A_387 : memref<!tpu.dma_semaphore, #tpu.memory_space<semaphore_mem>>) src(%dma_wait3A_403 : memref<1x128xi32, #tpu.memory_space<hbm>>) dst(%arg10 : memref<1x128xi32, #tpu.memory_space<vmem>>)
        tpu.yield
      }) : () -> ()
      %dma_start3A = arith.constant 0 : i32
      %dma_start3A_112 = arith.constant 0 : i32
      %dma_start3A_113 = tpu.memref_slice %arg9[%dma_start3A, %dma_start3A_112] : memref<1x128xi32, #tpu.memory_space<vmem>> -> memref<1x128xi32, #tpu.memory_space<vmem>>
      %dma_start3A_114 = tpu.memref_squeeze %dma_start3A_113 : memref<1x128xi32, #tpu.memory_space<vmem>> -> memref<128xi32, #tpu.memory_space<vmem>>
      %dma_start3A_115 = arith.constant 0 : i32
      %dma_start3A_116 = arith.constant 0 : i32
      %dma_start3A_117 = tpu.memref_slice %arg6[%dma_start3A_115, %dma_start3A_116] : memref<10000x128xf32, #tpu.memory_space<hbm>> -> memref<10000x128xf32, #tpu.memory_space<hbm>>
      tpu.enqueue_indirect_dma source(%dma_start3A_117 : memref<10000x128xf32, #tpu.memory_space<hbm>>) target(%arg14 : memref<128x128xf32, #tpu.memory_space<vmem>>) offsets(%dma_start3A_114 : memref<128xi32, #tpu.memory_space<vmem>>) semaphore(%arg17 : memref<!tpu.dma_semaphore, #tpu.memory_space<semaphore_mem>>)
      %dma_start3A_118 = arith.constant 0 : i32
      %dma_start3A_119 = arith.constant 0 : i32
      %dma_start3A_120 = tpu.memref_slice %arg9[%dma_start3A_118, %dma_start3A_119] : memref<1x128xi32, #tpu.memory_space<vmem>> -> memref<1x128xi32, #tpu.memory_space<vmem>>
      %dma_start3A_121 = tpu.memref_squeeze %dma_start3A_120 : memref<1x128xi32, #tpu.memory_space<vmem>> -> memref<128xi32, #tpu.memory_space<vmem>>
      %dma_start3A_122 = arith.constant 0 : i32
      %dma_start3A_123 = tpu.memref_slice %arg4[%dma_start3A_122] : memref<10000xf32, #tpu.memory_space<hbm>> -> memref<10000xf32, #tpu.memory_space<hbm>>
      tpu.enqueue_indirect_dma source(%dma_start3A_123 : memref<10000xf32, #tpu.memory_space<hbm>>) target(%arg12 : memref<128xf32, #tpu.memory_space<vmem>>) offsets(%dma_start3A_121 : memref<128xi32, #tpu.memory_space<vmem>>) semaphore(%arg18 : memref<!tpu.dma_semaphore, #tpu.memory_space<semaphore_mem>>)
      %dma_start3A_124 = arith.constant 0 : i32
      %dma_start3A_125 = arith.constant 0 : i32
      %dma_start3A_126 = tpu.memref_slice %arg10[%dma_start3A_124, %dma_start3A_125] : memref<1x128xi32, #tpu.memory_space<vmem>> -> memref<1x128xi32, #tpu.memory_space<vmem>>
      %dma_start3A_127 = tpu.memref_squeeze %dma_start3A_126 : memref<1x128xi32, #tpu.memory_space<vmem>> -> memref<128xi32, #tpu.memory_space<vmem>>
      %dma_start3A_128 = arith.constant 0 : i32
      %dma_start3A_129 = tpu.memref_slice %arg5[%dma_start3A_128] : memref<10000xf32, #tpu.memory_space<hbm>> -> memref<10000xf32, #tpu.memory_space<hbm>>
      tpu.enqueue_indirect_dma source(%dma_start3A_129 : memref<10000xf32, #tpu.memory_space<hbm>>) target(%arg13 : memref<128xf32, #tpu.memory_space<vmem>>) offsets(%dma_start3A_127 : memref<128xi32, #tpu.memory_space<vmem>>) semaphore(%arg19 : memref<!tpu.dma_semaphore, #tpu.memory_space<semaphore_mem>>)
      %dma_wait3A = arith.constant 0 : i32
      %dma_wait3A_130 = arith.constant 0 : i32
      %dma_wait3A_131 = tpu.memref_slice %arg9[%dma_wait3A, %dma_wait3A_130] : memref<1x128xi32, #tpu.memory_space<vmem>> -> memref<1x128xi32, #tpu.memory_space<vmem>>
      %dma_wait3A_132 = tpu.memref_squeeze %dma_wait3A_131 : memref<1x128xi32, #tpu.memory_space<vmem>> -> memref<128xi32, #tpu.memory_space<vmem>>
      %dma_wait3A_133 = arith.constant 0 : i32
      %dma_wait3A_134 = tpu.memref_slice %arg4[%dma_wait3A_133] : memref<10000xf32, #tpu.memory_space<hbm>> -> memref<10000xf32, #tpu.memory_space<hbm>>
      tpu.wait_indirect_dma semaphore(%arg18 : memref<!tpu.dma_semaphore, #tpu.memory_space<semaphore_mem>>) src(%dma_wait3A_134 : memref<10000xf32, #tpu.memory_space<hbm>>) dst(%arg12 : memref<128xf32, #tpu.memory_space<vmem>>)
      %dma_wait3A_135 = arith.constant 0 : i32
      %dma_wait3A_136 = arith.constant 0 : i32
      %dma_wait3A_137 = tpu.memref_slice %arg10[%dma_wait3A_135, %dma_wait3A_136] : memref<1x128xi32, #tpu.memory_space<vmem>> -> memref<1x128xi32, #tpu.memory_space<vmem>>
      %dma_wait3A_138 = tpu.memref_squeeze %dma_wait3A_137 : memref<1x128xi32, #tpu.memory_space<vmem>> -> memref<128xi32, #tpu.memory_space<vmem>>
      %dma_wait3A_139 = arith.constant 0 : i32
      %dma_wait3A_140 = tpu.memref_slice %arg5[%dma_wait3A_139] : memref<10000xf32, #tpu.memory_space<hbm>> -> memref<10000xf32, #tpu.memory_space<hbm>>
      tpu.wait_indirect_dma semaphore(%arg19 : memref<!tpu.dma_semaphore, #tpu.memory_space<semaphore_mem>>) src(%dma_wait3A_140 : memref<10000xf32, #tpu.memory_space<hbm>>) dst(%arg13 : memref<128xf32, #tpu.memory_space<vmem>>)
      %mul3A_141 = arith.constant 10368 : i32
      %mul3A_142 = arith.muli %add3A, %mul3A_141 : i32
      %mul3A_143 = arith.constant 128 : i32
      %mul3A_144 = arith.muli %scan3A_111, %mul3A_143 : i32
      %add3A_145 = arith.addi %mul3A_142, %mul3A_144 : i32
      %get3A = arith.constant 0 : index
      %get3A_146 = tpu.vector_load %arg12[%get3A] {strides = array<i32>} : memref<128xf32, #tpu.memory_space<vmem>>, vector<16xf32>,
      %get3A_147 = vector.shape_cast %get3A_146 : vector<16xf32> to vector<16xf32>
      %get3A_148 = arith.constant 0 : index
      %get3A_149 = tpu.vector_load %arg13[%get3A_148] {strides = array<i32>} : memref<128xf32, #tpu.memory_space<vmem>>, vector<16xf32>,
      %get3A_150 = vector.shape_cast %get3A_149 : vector<16xf32> to vector<16xf32>
      %add3A_151 = arith.addf %get3A_147, %get3A_150 : vector<16xf32>
      %mul3A_152 = arith.constant 2.000000e-01 : f32
      %mul3A_153 = vector.broadcast %mul3A_152 : f32 to vector<16xf32>
      %mul3A_154 = arith.mulf %mul3A_153, %add3A_151 : vector<16xf32>
      %max3A = arith.maximumf %add3A_151, %mul3A_154 : vector<16xf32>
      %exp3A = math.exp %max3A : vector<16xf32>
      %add3A_155 = arith.constant 0 : i32
      %add3A_156 = arith.addi %add3A_145, %add3A_155 : i32
      %iota3A = tpu.iota {dimensions = array<i32: 0>} : vector<16xi32>
      %add3A_157 = vector.broadcast %add3A_156 : i32 to vector<16xi32>
      %add3A_158 = arith.addi %add3A_157, %iota3A : vector<16xi32>
      %lt3A = arith.constant 330000 : i32
      %lt3A_159 = vector.broadcast %lt3A : i32 to vector<16xi32>
      %lt3A_160 = arith.cmpi slt, %add3A_158, %lt3A_159 : vector<16xi32>
      %jit3A = arith.constant 0.000000e+00 : f32
      %broadcast_in_dim3A_161 = vector.broadcast %jit3A : f32 to vector<16xf32>
      %select_n3A = arith.select %lt3A_160, %exp3A, %broadcast_in_dim3A_161 : vector<16xi1>, vector<16xf32>
      %swap3A_162 = arith.constant 0 : i32
      %swap3A_163 = arith.index_cast %swap3A_162 : i32 to index
      %swap3A_164 = arith.constant 0 : index
      %swap3A_165 = tpu.vector_load %arg11[%swap3A_163, %swap3A_164] {strides = array<i32>} : memref<1x128xf32, #tpu.memory_space<vmem>>, vector<1x16xf32>,
      %swap3A_166 = vector.shape_cast %swap3A_165 : vector<1x16xf32> to vector<16xf32>
      %swap3A_167 = vector.shape_cast %select_n3A : vector<16xf32> to vector<1x16xf32>
      tpu.vector_store %arg11[%swap3A_163, %swap3A_164], %swap3A_167 {strides = array<i32>} : memref<1x128xf32, #tpu.memory_space<vmem>>, vector<1x16xf32>,
      %get3A_168 = arith.constant 16 : index
      %get3A_169 = tpu.vector_load %arg12[%get3A_168] {strides = array<i32>} : memref<128xf32, #tpu.memory_space<vmem>>, vector<16xf32>,
      %get3A_170 = vector.shape_cast %get3A_169 : vector<16xf32> to vector<16xf32>
      %get3A_171 = arith.constant 16 : index
      %get3A_172 = tpu.vector_load %arg13[%get3A_171] {strides = array<i32>} : memref<128xf32, #tpu.memory_space<vmem>>, vector<16xf32>,
      %get3A_173 = vector.shape_cast %get3A_172 : vector<16xf32> to vector<16xf32>
      %add3A_174 = arith.addf %get3A_170, %get3A_173 : vector<16xf32>
      %mul3A_175 = arith.constant 2.000000e-01 : f32
      %mul3A_176 = vector.broadcast %mul3A_175 : f32 to vector<16xf32>
      %mul3A_177 = arith.mulf %mul3A_176, %add3A_174 : vector<16xf32>
      %max3A_178 = arith.maximumf %add3A_174, %mul3A_177 : vector<16xf32>
      %exp3A_179 = math.exp %max3A_178 : vector<16xf32>
      %add3A_180 = arith.constant 16 : i32
      %add3A_181 = arith.addi %add3A_145, %add3A_180 : i32
      %iota3A_182 = tpu.iota {dimensions = array<i32: 0>} : vector<16xi32>
      %add3A_183 = vector.broadcast %add3A_181 : i32 to vector<16xi32>
      %add3A_184 = arith.addi %add3A_183, %iota3A_182 : vector<16xi32>
      %lt3A_185 = arith.constant 330000 : i32
      %lt3A_186 = vector.broadcast %lt3A_185 : i32 to vector<16xi32>
      %lt3A_187 = arith.cmpi slt, %add3A_184, %lt3A_186 : vector<16xi32>
      %jit3A_188 = arith.constant 0.000000e+00 : f32
      %broadcast_in_dim3A_189 = vector.broadcast %jit3A_188 : f32 to vector<16xf32>
      %select_n3A_190 = arith.select %lt3A_187, %exp3A_179, %broadcast_in_dim3A_189 : vector<16xi1>, vector<16xf32>
      %swap3A_191 = arith.constant 0 : i32
      %swap3A_192 = arith.index_cast %swap3A_191 : i32 to index
      %swap3A_193 = arith.constant 16 : index
      %swap3A_194 = tpu.vector_load %arg11[%swap3A_192, %swap3A_193] {strides = array<i32>} : memref<1x128xf32, #tpu.memory_space<vmem>>, vector<1x16xf32>,
      %swap3A_195 = vector.shape_cast %swap3A_194 : vector<1x16xf32> to vector<16xf32>
      %swap3A_196 = vector.shape_cast %select_n3A_190 : vector<16xf32> to vector<1x16xf32>
      tpu.vector_store %arg11[%swap3A_192, %swap3A_193], %swap3A_196 {strides = array<i32>} : memref<1x128xf32, #tpu.memory_space<vmem>>, vector<1x16xf32>,
      %get3A_197 = arith.constant 32 : index
      %get3A_198 = tpu.vector_load %arg12[%get3A_197] {strides = array<i32>} : memref<128xf32, #tpu.memory_space<vmem>>, vector<16xf32>,
      %get3A_199 = vector.shape_cast %get3A_198 : vector<16xf32> to vector<16xf32>
      %get3A_200 = arith.constant 32 : index
      %get3A_201 = tpu.vector_load %arg13[%get3A_200] {strides = array<i32>} : memref<128xf32, #tpu.memory_space<vmem>>, vector<16xf32>,
      %get3A_202 = vector.shape_cast %get3A_201 : vector<16xf32> to vector<16xf32>
      %add3A_203 = arith.addf %get3A_199, %get3A_202 : vector<16xf32>
      %mul3A_204 = arith.constant 2.000000e-01 : f32
      %mul3A_205 = vector.broadcast %mul3A_204 : f32 to vector<16xf32>
      %mul3A_206 = arith.mulf %mul3A_205, %add3A_203 : vector<16xf32>
      %max3A_207 = arith.maximumf %add3A_203, %mul3A_206 : vector<16xf32>
      %exp3A_208 = math.exp %max3A_207 : vector<16xf32>
      %add3A_209 = arith.constant 32 : i32
      %add3A_210 = arith.addi %add3A_145, %add3A_209 : i32
      %iota3A_211 = tpu.iota {dimensions = array<i32: 0>} : vector<16xi32>
      %add3A_212 = vector.broadcast %add3A_210 : i32 to vector<16xi32>
      %add3A_213 = arith.addi %add3A_212, %iota3A_211 : vector<16xi32>
      %lt3A_214 = arith.constant 330000 : i32
      %lt3A_215 = vector.broadcast %lt3A_214 : i32 to vector<16xi32>
      %lt3A_216 = arith.cmpi slt, %add3A_213, %lt3A_215 : vector<16xi32>
      %jit3A_217 = arith.constant 0.000000e+00 : f32
      %broadcast_in_dim3A_218 = vector.broadcast %jit3A_217 : f32 to vector<16xf32>
      %select_n3A_219 = arith.select %lt3A_216, %exp3A_208, %broadcast_in_dim3A_218 : vector<16xi1>, vector<16xf32>
      %swap3A_220 = arith.constant 0 : i32
      %swap3A_221 = arith.index_cast %swap3A_220 : i32 to index
      %swap3A_222 = arith.constant 32 : index
      %swap3A_223 = tpu.vector_load %arg11[%swap3A_221, %swap3A_222] {strides = array<i32>} : memref<1x128xf32, #tpu.memory_space<vmem>>, vector<1x16xf32>,
      %swap3A_224 = vector.shape_cast %swap3A_223 : vector<1x16xf32> to vector<16xf32>
      %swap3A_225 = vector.shape_cast %select_n3A_219 : vector<16xf32> to vector<1x16xf32>
      tpu.vector_store %arg11[%swap3A_221, %swap3A_222], %swap3A_225 {strides = array<i32>} : memref<1x128xf32, #tpu.memory_space<vmem>>, vector<1x16xf32>,
      %get3A_226 = arith.constant 48 : index
      %get3A_227 = tpu.vector_load %arg12[%get3A_226] {strides = array<i32>} : memref<128xf32, #tpu.memory_space<vmem>>, vector<16xf32>,
      %get3A_228 = vector.shape_cast %get3A_227 : vector<16xf32> to vector<16xf32>
      %get3A_229 = arith.constant 48 : index
      %get3A_230 = tpu.vector_load %arg13[%get3A_229] {strides = array<i32>} : memref<128xf32, #tpu.memory_space<vmem>>, vector<16xf32>,
      %get3A_231 = vector.shape_cast %get3A_230 : vector<16xf32> to vector<16xf32>
      %add3A_232 = arith.addf %get3A_228, %get3A_231 : vector<16xf32>
      %mul3A_233 = arith.constant 2.000000e-01 : f32
      %mul3A_234 = vector.broadcast %mul3A_233 : f32 to vector<16xf32>
      %mul3A_235 = arith.mulf %mul3A_234, %add3A_232 : vector<16xf32>
      %max3A_236 = arith.maximumf %add3A_232, %mul3A_235 : vector<16xf32>
      %exp3A_237 = math.exp %max3A_236 : vector<16xf32>
      %add3A_238 = arith.constant 48 : i32
      %add3A_239 = arith.addi %add3A_145, %add3A_238 : i32
      %iota3A_240 = tpu.iota {dimensions = array<i32: 0>} : vector<16xi32>
      %add3A_241 = vector.broadcast %add3A_239 : i32 to vector<16xi32>
      %add3A_242 = arith.addi %add3A_241, %iota3A_240 : vector<16xi32>
      %lt3A_243 = arith.constant 330000 : i32
      %lt3A_244 = vector.broadcast %lt3A_243 : i32 to vector<16xi32>
      %lt3A_245 = arith.cmpi slt, %add3A_242, %lt3A_244 : vector<16xi32>
      %jit3A_246 = arith.constant 0.000000e+00 : f32
      %broadcast_in_dim3A_247 = vector.broadcast %jit3A_246 : f32 to vector<16xf32>
      %select_n3A_248 = arith.select %lt3A_245, %exp3A_237, %broadcast_in_dim3A_247 : vector<16xi1>, vector<16xf32>
      %swap3A_249 = arith.constant 0 : i32
      %swap3A_250 = arith.index_cast %swap3A_249 : i32 to index
      %swap3A_251 = arith.constant 48 : index
      %swap3A_252 = tpu.vector_load %arg11[%swap3A_250, %swap3A_251] {strides = array<i32>} : memref<1x128xf32, #tpu.memory_space<vmem>>, vector<1x16xf32>,
      %swap3A_253 = vector.shape_cast %swap3A_252 : vector<1x16xf32> to vector<16xf32>
      %swap3A_254 = vector.shape_cast %select_n3A_248 : vector<16xf32> to vector<1x16xf32>
      tpu.vector_store %arg11[%swap3A_250, %swap3A_251], %swap3A_254 {strides = array<i32>} : memref<1x128xf32, #tpu.memory_space<vmem>>, vector<1x16xf32>,
      %get3A_255 = arith.constant 64 : index
      %get3A_256 = tpu.vector_load %arg12[%get3A_255] {strides = array<i32>} : memref<128xf32, #tpu.memory_space<vmem>>, vector<16xf32>,
      %get3A_257 = vector.shape_cast %get3A_256 : vector<16xf32> to vector<16xf32>
      %get3A_258 = arith.constant 64 : index
      %get3A_259 = tpu.vector_load %arg13[%get3A_258] {strides = array<i32>} : memref<128xf32, #tpu.memory_space<vmem>>, vector<16xf32>,
      %get3A_260 = vector.shape_cast %get3A_259 : vector<16xf32> to vector<16xf32>
      %add3A_261 = arith.addf %get3A_257, %get3A_260 : vector<16xf32>
      %mul3A_262 = arith.constant 2.000000e-01 : f32
      %mul3A_263 = vector.broadcast %mul3A_262 : f32 to vector<16xf32>
      %mul3A_264 = arith.mulf %mul3A_263, %add3A_261 : vector<16xf32>
      %max3A_265 = arith.maximumf %add3A_261, %mul3A_264 : vector<16xf32>
      %exp3A_266 = math.exp %max3A_265 : vector<16xf32>
      %add3A_267 = arith.constant 64 : i32
      %add3A_268 = arith.addi %add3A_145, %add3A_267 : i32
      %iota3A_269 = tpu.iota {dimensions = array<i32: 0>} : vector<16xi32>
      %add3A_270 = vector.broadcast %add3A_268 : i32 to vector<16xi32>
      %add3A_271 = arith.addi %add3A_270, %iota3A_269 : vector<16xi32>
      %lt3A_272 = arith.constant 330000 : i32
      %lt3A_273 = vector.broadcast %lt3A_272 : i32 to vector<16xi32>
      %lt3A_274 = arith.cmpi slt, %add3A_271, %lt3A_273 : vector<16xi32>
      %jit3A_275 = arith.constant 0.000000e+00 : f32
      %broadcast_in_dim3A_276 = vector.broadcast %jit3A_275 : f32 to vector<16xf32>
      %select_n3A_277 = arith.select %lt3A_274, %exp3A_266, %broadcast_in_dim3A_276 : vector<16xi1>, vector<16xf32>
      %swap3A_278 = arith.constant 0 : i32
      %swap3A_279 = arith.index_cast %swap3A_278 : i32 to index
      %swap3A_280 = arith.constant 64 : index
      %swap3A_281 = tpu.vector_load %arg11[%swap3A_279, %swap3A_280] {strides = array<i32>} : memref<1x128xf32, #tpu.memory_space<vmem>>, vector<1x16xf32>,
      %swap3A_282 = vector.shape_cast %swap3A_281 : vector<1x16xf32> to vector<16xf32>
      %swap3A_283 = vector.shape_cast %select_n3A_277 : vector<16xf32> to vector<1x16xf32>
      tpu.vector_store %arg11[%swap3A_279, %swap3A_280], %swap3A_283 {strides = array<i32>} : memref<1x128xf32, #tpu.memory_space<vmem>>, vector<1x16xf32>,
      %get3A_284 = arith.constant 80 : index
      %get3A_285 = tpu.vector_load %arg12[%get3A_284] {strides = array<i32>} : memref<128xf32, #tpu.memory_space<vmem>>, vector<16xf32>,
      %get3A_286 = vector.shape_cast %get3A_285 : vector<16xf32> to vector<16xf32>
      %get3A_287 = arith.constant 80 : index
      %get3A_288 = tpu.vector_load %arg13[%get3A_287] {strides = array<i32>} : memref<128xf32, #tpu.memory_space<vmem>>, vector<16xf32>,
      %get3A_289 = vector.shape_cast %get3A_288 : vector<16xf32> to vector<16xf32>
      %add3A_290 = arith.addf %get3A_286, %get3A_289 : vector<16xf32>
      %mul3A_291 = arith.constant 2.000000e-01 : f32
      %mul3A_292 = vector.broadcast %mul3A_291 : f32 to vector<16xf32>
      %mul3A_293 = arith.mulf %mul3A_292, %add3A_290 : vector<16xf32>
      %max3A_294 = arith.maximumf %add3A_290, %mul3A_293 : vector<16xf32>
      %exp3A_295 = math.exp %max3A_294 : vector<16xf32>
      %add3A_296 = arith.constant 80 : i32
      %add3A_297 = arith.addi %add3A_145, %add3A_296 : i32
      %iota3A_298 = tpu.iota {dimensions = array<i32: 0>} : vector<16xi32>
      %add3A_299 = vector.broadcast %add3A_297 : i32 to vector<16xi32>
      %add3A_300 = arith.addi %add3A_299, %iota3A_298 : vector<16xi32>
      %lt3A_301 = arith.constant 330000 : i32
      %lt3A_302 = vector.broadcast %lt3A_301 : i32 to vector<16xi32>
      %lt3A_303 = arith.cmpi slt, %add3A_300, %lt3A_302 : vector<16xi32>
      %jit3A_304 = arith.constant 0.000000e+00 : f32
      %broadcast_in_dim3A_305 = vector.broadcast %jit3A_304 : f32 to vector<16xf32>
      %select_n3A_306 = arith.select %lt3A_303, %exp3A_295, %broadcast_in_dim3A_305 : vector<16xi1>, vector<16xf32>
      %swap3A_307 = arith.constant 0 : i32
      %swap3A_308 = arith.index_cast %swap3A_307 : i32 to index
      %swap3A_309 = arith.constant 80 : index
      %swap3A_310 = tpu.vector_load %arg11[%swap3A_308, %swap3A_309] {strides = array<i32>} : memref<1x128xf32, #tpu.memory_space<vmem>>, vector<1x16xf32>,
      %swap3A_311 = vector.shape_cast %swap3A_310 : vector<1x16xf32> to vector<16xf32>
      %swap3A_312 = vector.shape_cast %select_n3A_306 : vector<16xf32> to vector<1x16xf32>
      tpu.vector_store %arg11[%swap3A_308, %swap3A_309], %swap3A_312 {strides = array<i32>} : memref<1x128xf32, #tpu.memory_space<vmem>>, vector<1x16xf32>,
      %get3A_313 = arith.constant 96 : index
      %get3A_314 = tpu.vector_load %arg12[%get3A_313] {strides = array<i32>} : memref<128xf32, #tpu.memory_space<vmem>>, vector<16xf32>,
      %get3A_315 = vector.shape_cast %get3A_314 : vector<16xf32> to vector<16xf32>
      %get3A_316 = arith.constant 96 : index
      %get3A_317 = tpu.vector_load %arg13[%get3A_316] {strides = array<i32>} : memref<128xf32, #tpu.memory_space<vmem>>, vector<16xf32>,
      %get3A_318 = vector.shape_cast %get3A_317 : vector<16xf32> to vector<16xf32>
      %add3A_319 = arith.addf %get3A_315, %get3A_318 : vector<16xf32>
      %mul3A_320 = arith.constant 2.000000e-01 : f32
      %mul3A_321 = vector.broadcast %mul3A_320 : f32 to vector<16xf32>
      %mul3A_322 = arith.mulf %mul3A_321, %add3A_319 : vector<16xf32>
      %max3A_323 = arith.maximumf %add3A_319, %mul3A_322 : vector<16xf32>
      %exp3A_324 = math.exp %max3A_323 : vector<16xf32>
      %add3A_325 = arith.constant 96 : i32
      %add3A_326 = arith.addi %add3A_145, %add3A_325 : i32
      %iota3A_327 = tpu.iota {dimensions = array<i32: 0>} : vector<16xi32>
      %add3A_328 = vector.broadcast %add3A_326 : i32 to vector<16xi32>
      %add3A_329 = arith.addi %add3A_328, %iota3A_327 : vector<16xi32>
      %lt3A_330 = arith.constant 330000 : i32
      %lt3A_331 = vector.broadcast %lt3A_330 : i32 to vector<16xi32>
      %lt3A_332 = arith.cmpi slt, %add3A_329, %lt3A_331 : vector<16xi32>
      %jit3A_333 = arith.constant 0.000000e+00 : f32
      %broadcast_in_dim3A_334 = vector.broadcast %jit3A_333 : f32 to vector<16xf32>
      %select_n3A_335 = arith.select %lt3A_332, %exp3A_324, %broadcast_in_dim3A_334 : vector<16xi1>, vector<16xf32>
      %swap3A_336 = arith.constant 0 : i32
      %swap3A_337 = arith.index_cast %swap3A_336 : i32 to index
      %swap3A_338 = arith.constant 96 : index
      %swap3A_339 = tpu.vector_load %arg11[%swap3A_337, %swap3A_338] {strides = array<i32>} : memref<1x128xf32, #tpu.memory_space<vmem>>, vector<1x16xf32>,
      %swap3A_340 = vector.shape_cast %swap3A_339 : vector<1x16xf32> to vector<16xf32>
      %swap3A_341 = vector.shape_cast %select_n3A_335 : vector<16xf32> to vector<1x16xf32>
      tpu.vector_store %arg11[%swap3A_337, %swap3A_338], %swap3A_341 {strides = array<i32>} : memref<1x128xf32, #tpu.memory_space<vmem>>, vector<1x16xf32>,
      %get3A_342 = arith.constant 112 : index
      %get3A_343 = tpu.vector_load %arg12[%get3A_342] {strides = array<i32>} : memref<128xf32, #tpu.memory_space<vmem>>, vector<16xf32>,
      %get3A_344 = vector.shape_cast %get3A_343 : vector<16xf32> to vector<16xf32>
      %get3A_345 = arith.constant 112 : index
      %get3A_346 = tpu.vector_load %arg13[%get3A_345] {strides = array<i32>} : memref<128xf32, #tpu.memory_space<vmem>>, vector<16xf32>,
      %get3A_347 = vector.shape_cast %get3A_346 : vector<16xf32> to vector<16xf32>
      %add3A_348 = arith.addf %get3A_344, %get3A_347 : vector<16xf32>
      %mul3A_349 = arith.constant 2.000000e-01 : f32
      %mul3A_350 = vector.broadcast %mul3A_349 : f32 to vector<16xf32>
      %mul3A_351 = arith.mulf %mul3A_350, %add3A_348 : vector<16xf32>
      %max3A_352 = arith.maximumf %add3A_348, %mul3A_351 : vector<16xf32>
      %exp3A_353 = math.exp %max3A_352 : vector<16xf32>
      %add3A_354 = arith.constant 112 : i32
      %add3A_355 = arith.addi %add3A_145, %add3A_354 : i32
      %iota3A_356 = tpu.iota {dimensions = array<i32: 0>} : vector<16xi32>
      %add3A_357 = vector.broadcast %add3A_355 : i32 to vector<16xi32>
      %add3A_358 = arith.addi %add3A_357, %iota3A_356 : vector<16xi32>
      %lt3A_359 = arith.constant 330000 : i32
      %lt3A_360 = vector.broadcast %lt3A_359 : i32 to vector<16xi32>
      %lt3A_361 = arith.cmpi slt, %add3A_358, %lt3A_360 : vector<16xi32>
      %jit3A_362 = arith.constant 0.000000e+00 : f32
      %broadcast_in_dim3A_363 = vector.broadcast %jit3A_362 : f32 to vector<16xf32>
      %select_n3A_364 = arith.select %lt3A_361, %exp3A_353, %broadcast_in_dim3A_363 : vector<16xi1>, vector<16xf32>
      %swap3A_365 = arith.constant 0 : i32
      %swap3A_366 = arith.index_cast %swap3A_365 : i32 to index
      %swap3A_367 = arith.constant 112 : index
      %swap3A_368 = tpu.vector_load %arg11[%swap3A_366, %swap3A_367] {strides = array<i32>} : memref<1x128xf32, #tpu.memory_space<vmem>>, vector<1x16xf32>,
      %swap3A_369 = vector.shape_cast %swap3A_368 : vector<1x16xf32> to vector<16xf32>
      %swap3A_370 = vector.shape_cast %select_n3A_364 : vector<16xf32> to vector<1x16xf32>
      tpu.vector_store %arg11[%swap3A_366, %swap3A_367], %swap3A_370 {strides = array<i32>} : memref<1x128xf32, #tpu.memory_space<vmem>>, vector<1x16xf32>,
      %run_scoped3A_371 = arith.constant 0 : i32
      %run_scoped3A_372 = arith.constant 0 : i32
      "tpu.region"() ({
        %run_scoped3A_387 = tpu.sem_alloc : memref<!tpu.dma_semaphore, #tpu.memory_space<semaphore_mem>>
        %dma_start3A_388 = arith.constant 0 : i32
        %dma_start3A_389 = tpu.memref_slice %arg11[%run_scoped3A_371, %dma_start3A_388] : memref<1x128xf32, #tpu.memory_space<vmem>> -> memref<1x128xf32, #tpu.memory_space<vmem>>
        %dma_start3A_390 = tpu.memref_squeeze %dma_start3A_389 : memref<1x128xf32, #tpu.memory_space<vmem>> -> memref<128xf32, #tpu.memory_space<vmem>>
        %dma_start3A_391 = arith.constant 0 : i32
        %dma_start3A_392 = tpu.memref_slice %arg10[%run_scoped3A_372, %dma_start3A_391] : memref<1x128xi32, #tpu.memory_space<vmem>> -> memref<1x128xi32, #tpu.memory_space<vmem>>
        %dma_start3A_393 = tpu.memref_squeeze %dma_start3A_392 : memref<1x128xi32, #tpu.memory_space<vmem>> -> memref<128xi32, #tpu.memory_space<vmem>>
        %dma_start3A_394 = arith.constant 0 : i32
        %dma_start3A_395 = tpu.memref_slice %arg16[%dma_start3A_394] : memref<10240xf32, #tpu.memory_space<vmem_shared>> -> memref<10240xf32, #tpu.memory_space<vmem_shared>>
        tpu.enqueue_indirect_dma source(%dma_start3A_390 : memref<128xf32, #tpu.memory_space<vmem>>) target(%dma_start3A_395 : memref<10240xf32, #tpu.memory_space<vmem_shared>>) offsets(%dma_start3A_393 : memref<128xi32, #tpu.memory_space<vmem>>) semaphore(%run_scoped3A_387 : memref<!tpu.dma_semaphore, #tpu.memory_space<semaphore_mem>>) {add = true}
        %dma_wait3A_396 = arith.constant 0 : i32
        %dma_wait3A_397 = tpu.memref_slice %arg11[%run_scoped3A_371, %dma_wait3A_396] : memref<1x128xf32, #tpu.memory_space<vmem>> -> memref<1x128xf32, #tpu.memory_space<vmem>>
        %dma_wait3A_398 = tpu.memref_squeeze %dma_wait3A_397 : memref<1x128xf32, #tpu.memory_space<vmem>> -> memref<128xf32, #tpu.memory_space<vmem>>
        %dma_wait3A_399 = arith.constant 0 : i32
        %dma_wait3A_400 = tpu.memref_slice %arg10[%run_scoped3A_372, %dma_wait3A_399] : memref<1x128xi32, #tpu.memory_space<vmem>> -> memref<1x128xi32, #tpu.memory_space<vmem>>
        %dma_wait3A_401 = tpu.memref_squeeze %dma_wait3A_400 : memref<1x128xi32, #tpu.memory_space<vmem>> -> memref<128xi32, #tpu.memory_space<vmem>>
        %dma_wait3A_402 = arith.constant 0 : i32
        %dma_wait3A_403 = tpu.memref_slice %arg16[%dma_wait3A_402] : memref<10240xf32, #tpu.memory_space<vmem_shared>> -> memref<10240xf32, #tpu.memory_space<vmem_shared>>
        tpu.wait_indirect_dma semaphore(%run_scoped3A_387 : memref<!tpu.dma_semaphore, #tpu.memory_space<semaphore_mem>>) src(%dma_wait3A_398 : memref<128xf32, #tpu.memory_space<vmem>>) dst(%dma_wait3A_403 : memref<10240xf32, #tpu.memory_space<vmem_shared>>)
        tpu.yield
      }) : () -> ()
      %dma_wait3A_373 = arith.constant 0 : i32
      %dma_wait3A_374 = arith.constant 0 : i32
      %dma_wait3A_375 = tpu.memref_slice %arg9[%dma_wait3A_373, %dma_wait3A_374] : memref<1x128xi32, #tpu.memory_space<vmem>> -> memref<1x128xi32, #tpu.memory_space<vmem>>
      %dma_wait3A_376 = tpu.memref_squeeze %dma_wait3A_375 : memref<1x128xi32, #tpu.memory_space<vmem>> -> memref<128xi32, #tpu.memory_space<vmem>>
      %dma_wait3A_377 = arith.constant 0 : i32
      %dma_wait3A_378 = arith.constant 0 : i32
      %dma_wait3A_379 = tpu.memref_slice %arg6[%dma_wait3A_377, %dma_wait3A_378] : memref<10000x128xf32, #tpu.memory_space<hbm>> -> memref<10000x128xf32, #tpu.memory_space<hbm>>
      tpu.wait_indirect_dma semaphore(%arg17 : memref<!tpu.dma_semaphore, #tpu.memory_space<semaphore_mem>>) src(%dma_wait3A_379 : memref<10000x128xf32, #tpu.memory_space<hbm>>) dst(%arg14 : memref<128x128xf32, #tpu.memory_space<vmem>>)
      %scan3A_380 = arith.constant 0 : i32
      %scan3A_381 = arith.constant 0 : i32
      %scan3A_382 = arith.constant 8 : i32
      %scan3A_383 = arith.addi %scan3A_381, %scan3A_382 : i32
      %scan3A_384 = arith.constant 1 : i32
      scf.for %scan3A_387 = %scan3A_381 to %scan3A_383 step %scan3A_384  : i32 {
        %mul3A_388 = arith.constant 16 : i32
        %mul3A_389 = arith.muli %scan3A_387, %mul3A_388 : i32
        %get3A_390 = arith.constant 0 : i32
        %get3A_391 = arith.index_cast %get3A_390 : i32 to index
        %get3A_392 = arith.index_cast %mul3A_389 : i32 to index
        %get3A_393 = tpu.vector_load %arg11[%get3A_391, %get3A_392] {strides = array<i32>} : memref<1x128xf32, #tpu.memory_space<vmem>>, vector<1x16xf32>,
        %get3A_394 = vector.shape_cast %get3A_393 : vector<1x16xf32> to vector<16xf32>
        %slice3A = vector.extract_strided_slice %get3A_394 {offsets = [0], sizes = [1], strides = [1]} : vector<16xf32> to vector<1xf32>
        %broadcast_in_dim3A_395 = vector.shape_cast %slice3A : vector<1xf32> to vector<1xf32>
        %broadcast_in_dim3A_396 = vector.broadcast %broadcast_in_dim3A_395 : vector<1xf32> to vector<16xf32>
        %mul3A_397 = arith.constant 16 : i32
        %mul3A_398 = arith.muli %scan3A_387, %mul3A_397 : i32
        %add3A_399 = arith.constant 0 : i32
        %add3A_400 = arith.addi %mul3A_398, %add3A_399 : i32
        %get3A_401 = arith.index_cast %add3A_400 : i32 to index
        %get3A_402 = arith.constant 0 : index
        %get3A_403 = tpu.vector_load %arg14[%get3A_401, %get3A_402] {strides = array<i32>} : memref<128x128xf32, #tpu.memory_space<vmem>>, vector<1x16xf32>,
        %get3A_404 = vector.shape_cast %get3A_403 : vector<1x16xf32> to vector<16xf32>
        %mul3A_405 = arith.mulf %get3A_404, %broadcast_in_dim3A_396 : vector<16xf32>
        %swap3A_406 = arith.index_cast %add3A_400 : i32 to index
        %swap3A_407 = arith.constant 0 : index
        %swap3A_408 = tpu.vector_load %arg14[%swap3A_406, %swap3A_407] {strides = array<i32>} : memref<128x128xf32, #tpu.memory_space<vmem>>, vector<1x16xf32>,
        %swap3A_409 = vector.shape_cast %swap3A_408 : vector<1x16xf32> to vector<16xf32>
        %swap3A_410 = vector.shape_cast %mul3A_405 : vector<16xf32> to vector<1x16xf32>
        tpu.vector_store %arg14[%swap3A_406, %swap3A_407], %swap3A_410 {strides = array<i32>} : memref<128x128xf32, #tpu.memory_space<vmem>>, vector<1x16xf32>,
        %get3A_411 = arith.index_cast %add3A_400 : i32 to index
        %get3A_412 = arith.constant 16 : index
        %get3A_413 = tpu.vector_load %arg14[%get3A_411, %get3A_412] {strides = array<i32>} : memref<128x128xf32, #tpu.memory_space<vmem>>, vector<1x16xf32>,
        %get3A_414 = vector.shape_cast %get3A_413 : vector<1x16xf32> to vector<16xf32>
        %mul3A_415 = arith.mulf %get3A_414, %broadcast_in_dim3A_396 : vector<16xf32>
        %swap3A_416 = arith.index_cast %add3A_400 : i32 to index
        %swap3A_417 = arith.constant 16 : index
        %swap3A_418 = tpu.vector_load %arg14[%swap3A_416, %swap3A_417] {strides = array<i32>} : memref<128x128xf32, #tpu.memory_space<vmem>>, vector<1x16xf32>,
        %swap3A_419 = vector.shape_cast %swap3A_418 : vector<1x16xf32> to vector<16xf32>
        %swap3A_420 = vector.shape_cast %mul3A_415 : vector<16xf32> to vector<1x16xf32>
        tpu.vector_store %arg14[%swap3A_416, %swap3A_417], %swap3A_420 {strides = array<i32>} : memref<128x128xf32, #tpu.memory_space<vmem>>, vector<1x16xf32>,
        %get3A_421 = arith.index_cast %add3A_400 : i32 to index
        %get3A_422 = arith.constant 32 : index
        %get3A_423 = tpu.vector_load %arg14[%get3A_421, %get3A_422] {strides = array<i32>} : memref<128x128xf32, #tpu.memory_space<vmem>>, vector<1x16xf32>,
        %get3A_424 = vector.shape_cast %get3A_423 : vector<1x16xf32> to vector<16xf32>
        %mul3A_425 = arith.mulf %get3A_424, %broadcast_in_dim3A_396 : vector<16xf32>
        %swap3A_426 = arith.index_cast %add3A_400 : i32 to index
        %swap3A_427 = arith.constant 32 : index
        %swap3A_428 = tpu.vector_load %arg14[%swap3A_426, %swap3A_427] {strides = array<i32>} : memref<128x128xf32, #tpu.memory_space<vmem>>, vector<1x16xf32>,
        %swap3A_429 = vector.shape_cast %swap3A_428 : vector<1x16xf32> to vector<16xf32>
        %swap3A_430 = vector.shape_cast %mul3A_425 : vector<16xf32> to vector<1x16xf32>
        tpu.vector_store %arg14[%swap3A_426, %swap3A_427], %swap3A_430 {strides = array<i32>} : memref<128x128xf32, #tpu.memory_space<vmem>>, vector<1x16xf32>,
        %get3A_431 = arith.index_cast %add3A_400 : i32 to index
        %get3A_432 = arith.constant 48 : index
        %get3A_433 = tpu.vector_load %arg14[%get3A_431, %get3A_432] {strides = array<i32>} : memref<128x128xf32, #tpu.memory_space<vmem>>, vector<1x16xf32>,
        %get3A_434 = vector.shape_cast %get3A_433 : vector<1x16xf32> to vector<16xf32>
        %mul3A_435 = arith.mulf %get3A_434, %broadcast_in_dim3A_396 : vector<16xf32>
        %swap3A_436 = arith.index_cast %add3A_400 : i32 to index
        %swap3A_437 = arith.constant 48 : index
        %swap3A_438 = tpu.vector_load %arg14[%swap3A_436, %swap3A_437] {strides = array<i32>} : memref<128x128xf32, #tpu.memory_space<vmem>>, vector<1x16xf32>,
        %swap3A_439 = vector.shape_cast %swap3A_438 : vector<1x16xf32> to vector<16xf32>
        %swap3A_440 = vector.shape_cast %mul3A_435 : vector<16xf32> to vector<1x16xf32>
        tpu.vector_store %arg14[%swap3A_436, %swap3A_437], %swap3A_440 {strides = array<i32>} : memref<128x128xf32, #tpu.memory_space<vmem>>, vector<1x16xf32>,
        %get3A_441 = arith.index_cast %add3A_400 : i32 to index
        %get3A_442 = arith.constant 64 : index
        %get3A_443 = tpu.vector_load %arg14[%get3A_441, %get3A_442] {strides = array<i32>} : memref<128x128xf32, #tpu.memory_space<vmem>>, vector<1x16xf32>,
        %get3A_444 = vector.shape_cast %get3A_443 : vector<1x16xf32> to vector<16xf32>
        %mul3A_445 = arith.mulf %get3A_444, %broadcast_in_dim3A_396 : vector<16xf32>
        %swap3A_446 = arith.index_cast %add3A_400 : i32 to index
        %swap3A_447 = arith.constant 64 : index
        %swap3A_448 = tpu.vector_load %arg14[%swap3A_446, %swap3A_447] {strides = array<i32>} : memref<128x128xf32, #tpu.memory_space<vmem>>, vector<1x16xf32>,
        %swap3A_449 = vector.shape_cast %swap3A_448 : vector<1x16xf32> to vector<16xf32>
        %swap3A_450 = vector.shape_cast %mul3A_445 : vector<16xf32> to vector<1x16xf32>
        tpu.vector_store %arg14[%swap3A_446, %swap3A_447], %swap3A_450 {strides = array<i32>} : memref<128x128xf32, #tpu.memory_space<vmem>>, vector<1x16xf32>,
        %get3A_451 = arith.index_cast %add3A_400 : i32 to index
        %get3A_452 = arith.constant 80 : index
        %get3A_453 = tpu.vector_load %arg14[%get3A_451, %get3A_452] {strides = array<i32>} : memref<128x128xf32, #tpu.memory_space<vmem>>, vector<1x16xf32>,
        %get3A_454 = vector.shape_cast %get3A_453 : vector<1x16xf32> to vector<16xf32>
        %mul3A_455 = arith.mulf %get3A_454, %broadcast_in_dim3A_396 : vector<16xf32>
        %swap3A_456 = arith.index_cast %add3A_400 : i32 to index
        %swap3A_457 = arith.constant 80 : index
        %swap3A_458 = tpu.vector_load %arg14[%swap3A_456, %swap3A_457] {strides = array<i32>} : memref<128x128xf32, #tpu.memory_space<vmem>>, vector<1x16xf32>,
        %swap3A_459 = vector.shape_cast %swap3A_458 : vector<1x16xf32> to vector<16xf32>
        %swap3A_460 = vector.shape_cast %mul3A_455 : vector<16xf32> to vector<1x16xf32>
        tpu.vector_store %arg14[%swap3A_456, %swap3A_457], %swap3A_460 {strides = array<i32>} : memref<128x128xf32, #tpu.memory_space<vmem>>, vector<1x16xf32>,
        %get3A_461 = arith.index_cast %add3A_400 : i32 to index
        %get3A_462 = arith.constant 96 : index
        %get3A_463 = tpu.vector_load %arg14[%get3A_461, %get3A_462] {strides = array<i32>} : memref<128x128xf32, #tpu.memory_space<vmem>>, vector<1x16xf32>,
        %get3A_464 = vector.shape_cast %get3A_463 : vector<1x16xf32> to vector<16xf32>
        %mul3A_465 = arith.mulf %get3A_464, %broadcast_in_dim3A_396 : vector<16xf32>
        %swap3A_466 = arith.index_cast %add3A_400 : i32 to index
        %swap3A_467 = arith.constant 96 : index
        %swap3A_468 = tpu.vector_load %arg14[%swap3A_466, %swap3A_467] {strides = array<i32>} : memref<128x128xf32, #tpu.memory_space<vmem>>, vector<1x16xf32>,
        %swap3A_469 = vector.shape_cast %swap3A_468 : vector<1x16xf32> to vector<16xf32>
        %swap3A_470 = vector.shape_cast %mul3A_465 : vector<16xf32> to vector<1x16xf32>
        tpu.vector_store %arg14[%swap3A_466, %swap3A_467], %swap3A_470 {strides = array<i32>} : memref<128x128xf32, #tpu.memory_space<vmem>>, vector<1x16xf32>,
        %get3A_471 = arith.index_cast %add3A_400 : i32 to index
        %get3A_472 = arith.constant 112 : index
        %get3A_473 = tpu.vector_load %arg14[%get3A_471, %get3A_472] {strides = array<i32>} : memref<128x128xf32, #tpu.memory_space<vmem>>, vector<1x16xf32>,
        %get3A_474 = vector.shape_cast %get3A_473 : vector<1x16xf32> to vector<16xf32>
        %mul3A_475 = arith.mulf %get3A_474, %broadcast_in_dim3A_396 : vector<16xf32>
        %swap3A_476 = arith.index_cast %add3A_400 : i32 to index
        %swap3A_477 = arith.constant 112 : index
        %swap3A_478 = tpu.vector_load %arg14[%swap3A_476, %swap3A_477] {strides = array<i32>} : memref<128x128xf32, #tpu.memory_space<vmem>>, vector<1x16xf32>,
        %swap3A_479 = vector.shape_cast %swap3A_478 : vector<1x16xf32> to vector<16xf32>
        %swap3A_480 = vector.shape_cast %mul3A_475 : vector<16xf32> to vector<1x16xf32>
        tpu.vector_store %arg14[%swap3A_476, %swap3A_477], %swap3A_480 {strides = array<i32>} : memref<128x128xf32, #tpu.memory_space<vmem>>, vector<1x16xf32>,
        %slice3A_481 = vector.extract_strided_slice %get3A_394 {offsets = [1], sizes = [1], strides = [1]} : vector<16xf32> to vector<1xf32>
        %broadcast_in_dim3A_482 = vector.shape_cast %slice3A_481 : vector<1xf32> to vector<1xf32>
        %broadcast_in_dim3A_483 = vector.broadcast %broadcast_in_dim3A_482 : vector<1xf32> to vector<16xf32>
        %mul3A_484 = arith.constant 16 : i32
        %mul3A_485 = arith.muli %scan3A_387, %mul3A_484 : i32
        %add3A_486 = arith.constant 1 : i32
        %add3A_487 = arith.addi %mul3A_485, %add3A_486 : i32
        %get3A_488 = arith.index_cast %add3A_487 : i32 to index
        %get3A_489 = arith.constant 0 : index
        %get3A_490 = tpu.vector_load %arg14[%get3A_488, %get3A_489] {strides = array<i32>} : memref<128x128xf32, #tpu.memory_space<vmem>>, vector<1x16xf32>,
        %get3A_491 = vector.shape_cast %get3A_490 : vector<1x16xf32> to vector<16xf32>
        %mul3A_492 = arith.mulf %get3A_491, %broadcast_in_dim3A_483 : vector<16xf32>
        %swap3A_493 = arith.index_cast %add3A_487 : i32 to index
        %swap3A_494 = arith.constant 0 : index
        %swap3A_495 = tpu.vector_load %arg14[%swap3A_493, %swap3A_494] {strides = array<i32>} : memref<128x128xf32, #tpu.memory_space<vmem>>, vector<1x16xf32>,
        %swap3A_496 = vector.shape_cast %swap3A_495 : vector<1x16xf32> to vector<16xf32>
        %swap3A_497 = vector.shape_cast %mul3A_492 : vector<16xf32> to vector<1x16xf32>
        tpu.vector_store %arg14[%swap3A_493, %swap3A_494], %swap3A_497 {strides = array<i32>} : memref<128x128xf32, #tpu.memory_space<vmem>>, vector<1x16xf32>,
        %get3A_498 = arith.index_cast %add3A_487 : i32 to index
        %get3A_499 = arith.constant 16 : index
        %get3A_500 = tpu.vector_load %arg14[%get3A_498, %get3A_499] {strides = array<i32>} : memref<128x128xf32, #tpu.memory_space<vmem>>, vector<1x16xf32>,
        %get3A_501 = vector.shape_cast %get3A_500 : vector<1x16xf32> to vector<16xf32>
        %mul3A_502 = arith.mulf %get3A_501, %broadcast_in_dim3A_483 : vector<16xf32>
        %swap3A_503 = arith.index_cast %add3A_487 : i32 to index
        %swap3A_504 = arith.constant 16 : index
        %swap3A_505 = tpu.vector_load %arg14[%swap3A_503, %swap3A_504] {strides = array<i32>} : memref<128x128xf32, #tpu.memory_space<vmem>>, vector<1x16xf32>,
        %swap3A_506 = vector.shape_cast %swap3A_505 : vector<1x16xf32> to vector<16xf32>
        %swap3A_507 = vector.shape_cast %mul3A_502 : vector<16xf32> to vector<1x16xf32>
        tpu.vector_store %arg14[%swap3A_503, %swap3A_504], %swap3A_507 {strides = array<i32>} : memref<128x128xf32, #tpu.memory_space<vmem>>, vector<1x16xf32>,
        %get3A_508 = arith.index_cast %add3A_487 : i32 to index
        %get3A_509 = arith.constant 32 : index
        %get3A_510 = tpu.vector_load %arg14[%get3A_508, %get3A_509] {strides = array<i32>} : memref<128x128xf32, #tpu.memory_space<vmem>>, vector<1x16xf32>,
        %get3A_511 = vector.shape_cast %get3A_510 : vector<1x16xf32> to vector<16xf32>
        %mul3A_512 = arith.mulf %get3A_511, %broadcast_in_dim3A_483 : vector<16xf32>
        %swap3A_513 = arith.index_cast %add3A_487 : i32 to index
        %swap3A_514 = arith.constant 32 : index
        %swap3A_515 = tpu.vector_load %arg14[%swap3A_513, %swap3A_514] {strides = array<i32>} : memref<128x128xf32, #tpu.memory_space<vmem>>, vector<1x16xf32>,
        %swap3A_516 = vector.shape_cast %swap3A_515 : vector<1x16xf32> to vector<16xf32>
        %swap3A_517 = vector.shape_cast %mul3A_512 : vector<16xf32> to vector<1x16xf32>
        tpu.vector_store %arg14[%swap3A_513, %swap3A_514], %swap3A_517 {strides = array<i32>} : memref<128x128xf32, #tpu.memory_space<vmem>>, vector<1x16xf32>,
        %get3A_518 = arith.index_cast %add3A_487 : i32 to index
        %get3A_519 = arith.constant 48 : index
        %get3A_520 = tpu.vector_load %arg14[%get3A_518, %get3A_519] {strides = array<i32>} : memref<128x128xf32, #tpu.memory_space<vmem>>, vector<1x16xf32>,
        %get3A_521 = vector.shape_cast %get3A_520 : vector<1x16xf32> to vector<16xf32>
        %mul3A_522 = arith.mulf %get3A_521, %broadcast_in_dim3A_483 : vector<16xf32>
        %swap3A_523 = arith.index_cast %add3A_487 : i32 to index
        %swap3A_524 = arith.constant 48 : index
        %swap3A_525 = tpu.vector_load %arg14[%swap3A_523, %swap3A_524] {strides = array<i32>} : memref<128x128xf32, #tpu.memory_space<vmem>>, vector<1x16xf32>,
        %swap3A_526 = vector.shape_cast %swap3A_525 : vector<1x16xf32> to vector<16xf32>
        %swap3A_527 = vector.shape_cast %mul3A_522 : vector<16xf32> to vector<1x16xf32>
        tpu.vector_store %arg14[%swap3A_523, %swap3A_524], %swap3A_527 {strides = array<i32>} : memref<128x128xf32, #tpu.memory_space<vmem>>, vector<1x16xf32>,
        %get3A_528 = arith.index_cast %add3A_487 : i32 to index
        %get3A_529 = arith.constant 64 : index
        %get3A_530 = tpu.vector_load %arg14[%get3A_528, %get3A_529] {strides = array<i32>} : memref<128x128xf32, #tpu.memory_space<vmem>>, vector<1x16xf32>,
        %get3A_531 = vector.shape_cast %get3A_530 : vector<1x16xf32> to vector<16xf32>
        %mul3A_532 = arith.mulf %get3A_531, %broadcast_in_dim3A_483 : vector<16xf32>
        %swap3A_533 = arith.index_cast %add3A_487 : i32 to index
        %swap3A_534 = arith.constant 64 : index
        %swap3A_535 = tpu.vector_load %arg14[%swap3A_533, %swap3A_534] {strides = array<i32>} : memref<128x128xf32, #tpu.memory_space<vmem>>, vector<1x16xf32>,
        %swap3A_536 = vector.shape_cast %swap3A_535 : vector<1x16xf32> to vector<16xf32>
        %swap3A_537 = vector.shape_cast %mul3A_532 : vector<16xf32> to vector<1x16xf32>
        tpu.vector_store %arg14[%swap3A_533, %swap3A_534], %swap3A_537 {strides = array<i32>} : memref<128x128xf32, #tpu.memory_space<vmem>>, vector<1x16xf32>,
        %get3A_538 = arith.index_cast %add3A_487 : i32 to index
        %get3A_539 = arith.constant 80 : index
        %get3A_540 = tpu.vector_load %arg14[%get3A_538, %get3A_539] {strides = array<i32>} : memref<128x128xf32, #tpu.memory_space<vmem>>, vector<1x16xf32>,
        %get3A_541 = vector.shape_cast %get3A_540 : vector<1x16xf32> to vector<16xf32>
        %mul3A_542 = arith.mulf %get3A_541, %broadcast_in_dim3A_483 : vector<16xf32>
        %swap3A_543 = arith.index_cast %add3A_487 : i32 to index
        %swap3A_544 = arith.constant 80 : index
        %swap3A_545 = tpu.vector_load %arg14[%swap3A_543, %swap3A_544] {strides = array<i32>} : memref<128x128xf32, #tpu.memory_space<vmem>>, vector<1x16xf32>,
        %swap3A_546 = vector.shape_cast %swap3A_545 : vector<1x16xf32> to vector<16xf32>
        %swap3A_547 = vector.shape_cast %mul3A_542 : vector<16xf32> to vector<1x16xf32>
        tpu.vector_store %arg14[%swap3A_543, %swap3A_544], %swap3A_547 {strides = array<i32>} : memref<128x128xf32, #tpu.memory_space<vmem>>, vector<1x16xf32>,
        %get3A_548 = arith.index_cast %add3A_487 : i32 to index
        %get3A_549 = arith.constant 96 : index
        %get3A_550 = tpu.vector_load %arg14[%get3A_548, %get3A_549] {strides = array<i32>} : memref<128x128xf32, #tpu.memory_space<vmem>>, vector<1x16xf32>,
        %get3A_551 = vector.shape_cast %get3A_550 : vector<1x16xf32> to vector<16xf32>
        %mul3A_552 = arith.mulf %get3A_551, %broadcast_in_dim3A_483 : vector<16xf32>
        %swap3A_553 = arith.index_cast %add3A_487 : i32 to index
        %swap3A_554 = arith.constant 96 : index
        %swap3A_555 = tpu.vector_load %arg14[%swap3A_553, %swap3A_554] {strides = array<i32>} : memref<128x128xf32, #tpu.memory_space<vmem>>, vector<1x16xf32>,
        %swap3A_556 = vector.shape_cast %swap3A_555 : vector<1x16xf32> to vector<16xf32>
        %swap3A_557 = vector.shape_cast %mul3A_552 : vector<16xf32> to vector<1x16xf32>
        tpu.vector_store %arg14[%swap3A_553, %swap3A_554], %swap3A_557 {strides = array<i32>} : memref<128x128xf32, #tpu.memory_space<vmem>>, vector<1x16xf32>,
        %get3A_558 = arith.index_cast %add3A_487 : i32 to index
        %get3A_559 = arith.constant 112 : index
        %get3A_560 = tpu.vector_load %arg14[%get3A_558, %get3A_559] {strides = array<i32>} : memref<128x128xf32, #tpu.memory_space<vmem>>, vector<1x16xf32>,
        %get3A_561 = vector.shape_cast %get3A_560 : vector<1x16xf32> to vector<16xf32>
        %mul3A_562 = arith.mulf %get3A_561, %broadcast_in_dim3A_483 : vector<16xf32>
        %swap3A_563 = arith.index_cast %add3A_487 : i32 to index
        %swap3A_564 = arith.constant 112 : index
        %swap3A_565 = tpu.vector_load %arg14[%swap3A_563, %swap3A_564] {strides = array<i32>} : memref<128x128xf32, #tpu.memory_space<vmem>>, vector<1x16xf32>,
        %swap3A_566 = vector.shape_cast %swap3A_565 : vector<1x16xf32> to vector<16xf32>
        %swap3A_567 = vector.shape_cast %mul3A_562 : vector<16xf32> to vector<1x16xf32>
        tpu.vector_store %arg14[%swap3A_563, %swap3A_564], %swap3A_567 {strides = array<i32>} : memref<128x128xf32, #tpu.memory_space<vmem>>, vector<1x16xf32>,
        %slice3A_568 = vector.extract_strided_slice %get3A_394 {offsets = [2], sizes = [1], strides = [1]} : vector<16xf32> to vector<1xf32>
        %broadcast_in_dim3A_569 = vector.shape_cast %slice3A_568 : vector<1xf32> to vector<1xf32>
        %broadcast_in_dim3A_570 = vector.broadcast %broadcast_in_dim3A_569 : vector<1xf32> to vector<16xf32>
        %mul3A_571 = arith.constant 16 : i32
        %mul3A_572 = arith.muli %scan3A_387, %mul3A_571 : i32
        %add3A_573 = arith.constant 2 : i32
        %add3A_574 = arith.addi %mul3A_572, %add3A_573 : i32
        %get3A_575 = arith.index_cast %add3A_574 : i32 to index
        %get3A_576 = arith.constant 0 : index
        %get3A_577 = tpu.vector_load %arg14[%get3A_575, %get3A_576] {strides = array<i32>} : memref<128x128xf32, #tpu.memory_space<vmem>>, vector<1x16xf32>,
        %get3A_578 = vector.shape_cast %get3A_577 : vector<1x16xf32> to vector<16xf32>
        %mul3A_579 = arith.mulf %get3A_578, %broadcast_in_dim3A_570 : vector<16xf32>
        %swap3A_580 = arith.index_cast %add3A_574 : i32 to index
        %swap3A_581 = arith.constant 0 : index
        %swap3A_582 = tpu.vector_load %arg14[%swap3A_580, %swap3A_581] {strides = array<i32>} : memref<128x128xf32, #tpu.memory_space<vmem>>, vector<1x16xf32>,
        %swap3A_583 = vector.shape_cast %swap3A_582 : vector<1x16xf32> to vector<16xf32>
        %swap3A_584 = vector.shape_cast %mul3A_579 : vector<16xf32> to vector<1x16xf32>
        tpu.vector_store %arg14[%swap3A_580, %swap3A_581], %swap3A_584 {strides = array<i32>} : memref<128x128xf32, #tpu.memory_space<vmem>>, vector<1x16xf32>,
        %get3A_585 = arith.index_cast %add3A_574 : i32 to index
        %get3A_586 = arith.constant 16 : index
        %get3A_587 = tpu.vector_load %arg14[%get3A_585, %get3A_586] {strides = array<i32>} : memref<128x128xf32, #tpu.memory_space<vmem>>, vector<1x16xf32>,
        %get3A_588 = vector.shape_cast %get3A_587 : vector<1x16xf32> to vector<16xf32>
        %mul3A_589 = arith.mulf %get3A_588, %broadcast_in_dim3A_570 : vector<16xf32>
        %swap3A_590 = arith.index_cast %add3A_574 : i32 to index
        %swap3A_591 = arith.constant 16 : index
        %swap3A_592 = tpu.vector_load %arg14[%swap3A_590, %swap3A_591] {strides = array<i32>} : memref<128x128xf32, #tpu.memory_space<vmem>>, vector<1x16xf32>,
        %swap3A_593 = vector.shape_cast %swap3A_592 : vector<1x16xf32> to vector<16xf32>
        %swap3A_594 = vector.shape_cast %mul3A_589 : vector<16xf32> to vector<1x16xf32>
        tpu.vector_store %arg14[%swap3A_590, %swap3A_591], %swap3A_594 {strides = array<i32>} : memref<128x128xf32, #tpu.memory_space<vmem>>, vector<1x16xf32>,
        %get3A_595 = arith.index_cast %add3A_574 : i32 to index
        %get3A_596 = arith.constant 32 : index
        %get3A_597 = tpu.vector_load %arg14[%get3A_595, %get3A_596] {strides = array<i32>} : memref<128x128xf32, #tpu.memory_space<vmem>>, vector<1x16xf32>,
        %get3A_598 = vector.shape_cast %get3A_597 : vector<1x16xf32> to vector<16xf32>
        %mul3A_599 = arith.mulf %get3A_598, %broadcast_in_dim3A_570 : vector<16xf32>
        %swap3A_600 = arith.index_cast %add3A_574 : i32 to index
        %swap3A_601 = arith.constant 32 : index
        %swap3A_602 = tpu.vector_load %arg14[%swap3A_600, %swap3A_601] {strides = array<i32>} : memref<128x128xf32, #tpu.memory_space<vmem>>, vector<1x16xf32>,
        %swap3A_603 = vector.shape_cast %swap3A_602 : vector<1x16xf32> to vector<16xf32>
        %swap3A_604 = vector.shape_cast %mul3A_599 : vector<16xf32> to vector<1x16xf32>
        tpu.vector_store %arg14[%swap3A_600, %swap3A_601], %swap3A_604 {strides = array<i32>} : memref<128x128xf32, #tpu.memory_space<vmem>>, vector<1x16xf32>,
        %get3A_605 = arith.index_cast %add3A_574 : i32 to index
        %get3A_606 = arith.constant 48 : index
        %get3A_607 = tpu.vector_load %arg14[%get3A_605, %get3A_606] {strides = array<i32>} : memref<128x128xf32, #tpu.memory_space<vmem>>, vector<1x16xf32>,
        %get3A_608 = vector.shape_cast %get3A_607 : vector<1x16xf32> to vector<16xf32>
        %mul3A_609 = arith.mulf %get3A_608, %broadcast_in_dim3A_570 : vector<16xf32>
        %swap3A_610 = arith.index_cast %add3A_574 : i32 to index
        %swap3A_611 = arith.constant 48 : index
        %swap3A_612 = tpu.vector_load %arg14[%swap3A_610, %swap3A_611] {strides = array<i32>} : memref<128x128xf32, #tpu.memory_space<vmem>>, vector<1x16xf32>,
        %swap3A_613 = vector.shape_cast %swap3A_612 : vector<1x16xf32> to vector<16xf32>
        %swap3A_614 = vector.shape_cast %mul3A_609 : vector<16xf32> to vector<1x16xf32>
        tpu.vector_store %arg14[%swap3A_610, %swap3A_611], %swap3A_614 {strides = array<i32>} : memref<128x128xf32, #tpu.memory_space<vmem>>, vector<1x16xf32>,
        %get3A_615 = arith.index_cast %add3A_574 : i32 to index
        %get3A_616 = arith.constant 64 : index
        %get3A_617 = tpu.vector_load %arg14[%get3A_615, %get3A_616] {strides = array<i32>} : memref<128x128xf32, #tpu.memory_space<vmem>>, vector<1x16xf32>,
        %get3A_618 = vector.shape_cast %get3A_617 : vector<1x16xf32> to vector<16xf32>
        %mul3A_619 = arith.mulf %get3A_618, %broadcast_in_dim3A_570 : vector<16xf32>
        %swap3A_620 = arith.index_cast %add3A_574 : i32 to index
        %swap3A_621 = arith.constant 64 : index
        %swap3A_622 = tpu.vector_load %arg14[%swap3A_620, %swap3A_621] {strides = array<i32>} : memref<128x128xf32, #tpu.memory_space<vmem>>, vector<1x16xf32>,
        %swap3A_623 = vector.shape_cast %swap3A_622 : vector<1x16xf32> to vector<16xf32>
        %swap3A_624 = vector.shape_cast %mul3A_619 : vector<16xf32> to vector<1x16xf32>
        tpu.vector_store %arg14[%swap3A_620, %swap3A_621], %swap3A_624 {strides = array<i32>} : memref<128x128xf32, #tpu.memory_space<vmem>>, vector<1x16xf32>,
        %get3A_625 = arith.index_cast %add3A_574 : i32 to index
        %get3A_626 = arith.constant 80 : index
        %get3A_627 = tpu.vector_load %arg14[%get3A_625, %get3A_626] {strides = array<i32>} : memref<128x128xf32, #tpu.memory_space<vmem>>, vector<1x16xf32>,
        %get3A_628 = vector.shape_cast %get3A_627 : vector<1x16xf32> to vector<16xf32>
        %mul3A_629 = arith.mulf %get3A_628, %broadcast_in_dim3A_570 : vector<16xf32>
        %swap3A_630 = arith.index_cast %add3A_574 : i32 to index
        %swap3A_631 = arith.constant 80 : index
        %swap3A_632 = tpu.vector_load %arg14[%swap3A_630, %swap3A_631] {strides = array<i32>} : memref<128x128xf32, #tpu.memory_space<vmem>>, vector<1x16xf32>,
        %swap3A_633 = vector.shape_cast %swap3A_632 : vector<1x16xf32> to vector<16xf32>
        %swap3A_634 = vector.shape_cast %mul3A_629 : vector<16xf32> to vector<1x16xf32>
        tpu.vector_store %arg14[%swap3A_630, %swap3A_631], %swap3A_634 {strides = array<i32>} : memref<128x128xf32, #tpu.memory_space<vmem>>, vector<1x16xf32>,
        %get3A_635 = arith.index_cast %add3A_574 : i32 to index
        %get3A_636 = arith.constant 96 : index
        %get3A_637 = tpu.vector_load %arg14[%get3A_635, %get3A_636] {strides = array<i32>} : memref<128x128xf32, #tpu.memory_space<vmem>>, vector<1x16xf32>,
        %get3A_638 = vector.shape_cast %get3A_637 : vector<1x16xf32> to vector<16xf32>
        %mul3A_639 = arith.mulf %get3A_638, %broadcast_in_dim3A_570 : vector<16xf32>
        %swap3A_640 = arith.index_cast %add3A_574 : i32 to index
        %swap3A_641 = arith.constant 96 : index
        %swap3A_642 = tpu.vector_load %arg14[%swap3A_640, %swap3A_641] {strides = array<i32>} : memref<128x128xf32, #tpu.memory_space<vmem>>, vector<1x16xf32>,
        %swap3A_643 = vector.shape_cast %swap3A_642 : vector<1x16xf32> to vector<16xf32>
        %swap3A_644 = vector.shape_cast %mul3A_639 : vector<16xf32> to vector<1x16xf32>
        tpu.vector_store %arg14[%swap3A_640, %swap3A_641], %swap3A_644 {strides = array<i32>} : memref<128x128xf32, #tpu.memory_space<vmem>>, vector<1x16xf32>,
        %get3A_645 = arith.index_cast %add3A_574 : i32 to index
        %get3A_646 = arith.constant 112 : index
        %get3A_647 = tpu.vector_load %arg14[%get3A_645, %get3A_646] {strides = array<i32>} : memref<128x128xf32, #tpu.memory_space<vmem>>, vector<1x16xf32>,
        %get3A_648 = vector.shape_cast %get3A_647 : vector<1x16xf32> to vector<16xf32>
        %mul3A_649 = arith.mulf %get3A_648, %broadcast_in_dim3A_570 : vector<16xf32>
        %swap3A_650 = arith.index_cast %add3A_574 : i32 to index
        %swap3A_651 = arith.constant 112 : index
        %swap3A_652 = tpu.vector_load %arg14[%swap3A_650, %swap3A_651] {strides = array<i32>} : memref<128x128xf32, #tpu.memory_space<vmem>>, vector<1x16xf32>,
        %swap3A_653 = vector.shape_cast %swap3A_652 : vector<1x16xf32> to vector<16xf32>
        %swap3A_654 = vector.shape_cast %mul3A_649 : vector<16xf32> to vector<1x16xf32>
        tpu.vector_store %arg14[%swap3A_650, %swap3A_651], %swap3A_654 {strides = array<i32>} : memref<128x128xf32, #tpu.memory_space<vmem>>, vector<1x16xf32>,
        %slice3A_655 = vector.extract_strided_slice %get3A_394 {offsets = [3], sizes = [1], strides = [1]} : vector<16xf32> to vector<1xf32>
        %broadcast_in_dim3A_656 = vector.shape_cast %slice3A_655 : vector<1xf32> to vector<1xf32>
        %broadcast_in_dim3A_657 = vector.broadcast %broadcast_in_dim3A_656 : vector<1xf32> to vector<16xf32>
        %mul3A_658 = arith.constant 16 : i32
        %mul3A_659 = arith.muli %scan3A_387, %mul3A_658 : i32
        %add3A_660 = arith.constant 3 : i32
        %add3A_661 = arith.addi %mul3A_659, %add3A_660 : i32
        %get3A_662 = arith.index_cast %add3A_661 : i32 to index
        %get3A_663 = arith.constant 0 : index
        %get3A_664 = tpu.vector_load %arg14[%get3A_662, %get3A_663] {strides = array<i32>} : memref<128x128xf32, #tpu.memory_space<vmem>>, vector<1x16xf32>,
        %get3A_665 = vector.shape_cast %get3A_664 : vector<1x16xf32> to vector<16xf32>
        %mul3A_666 = arith.mulf %get3A_665, %broadcast_in_dim3A_657 : vector<16xf32>
        %swap3A_667 = arith.index_cast %add3A_661 : i32 to index
        %swap3A_668 = arith.constant 0 : index
        %swap3A_669 = tpu.vector_load %arg14[%swap3A_667, %swap3A_668] {strides = array<i32>} : memref<128x128xf32, #tpu.memory_space<vmem>>, vector<1x16xf32>,
        %swap3A_670 = vector.shape_cast %swap3A_669 : vector<1x16xf32> to vector<16xf32>
        %swap3A_671 = vector.shape_cast %mul3A_666 : vector<16xf32> to vector<1x16xf32>
        tpu.vector_store %arg14[%swap3A_667, %swap3A_668], %swap3A_671 {strides = array<i32>} : memref<128x128xf32, #tpu.memory_space<vmem>>, vector<1x16xf32>,
        %get3A_672 = arith.index_cast %add3A_661 : i32 to index
        %get3A_673 = arith.constant 16 : index
        %get3A_674 = tpu.vector_load %arg14[%get3A_672, %get3A_673] {strides = array<i32>} : memref<128x128xf32, #tpu.memory_space<vmem>>, vector<1x16xf32>,
        %get3A_675 = vector.shape_cast %get3A_674 : vector<1x16xf32> to vector<16xf32>
        %mul3A_676 = arith.mulf %get3A_675, %broadcast_in_dim3A_657 : vector<16xf32>
        %swap3A_677 = arith.index_cast %add3A_661 : i32 to index
        %swap3A_678 = arith.constant 16 : index
        %swap3A_679 = tpu.vector_load %arg14[%swap3A_677, %swap3A_678] {strides = array<i32>} : memref<128x128xf32, #tpu.memory_space<vmem>>, vector<1x16xf32>,
        %swap3A_680 = vector.shape_cast %swap3A_679 : vector<1x16xf32> to vector<16xf32>
        %swap3A_681 = vector.shape_cast %mul3A_676 : vector<16xf32> to vector<1x16xf32>
        tpu.vector_store %arg14[%swap3A_677, %swap3A_678], %swap3A_681 {strides = array<i32>} : memref<128x128xf32, #tpu.memory_space<vmem>>, vector<1x16xf32>,
        %get3A_682 = arith.index_cast %add3A_661 : i32 to index
        %get3A_683 = arith.constant 32 : index
        %get3A_684 = tpu.vector_load %arg14[%get3A_682, %get3A_683] {strides = array<i32>} : memref<128x128xf32, #tpu.memory_space<vmem>>, vector<1x16xf32>,
        %get3A_685 = vector.shape_cast %get3A_684 : vector<1x16xf32> to vector<16xf32>
        %mul3A_686 = arith.mulf %get3A_685, %broadcast_in_dim3A_657 : vector<16xf32>
        %swap3A_687 = arith.index_cast %add3A_661 : i32 to index
        %swap3A_688 = arith.constant 32 : index
        %swap3A_689 = tpu.vector_load %arg14[%swap3A_687, %swap3A_688] {strides = array<i32>} : memref<128x128xf32, #tpu.memory_space<vmem>>, vector<1x16xf32>,
        %swap3A_690 = vector.shape_cast %swap3A_689 : vector<1x16xf32> to vector<16xf32>
        %swap3A_691 = vector.shape_cast %mul3A_686 : vector<16xf32> to vector<1x16xf32>
        tpu.vector_store %arg14[%swap3A_687, %swap3A_688], %swap3A_691 {strides = array<i32>} : memref<128x128xf32, #tpu.memory_space<vmem>>, vector<1x16xf32>,
        %get3A_692 = arith.index_cast %add3A_661 : i32 to index
        %get3A_693 = arith.constant 48 : index
        %get3A_694 = tpu.vector_load %arg14[%get3A_692, %get3A_693] {strides = array<i32>} : memref<128x128xf32, #tpu.memory_space<vmem>>, vector<1x16xf32>,
        %get3A_695 = vector.shape_cast %get3A_694 : vector<1x16xf32> to vector<16xf32>
        %mul3A_696 = arith.mulf %get3A_695, %broadcast_in_dim3A_657 : vector<16xf32>
        %swap3A_697 = arith.index_cast %add3A_661 : i32 to index
        %swap3A_698 = arith.constant 48 : index
        %swap3A_699 = tpu.vector_load %arg14[%swap3A_697, %swap3A_698] {strides = array<i32>} : memref<128x128xf32, #tpu.memory_space<vmem>>, vector<1x16xf32>,
        %swap3A_700 = vector.shape_cast %swap3A_699 : vector<1x16xf32> to vector<16xf32>
        %swap3A_701 = vector.shape_cast %mul3A_696 : vector<16xf32> to vector<1x16xf32>
        tpu.vector_store %arg14[%swap3A_697, %swap3A_698], %swap3A_701 {strides = array<i32>} : memref<128x128xf32, #tpu.memory_space<vmem>>, vector<1x16xf32>,
        %get3A_702 = arith.index_cast %add3A_661 : i32 to index
        %get3A_703 = arith.constant 64 : index
        %get3A_704 = tpu.vector_load %arg14[%get3A_702, %get3A_703] {strides = array<i32>} : memref<128x128xf32, #tpu.memory_space<vmem>>, vector<1x16xf32>,
        %get3A_705 = vector.shape_cast %get3A_704 : vector<1x16xf32> to vector<16xf32>
        %mul3A_706 = arith.mulf %get3A_705, %broadcast_in_dim3A_657 : vector<16xf32>
        %swap3A_707 = arith.index_cast %add3A_661 : i32 to index
        %swap3A_708 = arith.constant 64 : index
        %swap3A_709 = tpu.vector_load %arg14[%swap3A_707, %swap3A_708] {strides = array<i32>} : memref<128x128xf32, #tpu.memory_space<vmem>>, vector<1x16xf32>,
        %swap3A_710 = vector.shape_cast %swap3A_709 : vector<1x16xf32> to vector<16xf32>
        %swap3A_711 = vector.shape_cast %mul3A_706 : vector<16xf32> to vector<1x16xf32>
        tpu.vector_store %arg14[%swap3A_707, %swap3A_708], %swap3A_711 {strides = array<i32>} : memref<128x128xf32, #tpu.memory_space<vmem>>, vector<1x16xf32>,
        %get3A_712 = arith.index_cast %add3A_661 : i32 to index
        %get3A_713 = arith.constant 80 : index
        %get3A_714 = tpu.vector_load %arg14[%get3A_712, %get3A_713] {strides = array<i32>} : memref<128x128xf32, #tpu.memory_space<vmem>>, vector<1x16xf32>,
        %get3A_715 = vector.shape_cast %get3A_714 : vector<1x16xf32> to vector<16xf32>
        %mul3A_716 = arith.mulf %get3A_715, %broadcast_in_dim3A_657 : vector<16xf32>
        %swap3A_717 = arith.index_cast %add3A_661 : i32 to index
        %swap3A_718 = arith.constant 80 : index
        %swap3A_719 = tpu.vector_load %arg14[%swap3A_717, %swap3A_718] {strides = array<i32>} : memref<128x128xf32, #tpu.memory_space<vmem>>, vector<1x16xf32>,
        %swap3A_720 = vector.shape_cast %swap3A_719 : vector<1x16xf32> to vector<16xf32>
        %swap3A_721 = vector.shape_cast %mul3A_716 : vector<16xf32> to vector<1x16xf32>
        tpu.vector_store %arg14[%swap3A_717, %swap3A_718], %swap3A_721 {strides = array<i32>} : memref<128x128xf32, #tpu.memory_space<vmem>>, vector<1x16xf32>,
        %get3A_722 = arith.index_cast %add3A_661 : i32 to index
        %get3A_723 = arith.constant 96 : index
        %get3A_724 = tpu.vector_load %arg14[%get3A_722, %get3A_723] {strides = array<i32>} : memref<128x128xf32, #tpu.memory_space<vmem>>, vector<1x16xf32>,
        %get3A_725 = vector.shape_cast %get3A_724 : vector<1x16xf32> to vector<16xf32>
        %mul3A_726 = arith.mulf %get3A_725, %broadcast_in_dim3A_657 : vector<16xf32>
        %swap3A_727 = arith.index_cast %add3A_661 : i32 to index
        %swap3A_728 = arith.constant 96 : index
        %swap3A_729 = tpu.vector_load %arg14[%swap3A_727, %swap3A_728] {strides = array<i32>} : memref<128x128xf32, #tpu.memory_space<vmem>>, vector<1x16xf32>,
        %swap3A_730 = vector.shape_cast %swap3A_729 : vector<1x16xf32> to vector<16xf32>
        %swap3A_731 = vector.shape_cast %mul3A_726 : vector<16xf32> to vector<1x16xf32>
        tpu.vector_store %arg14[%swap3A_727, %swap3A_728], %swap3A_731 {strides = array<i32>} : memref<128x128xf32, #tpu.memory_space<vmem>>, vector<1x16xf32>,
        %get3A_732 = arith.index_cast %add3A_661 : i32 to index
        %get3A_733 = arith.constant 112 : index
        %get3A_734 = tpu.vector_load %arg14[%get3A_732, %get3A_733] {strides = array<i32>} : memref<128x128xf32, #tpu.memory_space<vmem>>, vector<1x16xf32>,
        %get3A_735 = vector.shape_cast %get3A_734 : vector<1x16xf32> to vector<16xf32>
        %mul3A_736 = arith.mulf %get3A_735, %broadcast_in_dim3A_657 : vector<16xf32>
        %swap3A_737 = arith.index_cast %add3A_661 : i32 to index
        %swap3A_738 = arith.constant 112 : index
        %swap3A_739 = tpu.vector_load %arg14[%swap3A_737, %swap3A_738] {strides = array<i32>} : memref<128x128xf32, #tpu.memory_space<vmem>>, vector<1x16xf32>,
        %swap3A_740 = vector.shape_cast %swap3A_739 : vector<1x16xf32> to vector<16xf32>
        %swap3A_741 = vector.shape_cast %mul3A_736 : vector<16xf32> to vector<1x16xf32>
        tpu.vector_store %arg14[%swap3A_737, %swap3A_738], %swap3A_741 {strides = array<i32>} : memref<128x128xf32, #tpu.memory_space<vmem>>, vector<1x16xf32>,
        %slice3A_742 = vector.extract_strided_slice %get3A_394 {offsets = [4], sizes = [1], strides = [1]} : vector<16xf32> to vector<1xf32>
        %broadcast_in_dim3A_743 = vector.shape_cast %slice3A_742 : vector<1xf32> to vector<1xf32>
        %broadcast_in_dim3A_744 = vector.broadcast %broadcast_in_dim3A_743 : vector<1xf32> to vector<16xf32>
        %mul3A_745 = arith.constant 16 : i32
        %mul3A_746 = arith.muli %scan3A_387, %mul3A_745 : i32
        %add3A_747 = arith.constant 4 : i32
        %add3A_748 = arith.addi %mul3A_746, %add3A_747 : i32
        %get3A_749 = arith.index_cast %add3A_748 : i32 to index
        %get3A_750 = arith.constant 0 : index
        %get3A_751 = tpu.vector_load %arg14[%get3A_749, %get3A_750] {strides = array<i32>} : memref<128x128xf32, #tpu.memory_space<vmem>>, vector<1x16xf32>,
        %get3A_752 = vector.shape_cast %get3A_751 : vector<1x16xf32> to vector<16xf32>
        %mul3A_753 = arith.mulf %get3A_752, %broadcast_in_dim3A_744 : vector<16xf32>
        %swap3A_754 = arith.index_cast %add3A_748 : i32 to index
        %swap3A_755 = arith.constant 0 : index
        %swap3A_756 = tpu.vector_load %arg14[%swap3A_754, %swap3A_755] {strides = array<i32>} : memref<128x128xf32, #tpu.memory_space<vmem>>, vector<1x16xf32>,
        %swap3A_757 = vector.shape_cast %swap3A_756 : vector<1x16xf32> to vector<16xf32>
        %swap3A_758 = vector.shape_cast %mul3A_753 : vector<16xf32> to vector<1x16xf32>
        tpu.vector_store %arg14[%swap3A_754, %swap3A_755], %swap3A_758 {strides = array<i32>} : memref<128x128xf32, #tpu.memory_space<vmem>>, vector<1x16xf32>,
        %get3A_759 = arith.index_cast %add3A_748 : i32 to index
        %get3A_760 = arith.constant 16 : index
        %get3A_761 = tpu.vector_load %arg14[%get3A_759, %get3A_760] {strides = array<i32>} : memref<128x128xf32, #tpu.memory_space<vmem>>, vector<1x16xf32>,
        %get3A_762 = vector.shape_cast %get3A_761 : vector<1x16xf32> to vector<16xf32>
        %mul3A_763 = arith.mulf %get3A_762, %broadcast_in_dim3A_744 : vector<16xf32>
        %swap3A_764 = arith.index_cast %add3A_748 : i32 to index
        %swap3A_765 = arith.constant 16 : index
        %swap3A_766 = tpu.vector_load %arg14[%swap3A_764, %swap3A_765] {strides = array<i32>} : memref<128x128xf32, #tpu.memory_space<vmem>>, vector<1x16xf32>,
        %swap3A_767 = vector.shape_cast %swap3A_766 : vector<1x16xf32> to vector<16xf32>
        %swap3A_768 = vector.shape_cast %mul3A_763 : vector<16xf32> to vector<1x16xf32>
        tpu.vector_store %arg14[%swap3A_764, %swap3A_765], %swap3A_768 {strides = array<i32>} : memref<128x128xf32, #tpu.memory_space<vmem>>, vector<1x16xf32>,
        %get3A_769 = arith.index_cast %add3A_748 : i32 to index
        %get3A_770 = arith.constant 32 : index
        %get3A_771 = tpu.vector_load %arg14[%get3A_769, %get3A_770] {strides = array<i32>} : memref<128x128xf32, #tpu.memory_space<vmem>>, vector<1x16xf32>,
        %get3A_772 = vector.shape_cast %get3A_771 : vector<1x16xf32> to vector<16xf32>
        %mul3A_773 = arith.mulf %get3A_772, %broadcast_in_dim3A_744 : vector<16xf32>
        %swap3A_774 = arith.index_cast %add3A_748 : i32 to index
        %swap3A_775 = arith.constant 32 : index
        %swap3A_776 = tpu.vector_load %arg14[%swap3A_774, %swap3A_775] {strides = array<i32>} : memref<128x128xf32, #tpu.memory_space<vmem>>, vector<1x16xf32>,
        %swap3A_777 = vector.shape_cast %swap3A_776 : vector<1x16xf32> to vector<16xf32>
        %swap3A_778 = vector.shape_cast %mul3A_773 : vector<16xf32> to vector<1x16xf32>
        tpu.vector_store %arg14[%swap3A_774, %swap3A_775], %swap3A_778 {strides = array<i32>} : memref<128x128xf32, #tpu.memory_space<vmem>>, vector<1x16xf32>,
        %get3A_779 = arith.index_cast %add3A_748 : i32 to index
        %get3A_780 = arith.constant 48 : index
        %get3A_781 = tpu.vector_load %arg14[%get3A_779, %get3A_780] {strides = array<i32>} : memref<128x128xf32, #tpu.memory_space<vmem>>, vector<1x16xf32>,
        %get3A_782 = vector.shape_cast %get3A_781 : vector<1x16xf32> to vector<16xf32>
        %mul3A_783 = arith.mulf %get3A_782, %broadcast_in_dim3A_744 : vector<16xf32>
        %swap3A_784 = arith.index_cast %add3A_748 : i32 to index
        %swap3A_785 = arith.constant 48 : index
        %swap3A_786 = tpu.vector_load %arg14[%swap3A_784, %swap3A_785] {strides = array<i32>} : memref<128x128xf32, #tpu.memory_space<vmem>>, vector<1x16xf32>,
        %swap3A_787 = vector.shape_cast %swap3A_786 : vector<1x16xf32> to vector<16xf32>
        %swap3A_788 = vector.shape_cast %mul3A_783 : vector<16xf32> to vector<1x16xf32>
        tpu.vector_store %arg14[%swap3A_784, %swap3A_785], %swap3A_788 {strides = array<i32>} : memref<128x128xf32, #tpu.memory_space<vmem>>, vector<1x16xf32>,
        %get3A_789 = arith.index_cast %add3A_748 : i32 to index
        %get3A_790 = arith.constant 64 : index
        %get3A_791 = tpu.vector_load %arg14[%get3A_789, %get3A_790] {strides = array<i32>} : memref<128x128xf32, #tpu.memory_space<vmem>>, vector<1x16xf32>,
        %get3A_792 = vector.shape_cast %get3A_791 : vector<1x16xf32> to vector<16xf32>
        %mul3A_793 = arith.mulf %get3A_792, %broadcast_in_dim3A_744 : vector<16xf32>
        %swap3A_794 = arith.index_cast %add3A_748 : i32 to index
        %swap3A_795 = arith.constant 64 : index
        %swap3A_796 = tpu.vector_load %arg14[%swap3A_794, %swap3A_795] {strides = array<i32>} : memref<128x128xf32, #tpu.memory_space<vmem>>, vector<1x16xf32>,
        %swap3A_797 = vector.shape_cast %swap3A_796 : vector<1x16xf32> to vector<16xf32>
        %swap3A_798 = vector.shape_cast %mul3A_793 : vector<16xf32> to vector<1x16xf32>
        tpu.vector_store %arg14[%swap3A_794, %swap3A_795], %swap3A_798 {strides = array<i32>} : memref<128x128xf32, #tpu.memory_space<vmem>>, vector<1x16xf32>,
        %get3A_799 = arith.index_cast %add3A_748 : i32 to index
        %get3A_800 = arith.constant 80 : index
        %get3A_801 = tpu.vector_load %arg14[%get3A_799, %get3A_800] {strides = array<i32>} : memref<128x128xf32, #tpu.memory_space<vmem>>, vector<1x16xf32>,
        %get3A_802 = vector.shape_cast %get3A_801 : vector<1x16xf32> to vector<16xf32>
        %mul3A_803 = arith.mulf %get3A_802, %broadcast_in_dim3A_744 : vector<16xf32>
        %swap3A_804 = arith.index_cast %add3A_748 : i32 to index
        %swap3A_805 = arith.constant 80 : index
        %swap3A_806 = tpu.vector_load %arg14[%swap3A_804, %swap3A_805] {strides = array<i32>} : memref<128x128xf32, #tpu.memory_space<vmem>>, vector<1x16xf32>,
        %swap3A_807 = vector.shape_cast %swap3A_806 : vector<1x16xf32> to vector<16xf32>
        %swap3A_808 = vector.shape_cast %mul3A_803 : vector<16xf32> to vector<1x16xf32>
        tpu.vector_store %arg14[%swap3A_804, %swap3A_805], %swap3A_808 {strides = array<i32>} : memref<128x128xf32, #tpu.memory_space<vmem>>, vector<1x16xf32>,
        %get3A_809 = arith.index_cast %add3A_748 : i32 to index
        %get3A_810 = arith.constant 96 : index
        %get3A_811 = tpu.vector_load %arg14[%get3A_809, %get3A_810] {strides = array<i32>} : memref<128x128xf32, #tpu.memory_space<vmem>>, vector<1x16xf32>,
        %get3A_812 = vector.shape_cast %get3A_811 : vector<1x16xf32> to vector<16xf32>
        %mul3A_813 = arith.mulf %get3A_812, %broadcast_in_dim3A_744 : vector<16xf32>
        %swap3A_814 = arith.index_cast %add3A_748 : i32 to index
        %swap3A_815 = arith.constant 96 : index
        %swap3A_816 = tpu.vector_load %arg14[%swap3A_814, %swap3A_815] {strides = array<i32>} : memref<128x128xf32, #tpu.memory_space<vmem>>, vector<1x16xf32>,
        %swap3A_817 = vector.shape_cast %swap3A_816 : vector<1x16xf32> to vector<16xf32>
        %swap3A_818 = vector.shape_cast %mul3A_813 : vector<16xf32> to vector<1x16xf32>
        tpu.vector_store %arg14[%swap3A_814, %swap3A_815], %swap3A_818 {strides = array<i32>} : memref<128x128xf32, #tpu.memory_space<vmem>>, vector<1x16xf32>,
        %get3A_819 = arith.index_cast %add3A_748 : i32 to index
        %get3A_820 = arith.constant 112 : index
        %get3A_821 = tpu.vector_load %arg14[%get3A_819, %get3A_820] {strides = array<i32>} : memref<128x128xf32, #tpu.memory_space<vmem>>, vector<1x16xf32>,
        %get3A_822 = vector.shape_cast %get3A_821 : vector<1x16xf32> to vector<16xf32>
        %mul3A_823 = arith.mulf %get3A_822, %broadcast_in_dim3A_744 : vector<16xf32>
        %swap3A_824 = arith.index_cast %add3A_748 : i32 to index
        %swap3A_825 = arith.constant 112 : index
        %swap3A_826 = tpu.vector_load %arg14[%swap3A_824, %swap3A_825] {strides = array<i32>} : memref<128x128xf32, #tpu.memory_space<vmem>>, vector<1x16xf32>,
        %swap3A_827 = vector.shape_cast %swap3A_826 : vector<1x16xf32> to vector<16xf32>
        %swap3A_828 = vector.shape_cast %mul3A_823 : vector<16xf32> to vector<1x16xf32>
        tpu.vector_store %arg14[%swap3A_824, %swap3A_825], %swap3A_828 {strides = array<i32>} : memref<128x128xf32, #tpu.memory_space<vmem>>, vector<1x16xf32>,
        %slice3A_829 = vector.extract_strided_slice %get3A_394 {offsets = [5], sizes = [1], strides = [1]} : vector<16xf32> to vector<1xf32>
        %broadcast_in_dim3A_830 = vector.shape_cast %slice3A_829 : vector<1xf32> to vector<1xf32>
        %broadcast_in_dim3A_831 = vector.broadcast %broadcast_in_dim3A_830 : vector<1xf32> to vector<16xf32>
        %mul3A_832 = arith.constant 16 : i32
        %mul3A_833 = arith.muli %scan3A_387, %mul3A_832 : i32
        %add3A_834 = arith.constant 5 : i32
        %add3A_835 = arith.addi %mul3A_833, %add3A_834 : i32
        %get3A_836 = arith.index_cast %add3A_835 : i32 to index
        %get3A_837 = arith.constant 0 : index
        %get3A_838 = tpu.vector_load %arg14[%get3A_836, %get3A_837] {strides = array<i32>} : memref<128x128xf32, #tpu.memory_space<vmem>>, vector<1x16xf32>,
        %get3A_839 = vector.shape_cast %get3A_838 : vector<1x16xf32> to vector<16xf32>
        %mul3A_840 = arith.mulf %get3A_839, %broadcast_in_dim3A_831 : vector<16xf32>
        %swap3A_841 = arith.index_cast %add3A_835 : i32 to index
        %swap3A_842 = arith.constant 0 : index
        %swap3A_843 = tpu.vector_load %arg14[%swap3A_841, %swap3A_842] {strides = array<i32>} : memref<128x128xf32, #tpu.memory_space<vmem>>, vector<1x16xf32>,
        %swap3A_844 = vector.shape_cast %swap3A_843 : vector<1x16xf32> to vector<16xf32>
        %swap3A_845 = vector.shape_cast %mul3A_840 : vector<16xf32> to vector<1x16xf32>
        tpu.vector_store %arg14[%swap3A_841, %swap3A_842], %swap3A_845 {strides = array<i32>} : memref<128x128xf32, #tpu.memory_space<vmem>>, vector<1x16xf32>,
        %get3A_846 = arith.index_cast %add3A_835 : i32 to index
        %get3A_847 = arith.constant 16 : index
        %get3A_848 = tpu.vector_load %arg14[%get3A_846, %get3A_847] {strides = array<i32>} : memref<128x128xf32, #tpu.memory_space<vmem>>, vector<1x16xf32>,
        %get3A_849 = vector.shape_cast %get3A_848 : vector<1x16xf32> to vector<16xf32>
        %mul3A_850 = arith.mulf %get3A_849, %broadcast_in_dim3A_831 : vector<16xf32>
        %swap3A_851 = arith.index_cast %add3A_835 : i32 to index
        %swap3A_852 = arith.constant 16 : index
        %swap3A_853 = tpu.vector_load %arg14[%swap3A_851, %swap3A_852] {strides = array<i32>} : memref<128x128xf32, #tpu.memory_space<vmem>>, vector<1x16xf32>,
        %swap3A_854 = vector.shape_cast %swap3A_853 : vector<1x16xf32> to vector<16xf32>
        %swap3A_855 = vector.shape_cast %mul3A_850 : vector<16xf32> to vector<1x16xf32>
        tpu.vector_store %arg14[%swap3A_851, %swap3A_852], %swap3A_855 {strides = array<i32>} : memref<128x128xf32, #tpu.memory_space<vmem>>, vector<1x16xf32>,
        %get3A_856 = arith.index_cast %add3A_835 : i32 to index
        %get3A_857 = arith.constant 32 : index
        %get3A_858 = tpu.vector_load %arg14[%get3A_856, %get3A_857] {strides = array<i32>} : memref<128x128xf32, #tpu.memory_space<vmem>>, vector<1x16xf32>,
        %get3A_859 = vector.shape_cast %get3A_858 : vector<1x16xf32> to vector<16xf32>
        %mul3A_860 = arith.mulf %get3A_859, %broadcast_in_dim3A_831 : vector<16xf32>
        %swap3A_861 = arith.index_cast %add3A_835 : i32 to index
        %swap3A_862 = arith.constant 32 : index
        %swap3A_863 = tpu.vector_load %arg14[%swap3A_861, %swap3A_862] {strides = array<i32>} : memref<128x128xf32, #tpu.memory_space<vmem>>, vector<1x16xf32>,
        %swap3A_864 = vector.shape_cast %swap3A_863 : vector<1x16xf32> to vector<16xf32>
        %swap3A_865 = vector.shape_cast %mul3A_860 : vector<16xf32> to vector<1x16xf32>
        tpu.vector_store %arg14[%swap3A_861, %swap3A_862], %swap3A_865 {strides = array<i32>} : memref<128x128xf32, #tpu.memory_space<vmem>>, vector<1x16xf32>,
        %get3A_866 = arith.index_cast %add3A_835 : i32 to index
        %get3A_867 = arith.constant 48 : index
        %get3A_868 = tpu.vector_load %arg14[%get3A_866, %get3A_867] {strides = array<i32>} : memref<128x128xf32, #tpu.memory_space<vmem>>, vector<1x16xf32>,
        %get3A_869 = vector.shape_cast %get3A_868 : vector<1x16xf32> to vector<16xf32>
        %mul3A_870 = arith.mulf %get3A_869, %broadcast_in_dim3A_831 : vector<16xf32>
        %swap3A_871 = arith.index_cast %add3A_835 : i32 to index
        %swap3A_872 = arith.constant 48 : index
        %swap3A_873 = tpu.vector_load %arg14[%swap3A_871, %swap3A_872] {strides = array<i32>} : memref<128x128xf32, #tpu.memory_space<vmem>>, vector<1x16xf32>,
        %swap3A_874 = vector.shape_cast %swap3A_873 : vector<1x16xf32> to vector<16xf32>
        %swap3A_875 = vector.shape_cast %mul3A_870 : vector<16xf32> to vector<1x16xf32>
        tpu.vector_store %arg14[%swap3A_871, %swap3A_872], %swap3A_875 {strides = array<i32>} : memref<128x128xf32, #tpu.memory_space<vmem>>, vector<1x16xf32>,
        %get3A_876 = arith.index_cast %add3A_835 : i32 to index
        %get3A_877 = arith.constant 64 : index
        %get3A_878 = tpu.vector_load %arg14[%get3A_876, %get3A_877] {strides = array<i32>} : memref<128x128xf32, #tpu.memory_space<vmem>>, vector<1x16xf32>,
        %get3A_879 = vector.shape_cast %get3A_878 : vector<1x16xf32> to vector<16xf32>
        %mul3A_880 = arith.mulf %get3A_879, %broadcast_in_dim3A_831 : vector<16xf32>
        %swap3A_881 = arith.index_cast %add3A_835 : i32 to index
        %swap3A_882 = arith.constant 64 : index
        %swap3A_883 = tpu.vector_load %arg14[%swap3A_881, %swap3A_882] {strides = array<i32>} : memref<128x128xf32, #tpu.memory_space<vmem>>, vector<1x16xf32>,
        %swap3A_884 = vector.shape_cast %swap3A_883 : vector<1x16xf32> to vector<16xf32>
        %swap3A_885 = vector.shape_cast %mul3A_880 : vector<16xf32> to vector<1x16xf32>
        tpu.vector_store %arg14[%swap3A_881, %swap3A_882], %swap3A_885 {strides = array<i32>} : memref<128x128xf32, #tpu.memory_space<vmem>>, vector<1x16xf32>,
        %get3A_886 = arith.index_cast %add3A_835 : i32 to index
        %get3A_887 = arith.constant 80 : index
        %get3A_888 = tpu.vector_load %arg14[%get3A_886, %get3A_887] {strides = array<i32>} : memref<128x128xf32, #tpu.memory_space<vmem>>, vector<1x16xf32>,
        %get3A_889 = vector.shape_cast %get3A_888 : vector<1x16xf32> to vector<16xf32>
        %mul3A_890 = arith.mulf %get3A_889, %broadcast_in_dim3A_831 : vector<16xf32>
        %swap3A_891 = arith.index_cast %add3A_835 : i32 to index
        %swap3A_892 = arith.constant 80 : index
        %swap3A_893 = tpu.vector_load %arg14[%swap3A_891, %swap3A_892] {strides = array<i32>} : memref<128x128xf32, #tpu.memory_space<vmem>>, vector<1x16xf32>,
        %swap3A_894 = vector.shape_cast %swap3A_893 : vector<1x16xf32> to vector<16xf32>
        %swap3A_895 = vector.shape_cast %mul3A_890 : vector<16xf32> to vector<1x16xf32>
        tpu.vector_store %arg14[%swap3A_891, %swap3A_892], %swap3A_895 {strides = array<i32>} : memref<128x128xf32, #tpu.memory_space<vmem>>, vector<1x16xf32>,
        %get3A_896 = arith.index_cast %add3A_835 : i32 to index
        %get3A_897 = arith.constant 96 : index
        %get3A_898 = tpu.vector_load %arg14[%get3A_896, %get3A_897] {strides = array<i32>} : memref<128x128xf32, #tpu.memory_space<vmem>>, vector<1x16xf32>,
        %get3A_899 = vector.shape_cast %get3A_898 : vector<1x16xf32> to vector<16xf32>
        %mul3A_900 = arith.mulf %get3A_899, %broadcast_in_dim3A_831 : vector<16xf32>
        %swap3A_901 = arith.index_cast %add3A_835 : i32 to index
        %swap3A_902 = arith.constant 96 : index
        %swap3A_903 = tpu.vector_load %arg14[%swap3A_901, %swap3A_902] {strides = array<i32>} : memref<128x128xf32, #tpu.memory_space<vmem>>, vector<1x16xf32>,
        %swap3A_904 = vector.shape_cast %swap3A_903 : vector<1x16xf32> to vector<16xf32>
        %swap3A_905 = vector.shape_cast %mul3A_900 : vector<16xf32> to vector<1x16xf32>
        tpu.vector_store %arg14[%swap3A_901, %swap3A_902], %swap3A_905 {strides = array<i32>} : memref<128x128xf32, #tpu.memory_space<vmem>>, vector<1x16xf32>,
        %get3A_906 = arith.index_cast %add3A_835 : i32 to index
        %get3A_907 = arith.constant 112 : index
        %get3A_908 = tpu.vector_load %arg14[%get3A_906, %get3A_907] {strides = array<i32>} : memref<128x128xf32, #tpu.memory_space<vmem>>, vector<1x16xf32>,
        %get3A_909 = vector.shape_cast %get3A_908 : vector<1x16xf32> to vector<16xf32>
        %mul3A_910 = arith.mulf %get3A_909, %broadcast_in_dim3A_831 : vector<16xf32>
        %swap3A_911 = arith.index_cast %add3A_835 : i32 to index
        %swap3A_912 = arith.constant 112 : index
        %swap3A_913 = tpu.vector_load %arg14[%swap3A_911, %swap3A_912] {strides = array<i32>} : memref<128x128xf32, #tpu.memory_space<vmem>>, vector<1x16xf32>,
        %swap3A_914 = vector.shape_cast %swap3A_913 : vector<1x16xf32> to vector<16xf32>
        %swap3A_915 = vector.shape_cast %mul3A_910 : vector<16xf32> to vector<1x16xf32>
        tpu.vector_store %arg14[%swap3A_911, %swap3A_912], %swap3A_915 {strides = array<i32>} : memref<128x128xf32, #tpu.memory_space<vmem>>, vector<1x16xf32>,
        %slice3A_916 = vector.extract_strided_slice %get3A_394 {offsets = [6], sizes = [1], strides = [1]} : vector<16xf32> to vector<1xf32>
        %broadcast_in_dim3A_917 = vector.shape_cast %slice3A_916 : vector<1xf32> to vector<1xf32>
        %broadcast_in_dim3A_918 = vector.broadcast %broadcast_in_dim3A_917 : vector<1xf32> to vector<16xf32>
        %mul3A_919 = arith.constant 16 : i32
        %mul3A_920 = arith.muli %scan3A_387, %mul3A_919 : i32
        %add3A_921 = arith.constant 6 : i32
        %add3A_922 = arith.addi %mul3A_920, %add3A_921 : i32
        %get3A_923 = arith.index_cast %add3A_922 : i32 to index
        %get3A_924 = arith.constant 0 : index
        %get3A_925 = tpu.vector_load %arg14[%get3A_923, %get3A_924] {strides = array<i32>} : memref<128x128xf32, #tpu.memory_space<vmem>>, vector<1x16xf32>,
        %get3A_926 = vector.shape_cast %get3A_925 : vector<1x16xf32> to vector<16xf32>
        %mul3A_927 = arith.mulf %get3A_926, %broadcast_in_dim3A_918 : vector<16xf32>
        %swap3A_928 = arith.index_cast %add3A_922 : i32 to index
        %swap3A_929 = arith.constant 0 : index
        %swap3A_930 = tpu.vector_load %arg14[%swap3A_928, %swap3A_929] {strides = array<i32>} : memref<128x128xf32, #tpu.memory_space<vmem>>, vector<1x16xf32>,
        %swap3A_931 = vector.shape_cast %swap3A_930 : vector<1x16xf32> to vector<16xf32>
        %swap3A_932 = vector.shape_cast %mul3A_927 : vector<16xf32> to vector<1x16xf32>
        tpu.vector_store %arg14[%swap3A_928, %swap3A_929], %swap3A_932 {strides = array<i32>} : memref<128x128xf32, #tpu.memory_space<vmem>>, vector<1x16xf32>,
        %get3A_933 = arith.index_cast %add3A_922 : i32 to index
        %get3A_934 = arith.constant 16 : index
        %get3A_935 = tpu.vector_load %arg14[%get3A_933, %get3A_934] {strides = array<i32>} : memref<128x128xf32, #tpu.memory_space<vmem>>, vector<1x16xf32>,
        %get3A_936 = vector.shape_cast %get3A_935 : vector<1x16xf32> to vector<16xf32>
        %mul3A_937 = arith.mulf %get3A_936, %broadcast_in_dim3A_918 : vector<16xf32>
        %swap3A_938 = arith.index_cast %add3A_922 : i32 to index
        %swap3A_939 = arith.constant 16 : index
        %swap3A_940 = tpu.vector_load %arg14[%swap3A_938, %swap3A_939] {strides = array<i32>} : memref<128x128xf32, #tpu.memory_space<vmem>>, vector<1x16xf32>,
        %swap3A_941 = vector.shape_cast %swap3A_940 : vector<1x16xf32> to vector<16xf32>
        %swap3A_942 = vector.shape_cast %mul3A_937 : vector<16xf32> to vector<1x16xf32>
        tpu.vector_store %arg14[%swap3A_938, %swap3A_939], %swap3A_942 {strides = array<i32>} : memref<128x128xf32, #tpu.memory_space<vmem>>, vector<1x16xf32>,
        %get3A_943 = arith.index_cast %add3A_922 : i32 to index
        %get3A_944 = arith.constant 32 : index
        %get3A_945 = tpu.vector_load %arg14[%get3A_943, %get3A_944] {strides = array<i32>} : memref<128x128xf32, #tpu.memory_space<vmem>>, vector<1x16xf32>,
        %get3A_946 = vector.shape_cast %get3A_945 : vector<1x16xf32> to vector<16xf32>
        %mul3A_947 = arith.mulf %get3A_946, %broadcast_in_dim3A_918 : vector<16xf32>
        %swap3A_948 = arith.index_cast %add3A_922 : i32 to index
        %swap3A_949 = arith.constant 32 : index
        %swap3A_950 = tpu.vector_load %arg14[%swap3A_948, %swap3A_949] {strides = array<i32>} : memref<128x128xf32, #tpu.memory_space<vmem>>, vector<1x16xf32>,
        %swap3A_951 = vector.shape_cast %swap3A_950 : vector<1x16xf32> to vector<16xf32>
        %swap3A_952 = vector.shape_cast %mul3A_947 : vector<16xf32> to vector<1x16xf32>
        tpu.vector_store %arg14[%swap3A_948, %swap3A_949], %swap3A_952 {strides = array<i32>} : memref<128x128xf32, #tpu.memory_space<vmem>>, vector<1x16xf32>,
        %get3A_953 = arith.index_cast %add3A_922 : i32 to index
        %get3A_954 = arith.constant 48 : index
        %get3A_955 = tpu.vector_load %arg14[%get3A_953, %get3A_954] {strides = array<i32>} : memref<128x128xf32, #tpu.memory_space<vmem>>, vector<1x16xf32>,
        %get3A_956 = vector.shape_cast %get3A_955 : vector<1x16xf32> to vector<16xf32>
        %mul3A_957 = arith.mulf %get3A_956, %broadcast_in_dim3A_918 : vector<16xf32>
        %swap3A_958 = arith.index_cast %add3A_922 : i32 to index
        %swap3A_959 = arith.constant 48 : index
        %swap3A_960 = tpu.vector_load %arg14[%swap3A_958, %swap3A_959] {strides = array<i32>} : memref<128x128xf32, #tpu.memory_space<vmem>>, vector<1x16xf32>,
        %swap3A_961 = vector.shape_cast %swap3A_960 : vector<1x16xf32> to vector<16xf32>
        %swap3A_962 = vector.shape_cast %mul3A_957 : vector<16xf32> to vector<1x16xf32>
        tpu.vector_store %arg14[%swap3A_958, %swap3A_959], %swap3A_962 {strides = array<i32>} : memref<128x128xf32, #tpu.memory_space<vmem>>, vector<1x16xf32>,
        %get3A_963 = arith.index_cast %add3A_922 : i32 to index
        %get3A_964 = arith.constant 64 : index
        %get3A_965 = tpu.vector_load %arg14[%get3A_963, %get3A_964] {strides = array<i32>} : memref<128x128xf32, #tpu.memory_space<vmem>>, vector<1x16xf32>,
        %get3A_966 = vector.shape_cast %get3A_965 : vector<1x16xf32> to vector<16xf32>
        %mul3A_967 = arith.mulf %get3A_966, %broadcast_in_dim3A_918 : vector<16xf32>
        %swap3A_968 = arith.index_cast %add3A_922 : i32 to index
        %swap3A_969 = arith.constant 64 : index
        %swap3A_970 = tpu.vector_load %arg14[%swap3A_968, %swap3A_969] {strides = array<i32>} : memref<128x128xf32, #tpu.memory_space<vmem>>, vector<1x16xf32>,
        %swap3A_971 = vector.shape_cast %swap3A_970 : vector<1x16xf32> to vector<16xf32>
        %swap3A_972 = vector.shape_cast %mul3A_967 : vector<16xf32> to vector<1x16xf32>
        tpu.vector_store %arg14[%swap3A_968, %swap3A_969], %swap3A_972 {strides = array<i32>} : memref<128x128xf32, #tpu.memory_space<vmem>>, vector<1x16xf32>,
        %get3A_973 = arith.index_cast %add3A_922 : i32 to index
        %get3A_974 = arith.constant 80 : index
        %get3A_975 = tpu.vector_load %arg14[%get3A_973, %get3A_974] {strides = array<i32>} : memref<128x128xf32, #tpu.memory_space<vmem>>, vector<1x16xf32>,
        %get3A_976 = vector.shape_cast %get3A_975 : vector<1x16xf32> to vector<16xf32>
        %mul3A_977 = arith.mulf %get3A_976, %broadcast_in_dim3A_918 : vector<16xf32>
        %swap3A_978 = arith.index_cast %add3A_922 : i32 to index
        %swap3A_979 = arith.constant 80 : index
        %swap3A_980 = tpu.vector_load %arg14[%swap3A_978, %swap3A_979] {strides = array<i32>} : memref<128x128xf32, #tpu.memory_space<vmem>>, vector<1x16xf32>,
        %swap3A_981 = vector.shape_cast %swap3A_980 : vector<1x16xf32> to vector<16xf32>
        %swap3A_982 = vector.shape_cast %mul3A_977 : vector<16xf32> to vector<1x16xf32>
        tpu.vector_store %arg14[%swap3A_978, %swap3A_979], %swap3A_982 {strides = array<i32>} : memref<128x128xf32, #tpu.memory_space<vmem>>, vector<1x16xf32>,
        %get3A_983 = arith.index_cast %add3A_922 : i32 to index
        %get3A_984 = arith.constant 96 : index
        %get3A_985 = tpu.vector_load %arg14[%get3A_983, %get3A_984] {strides = array<i32>} : memref<128x128xf32, #tpu.memory_space<vmem>>, vector<1x16xf32>,
        %get3A_986 = vector.shape_cast %get3A_985 : vector<1x16xf32> to vector<16xf32>
        %mul3A_987 = arith.mulf %get3A_986, %broadcast_in_dim3A_918 : vector<16xf32>
        %swap3A_988 = arith.index_cast %add3A_922 : i32 to index
        %swap3A_989 = arith.constant 96 : index
        %swap3A_990 = tpu.vector_load %arg14[%swap3A_988, %swap3A_989] {strides = array<i32>} : memref<128x128xf32, #tpu.memory_space<vmem>>, vector<1x16xf32>,
        %swap3A_991 = vector.shape_cast %swap3A_990 : vector<1x16xf32> to vector<16xf32>
        %swap3A_992 = vector.shape_cast %mul3A_987 : vector<16xf32> to vector<1x16xf32>
        tpu.vector_store %arg14[%swap3A_988, %swap3A_989], %swap3A_992 {strides = array<i32>} : memref<128x128xf32, #tpu.memory_space<vmem>>, vector<1x16xf32>,
        %get3A_993 = arith.index_cast %add3A_922 : i32 to index
        %get3A_994 = arith.constant 112 : index
        %get3A_995 = tpu.vector_load %arg14[%get3A_993, %get3A_994] {strides = array<i32>} : memref<128x128xf32, #tpu.memory_space<vmem>>, vector<1x16xf32>,
        %get3A_996 = vector.shape_cast %get3A_995 : vector<1x16xf32> to vector<16xf32>
        %mul3A_997 = arith.mulf %get3A_996, %broadcast_in_dim3A_918 : vector<16xf32>
        %swap3A_998 = arith.index_cast %add3A_922 : i32 to index
        %swap3A_999 = arith.constant 112 : index
        %swap3A_1000 = tpu.vector_load %arg14[%swap3A_998, %swap3A_999] {strides = array<i32>} : memref<128x128xf32, #tpu.memory_space<vmem>>, vector<1x16xf32>,
        %swap3A_1001 = vector.shape_cast %swap3A_1000 : vector<1x16xf32> to vector<16xf32>
        %swap3A_1002 = vector.shape_cast %mul3A_997 : vector<16xf32> to vector<1x16xf32>
        tpu.vector_store %arg14[%swap3A_998, %swap3A_999], %swap3A_1002 {strides = array<i32>} : memref<128x128xf32, #tpu.memory_space<vmem>>, vector<1x16xf32>,
        %slice3A_1003 = vector.extract_strided_slice %get3A_394 {offsets = [7], sizes = [1], strides = [1]} : vector<16xf32> to vector<1xf32>
        %broadcast_in_dim3A_1004 = vector.shape_cast %slice3A_1003 : vector<1xf32> to vector<1xf32>
        %broadcast_in_dim3A_1005 = vector.broadcast %broadcast_in_dim3A_1004 : vector<1xf32> to vector<16xf32>
        %mul3A_1006 = arith.constant 16 : i32
        %mul3A_1007 = arith.muli %scan3A_387, %mul3A_1006 : i32
        %add3A_1008 = arith.constant 7 : i32
        %add3A_1009 = arith.addi %mul3A_1007, %add3A_1008 : i32
        %get3A_1010 = arith.index_cast %add3A_1009 : i32 to index
        %get3A_1011 = arith.constant 0 : index
        %get3A_1012 = tpu.vector_load %arg14[%get3A_1010, %get3A_1011] {strides = array<i32>} : memref<128x128xf32, #tpu.memory_space<vmem>>, vector<1x16xf32>,
        %get3A_1013 = vector.shape_cast %get3A_1012 : vector<1x16xf32> to vector<16xf32>
        %mul3A_1014 = arith.mulf %get3A_1013, %broadcast_in_dim3A_1005 : vector<16xf32>
        %swap3A_1015 = arith.index_cast %add3A_1009 : i32 to index
        %swap3A_1016 = arith.constant 0 : index
        %swap3A_1017 = tpu.vector_load %arg14[%swap3A_1015, %swap3A_1016] {strides = array<i32>} : memref<128x128xf32, #tpu.memory_space<vmem>>, vector<1x16xf32>,
        %swap3A_1018 = vector.shape_cast %swap3A_1017 : vector<1x16xf32> to vector<16xf32>
        %swap3A_1019 = vector.shape_cast %mul3A_1014 : vector<16xf32> to vector<1x16xf32>
        tpu.vector_store %arg14[%swap3A_1015, %swap3A_1016], %swap3A_1019 {strides = array<i32>} : memref<128x128xf32, #tpu.memory_space<vmem>>, vector<1x16xf32>,
        %get3A_1020 = arith.index_cast %add3A_1009 : i32 to index
        %get3A_1021 = arith.constant 16 : index
        %get3A_1022 = tpu.vector_load %arg14[%get3A_1020, %get3A_1021] {strides = array<i32>} : memref<128x128xf32, #tpu.memory_space<vmem>>, vector<1x16xf32>,
        %get3A_1023 = vector.shape_cast %get3A_1022 : vector<1x16xf32> to vector<16xf32>
        %mul3A_1024 = arith.mulf %get3A_1023, %broadcast_in_dim3A_1005 : vector<16xf32>
        %swap3A_1025 = arith.index_cast %add3A_1009 : i32 to index
        %swap3A_1026 = arith.constant 16 : index
        %swap3A_1027 = tpu.vector_load %arg14[%swap3A_1025, %swap3A_1026] {strides = array<i32>} : memref<128x128xf32, #tpu.memory_space<vmem>>, vector<1x16xf32>,
        %swap3A_1028 = vector.shape_cast %swap3A_1027 : vector<1x16xf32> to vector<16xf32>
        %swap3A_1029 = vector.shape_cast %mul3A_1024 : vector<16xf32> to vector<1x16xf32>
        tpu.vector_store %arg14[%swap3A_1025, %swap3A_1026], %swap3A_1029 {strides = array<i32>} : memref<128x128xf32, #tpu.memory_space<vmem>>, vector<1x16xf32>,
        %get3A_1030 = arith.index_cast %add3A_1009 : i32 to index
        %get3A_1031 = arith.constant 32 : index
        %get3A_1032 = tpu.vector_load %arg14[%get3A_1030, %get3A_1031] {strides = array<i32>} : memref<128x128xf32, #tpu.memory_space<vmem>>, vector<1x16xf32>,
        %get3A_1033 = vector.shape_cast %get3A_1032 : vector<1x16xf32> to vector<16xf32>
        %mul3A_1034 = arith.mulf %get3A_1033, %broadcast_in_dim3A_1005 : vector<16xf32>
        %swap3A_1035 = arith.index_cast %add3A_1009 : i32 to index
        %swap3A_1036 = arith.constant 32 : index
        %swap3A_1037 = tpu.vector_load %arg14[%swap3A_1035, %swap3A_1036] {strides = array<i32>} : memref<128x128xf32, #tpu.memory_space<vmem>>, vector<1x16xf32>,
        %swap3A_1038 = vector.shape_cast %swap3A_1037 : vector<1x16xf32> to vector<16xf32>
        %swap3A_1039 = vector.shape_cast %mul3A_1034 : vector<16xf32> to vector<1x16xf32>
        tpu.vector_store %arg14[%swap3A_1035, %swap3A_1036], %swap3A_1039 {strides = array<i32>} : memref<128x128xf32, #tpu.memory_space<vmem>>, vector<1x16xf32>,
        %get3A_1040 = arith.index_cast %add3A_1009 : i32 to index
        %get3A_1041 = arith.constant 48 : index
        %get3A_1042 = tpu.vector_load %arg14[%get3A_1040, %get3A_1041] {strides = array<i32>} : memref<128x128xf32, #tpu.memory_space<vmem>>, vector<1x16xf32>,
        %get3A_1043 = vector.shape_cast %get3A_1042 : vector<1x16xf32> to vector<16xf32>
        %mul3A_1044 = arith.mulf %get3A_1043, %broadcast_in_dim3A_1005 : vector<16xf32>
        %swap3A_1045 = arith.index_cast %add3A_1009 : i32 to index
        %swap3A_1046 = arith.constant 48 : index
        %swap3A_1047 = tpu.vector_load %arg14[%swap3A_1045, %swap3A_1046] {strides = array<i32>} : memref<128x128xf32, #tpu.memory_space<vmem>>, vector<1x16xf32>,
        %swap3A_1048 = vector.shape_cast %swap3A_1047 : vector<1x16xf32> to vector<16xf32>
        %swap3A_1049 = vector.shape_cast %mul3A_1044 : vector<16xf32> to vector<1x16xf32>
        tpu.vector_store %arg14[%swap3A_1045, %swap3A_1046], %swap3A_1049 {strides = array<i32>} : memref<128x128xf32, #tpu.memory_space<vmem>>, vector<1x16xf32>,
        %get3A_1050 = arith.index_cast %add3A_1009 : i32 to index
        %get3A_1051 = arith.constant 64 : index
        %get3A_1052 = tpu.vector_load %arg14[%get3A_1050, %get3A_1051] {strides = array<i32>} : memref<128x128xf32, #tpu.memory_space<vmem>>, vector<1x16xf32>,
        %get3A_1053 = vector.shape_cast %get3A_1052 : vector<1x16xf32> to vector<16xf32>
        %mul3A_1054 = arith.mulf %get3A_1053, %broadcast_in_dim3A_1005 : vector<16xf32>
        %swap3A_1055 = arith.index_cast %add3A_1009 : i32 to index
        %swap3A_1056 = arith.constant 64 : index
        %swap3A_1057 = tpu.vector_load %arg14[%swap3A_1055, %swap3A_1056] {strides = array<i32>} : memref<128x128xf32, #tpu.memory_space<vmem>>, vector<1x16xf32>,
        %swap3A_1058 = vector.shape_cast %swap3A_1057 : vector<1x16xf32> to vector<16xf32>
        %swap3A_1059 = vector.shape_cast %mul3A_1054 : vector<16xf32> to vector<1x16xf32>
        tpu.vector_store %arg14[%swap3A_1055, %swap3A_1056], %swap3A_1059 {strides = array<i32>} : memref<128x128xf32, #tpu.memory_space<vmem>>, vector<1x16xf32>,
        %get3A_1060 = arith.index_cast %add3A_1009 : i32 to index
        %get3A_1061 = arith.constant 80 : index
        %get3A_1062 = tpu.vector_load %arg14[%get3A_1060, %get3A_1061] {strides = array<i32>} : memref<128x128xf32, #tpu.memory_space<vmem>>, vector<1x16xf32>,
        %get3A_1063 = vector.shape_cast %get3A_1062 : vector<1x16xf32> to vector<16xf32>
        %mul3A_1064 = arith.mulf %get3A_1063, %broadcast_in_dim3A_1005 : vector<16xf32>
        %swap3A_1065 = arith.index_cast %add3A_1009 : i32 to index
        %swap3A_1066 = arith.constant 80 : index
        %swap3A_1067 = tpu.vector_load %arg14[%swap3A_1065, %swap3A_1066] {strides = array<i32>} : memref<128x128xf32, #tpu.memory_space<vmem>>, vector<1x16xf32>,
        %swap3A_1068 = vector.shape_cast %swap3A_1067 : vector<1x16xf32> to vector<16xf32>
        %swap3A_1069 = vector.shape_cast %mul3A_1064 : vector<16xf32> to vector<1x16xf32>
        tpu.vector_store %arg14[%swap3A_1065, %swap3A_1066], %swap3A_1069 {strides = array<i32>} : memref<128x128xf32, #tpu.memory_space<vmem>>, vector<1x16xf32>,
        %get3A_1070 = arith.index_cast %add3A_1009 : i32 to index
        %get3A_1071 = arith.constant 96 : index
        %get3A_1072 = tpu.vector_load %arg14[%get3A_1070, %get3A_1071] {strides = array<i32>} : memref<128x128xf32, #tpu.memory_space<vmem>>, vector<1x16xf32>,
        %get3A_1073 = vector.shape_cast %get3A_1072 : vector<1x16xf32> to vector<16xf32>
        %mul3A_1074 = arith.mulf %get3A_1073, %broadcast_in_dim3A_1005 : vector<16xf32>
        %swap3A_1075 = arith.index_cast %add3A_1009 : i32 to index
        %swap3A_1076 = arith.constant 96 : index
        %swap3A_1077 = tpu.vector_load %arg14[%swap3A_1075, %swap3A_1076] {strides = array<i32>} : memref<128x128xf32, #tpu.memory_space<vmem>>, vector<1x16xf32>,
        %swap3A_1078 = vector.shape_cast %swap3A_1077 : vector<1x16xf32> to vector<16xf32>
        %swap3A_1079 = vector.shape_cast %mul3A_1074 : vector<16xf32> to vector<1x16xf32>
        tpu.vector_store %arg14[%swap3A_1075, %swap3A_1076], %swap3A_1079 {strides = array<i32>} : memref<128x128xf32, #tpu.memory_space<vmem>>, vector<1x16xf32>,
        %get3A_1080 = arith.index_cast %add3A_1009 : i32 to index
        %get3A_1081 = arith.constant 112 : index
        %get3A_1082 = tpu.vector_load %arg14[%get3A_1080, %get3A_1081] {strides = array<i32>} : memref<128x128xf32, #tpu.memory_space<vmem>>, vector<1x16xf32>,
        %get3A_1083 = vector.shape_cast %get3A_1082 : vector<1x16xf32> to vector<16xf32>
        %mul3A_1084 = arith.mulf %get3A_1083, %broadcast_in_dim3A_1005 : vector<16xf32>
        %swap3A_1085 = arith.index_cast %add3A_1009 : i32 to index
        %swap3A_1086 = arith.constant 112 : index
        %swap3A_1087 = tpu.vector_load %arg14[%swap3A_1085, %swap3A_1086] {strides = array<i32>} : memref<128x128xf32, #tpu.memory_space<vmem>>, vector<1x16xf32>,
        %swap3A_1088 = vector.shape_cast %swap3A_1087 : vector<1x16xf32> to vector<16xf32>
        %swap3A_1089 = vector.shape_cast %mul3A_1084 : vector<16xf32> to vector<1x16xf32>
        tpu.vector_store %arg14[%swap3A_1085, %swap3A_1086], %swap3A_1089 {strides = array<i32>} : memref<128x128xf32, #tpu.memory_space<vmem>>, vector<1x16xf32>,
        %slice3A_1090 = vector.extract_strided_slice %get3A_394 {offsets = [8], sizes = [1], strides = [1]} : vector<16xf32> to vector<1xf32>
        %broadcast_in_dim3A_1091 = vector.shape_cast %slice3A_1090 : vector<1xf32> to vector<1xf32>
        %broadcast_in_dim3A_1092 = vector.broadcast %broadcast_in_dim3A_1091 : vector<1xf32> to vector<16xf32>
        %mul3A_1093 = arith.constant 16 : i32
        %mul3A_1094 = arith.muli %scan3A_387, %mul3A_1093 : i32
        %add3A_1095 = arith.constant 8 : i32
        %add3A_1096 = arith.addi %mul3A_1094, %add3A_1095 : i32
        %get3A_1097 = arith.index_cast %add3A_1096 : i32 to index
        %get3A_1098 = arith.constant 0 : index
        %get3A_1099 = tpu.vector_load %arg14[%get3A_1097, %get3A_1098] {strides = array<i32>} : memref<128x128xf32, #tpu.memory_space<vmem>>, vector<1x16xf32>,
        %get3A_1100 = vector.shape_cast %get3A_1099 : vector<1x16xf32> to vector<16xf32>
        %mul3A_1101 = arith.mulf %get3A_1100, %broadcast_in_dim3A_1092 : vector<16xf32>
        %swap3A_1102 = arith.index_cast %add3A_1096 : i32 to index
        %swap3A_1103 = arith.constant 0 : index
        %swap3A_1104 = tpu.vector_load %arg14[%swap3A_1102, %swap3A_1103] {strides = array<i32>} : memref<128x128xf32, #tpu.memory_space<vmem>>, vector<1x16xf32>,
        %swap3A_1105 = vector.shape_cast %swap3A_1104 : vector<1x16xf32> to vector<16xf32>
        %swap3A_1106 = vector.shape_cast %mul3A_1101 : vector<16xf32> to vector<1x16xf32>
        tpu.vector_store %arg14[%swap3A_1102, %swap3A_1103], %swap3A_1106 {strides = array<i32>} : memref<128x128xf32, #tpu.memory_space<vmem>>, vector<1x16xf32>,
        %get3A_1107 = arith.index_cast %add3A_1096 : i32 to index
        %get3A_1108 = arith.constant 16 : index
        %get3A_1109 = tpu.vector_load %arg14[%get3A_1107, %get3A_1108] {strides = array<i32>} : memref<128x128xf32, #tpu.memory_space<vmem>>, vector<1x16xf32>,
        %get3A_1110 = vector.shape_cast %get3A_1109 : vector<1x16xf32> to vector<16xf32>
        %mul3A_1111 = arith.mulf %get3A_1110, %broadcast_in_dim3A_1092 : vector<16xf32>
        %swap3A_1112 = arith.index_cast %add3A_1096 : i32 to index
        %swap3A_1113 = arith.constant 16 : index
        %swap3A_1114 = tpu.vector_load %arg14[%swap3A_1112, %swap3A_1113] {strides = array<i32>} : memref<128x128xf32, #tpu.memory_space<vmem>>, vector<1x16xf32>,
        %swap3A_1115 = vector.shape_cast %swap3A_1114 : vector<1x16xf32> to vector<16xf32>
        %swap3A_1116 = vector.shape_cast %mul3A_1111 : vector<16xf32> to vector<1x16xf32>
        tpu.vector_store %arg14[%swap3A_1112, %swap3A_1113], %swap3A_1116 {strides = array<i32>} : memref<128x128xf32, #tpu.memory_space<vmem>>, vector<1x16xf32>,
        %get3A_1117 = arith.index_cast %add3A_1096 : i32 to index
        %get3A_1118 = arith.constant 32 : index
        %get3A_1119 = tpu.vector_load %arg14[%get3A_1117, %get3A_1118] {strides = array<i32>} : memref<128x128xf32, #tpu.memory_space<vmem>>, vector<1x16xf32>,
        %get3A_1120 = vector.shape_cast %get3A_1119 : vector<1x16xf32> to vector<16xf32>
        %mul3A_1121 = arith.mulf %get3A_1120, %broadcast_in_dim3A_1092 : vector<16xf32>
        %swap3A_1122 = arith.index_cast %add3A_1096 : i32 to index
        %swap3A_1123 = arith.constant 32 : index
        %swap3A_1124 = tpu.vector_load %arg14[%swap3A_1122, %swap3A_1123] {strides = array<i32>} : memref<128x128xf32, #tpu.memory_space<vmem>>, vector<1x16xf32>,
        %swap3A_1125 = vector.shape_cast %swap3A_1124 : vector<1x16xf32> to vector<16xf32>
        %swap3A_1126 = vector.shape_cast %mul3A_1121 : vector<16xf32> to vector<1x16xf32>
        tpu.vector_store %arg14[%swap3A_1122, %swap3A_1123], %swap3A_1126 {strides = array<i32>} : memref<128x128xf32, #tpu.memory_space<vmem>>, vector<1x16xf32>,
        %get3A_1127 = arith.index_cast %add3A_1096 : i32 to index
        %get3A_1128 = arith.constant 48 : index
        %get3A_1129 = tpu.vector_load %arg14[%get3A_1127, %get3A_1128] {strides = array<i32>} : memref<128x128xf32, #tpu.memory_space<vmem>>, vector<1x16xf32>,
        %get3A_1130 = vector.shape_cast %get3A_1129 : vector<1x16xf32> to vector<16xf32>
        %mul3A_1131 = arith.mulf %get3A_1130, %broadcast_in_dim3A_1092 : vector<16xf32>
        %swap3A_1132 = arith.index_cast %add3A_1096 : i32 to index
        %swap3A_1133 = arith.constant 48 : index
        %swap3A_1134 = tpu.vector_load %arg14[%swap3A_1132, %swap3A_1133] {strides = array<i32>} : memref<128x128xf32, #tpu.memory_space<vmem>>, vector<1x16xf32>,
        %swap3A_1135 = vector.shape_cast %swap3A_1134 : vector<1x16xf32> to vector<16xf32>
        %swap3A_1136 = vector.shape_cast %mul3A_1131 : vector<16xf32> to vector<1x16xf32>
        tpu.vector_store %arg14[%swap3A_1132, %swap3A_1133], %swap3A_1136 {strides = array<i32>} : memref<128x128xf32, #tpu.memory_space<vmem>>, vector<1x16xf32>,
        %get3A_1137 = arith.index_cast %add3A_1096 : i32 to index
        %get3A_1138 = arith.constant 64 : index
        %get3A_1139 = tpu.vector_load %arg14[%get3A_1137, %get3A_1138] {strides = array<i32>} : memref<128x128xf32, #tpu.memory_space<vmem>>, vector<1x16xf32>,
        %get3A_1140 = vector.shape_cast %get3A_1139 : vector<1x16xf32> to vector<16xf32>
        %mul3A_1141 = arith.mulf %get3A_1140, %broadcast_in_dim3A_1092 : vector<16xf32>
        %swap3A_1142 = arith.index_cast %add3A_1096 : i32 to index
        %swap3A_1143 = arith.constant 64 : index
        %swap3A_1144 = tpu.vector_load %arg14[%swap3A_1142, %swap3A_1143] {strides = array<i32>} : memref<128x128xf32, #tpu.memory_space<vmem>>, vector<1x16xf32>,
        %swap3A_1145 = vector.shape_cast %swap3A_1144 : vector<1x16xf32> to vector<16xf32>
        %swap3A_1146 = vector.shape_cast %mul3A_1141 : vector<16xf32> to vector<1x16xf32>
        tpu.vector_store %arg14[%swap3A_1142, %swap3A_1143], %swap3A_1146 {strides = array<i32>} : memref<128x128xf32, #tpu.memory_space<vmem>>, vector<1x16xf32>,
        %get3A_1147 = arith.index_cast %add3A_1096 : i32 to index
        %get3A_1148 = arith.constant 80 : index
        %get3A_1149 = tpu.vector_load %arg14[%get3A_1147, %get3A_1148] {strides = array<i32>} : memref<128x128xf32, #tpu.memory_space<vmem>>, vector<1x16xf32>,
        %get3A_1150 = vector.shape_cast %get3A_1149 : vector<1x16xf32> to vector<16xf32>
        %mul3A_1151 = arith.mulf %get3A_1150, %broadcast_in_dim3A_1092 : vector<16xf32>
        %swap3A_1152 = arith.index_cast %add3A_1096 : i32 to index
        %swap3A_1153 = arith.constant 80 : index
        %swap3A_1154 = tpu.vector_load %arg14[%swap3A_1152, %swap3A_1153] {strides = array<i32>} : memref<128x128xf32, #tpu.memory_space<vmem>>, vector<1x16xf32>,
        %swap3A_1155 = vector.shape_cast %swap3A_1154 : vector<1x16xf32> to vector<16xf32>
        %swap3A_1156 = vector.shape_cast %mul3A_1151 : vector<16xf32> to vector<1x16xf32>
        tpu.vector_store %arg14[%swap3A_1152, %swap3A_1153], %swap3A_1156 {strides = array<i32>} : memref<128x128xf32, #tpu.memory_space<vmem>>, vector<1x16xf32>,
        %get3A_1157 = arith.index_cast %add3A_1096 : i32 to index
        %get3A_1158 = arith.constant 96 : index
        %get3A_1159 = tpu.vector_load %arg14[%get3A_1157, %get3A_1158] {strides = array<i32>} : memref<128x128xf32, #tpu.memory_space<vmem>>, vector<1x16xf32>,
        %get3A_1160 = vector.shape_cast %get3A_1159 : vector<1x16xf32> to vector<16xf32>
        %mul3A_1161 = arith.mulf %get3A_1160, %broadcast_in_dim3A_1092 : vector<16xf32>
        %swap3A_1162 = arith.index_cast %add3A_1096 : i32 to index
        %swap3A_1163 = arith.constant 96 : index
        %swap3A_1164 = tpu.vector_load %arg14[%swap3A_1162, %swap3A_1163] {strides = array<i32>} : memref<128x128xf32, #tpu.memory_space<vmem>>, vector<1x16xf32>,
        %swap3A_1165 = vector.shape_cast %swap3A_1164 : vector<1x16xf32> to vector<16xf32>
        %swap3A_1166 = vector.shape_cast %mul3A_1161 : vector<16xf32> to vector<1x16xf32>
        tpu.vector_store %arg14[%swap3A_1162, %swap3A_1163], %swap3A_1166 {strides = array<i32>} : memref<128x128xf32, #tpu.memory_space<vmem>>, vector<1x16xf32>,
        %get3A_1167 = arith.index_cast %add3A_1096 : i32 to index
        %get3A_1168 = arith.constant 112 : index
        %get3A_1169 = tpu.vector_load %arg14[%get3A_1167, %get3A_1168] {strides = array<i32>} : memref<128x128xf32, #tpu.memory_space<vmem>>, vector<1x16xf32>,
        %get3A_1170 = vector.shape_cast %get3A_1169 : vector<1x16xf32> to vector<16xf32>
        %mul3A_1171 = arith.mulf %get3A_1170, %broadcast_in_dim3A_1092 : vector<16xf32>
        %swap3A_1172 = arith.index_cast %add3A_1096 : i32 to index
        %swap3A_1173 = arith.constant 112 : index
        %swap3A_1174 = tpu.vector_load %arg14[%swap3A_1172, %swap3A_1173] {strides = array<i32>} : memref<128x128xf32, #tpu.memory_space<vmem>>, vector<1x16xf32>,
        %swap3A_1175 = vector.shape_cast %swap3A_1174 : vector<1x16xf32> to vector<16xf32>
        %swap3A_1176 = vector.shape_cast %mul3A_1171 : vector<16xf32> to vector<1x16xf32>
        tpu.vector_store %arg14[%swap3A_1172, %swap3A_1173], %swap3A_1176 {strides = array<i32>} : memref<128x128xf32, #tpu.memory_space<vmem>>, vector<1x16xf32>,
        %slice3A_1177 = vector.extract_strided_slice %get3A_394 {offsets = [9], sizes = [1], strides = [1]} : vector<16xf32> to vector<1xf32>
        %broadcast_in_dim3A_1178 = vector.shape_cast %slice3A_1177 : vector<1xf32> to vector<1xf32>
        %broadcast_in_dim3A_1179 = vector.broadcast %broadcast_in_dim3A_1178 : vector<1xf32> to vector<16xf32>
        %mul3A_1180 = arith.constant 16 : i32
        %mul3A_1181 = arith.muli %scan3A_387, %mul3A_1180 : i32
        %add3A_1182 = arith.constant 9 : i32
        %add3A_1183 = arith.addi %mul3A_1181, %add3A_1182 : i32
        %get3A_1184 = arith.index_cast %add3A_1183 : i32 to index
        %get3A_1185 = arith.constant 0 : index
        %get3A_1186 = tpu.vector_load %arg14[%get3A_1184, %get3A_1185] {strides = array<i32>} : memref<128x128xf32, #tpu.memory_space<vmem>>, vector<1x16xf32>,
        %get3A_1187 = vector.shape_cast %get3A_1186 : vector<1x16xf32> to vector<16xf32>
        %mul3A_1188 = arith.mulf %get3A_1187, %broadcast_in_dim3A_1179 : vector<16xf32>
        %swap3A_1189 = arith.index_cast %add3A_1183 : i32 to index
        %swap3A_1190 = arith.constant 0 : index
        %swap3A_1191 = tpu.vector_load %arg14[%swap3A_1189, %swap3A_1190] {strides = array<i32>} : memref<128x128xf32, #tpu.memory_space<vmem>>, vector<1x16xf32>,
        %swap3A_1192 = vector.shape_cast %swap3A_1191 : vector<1x16xf32> to vector<16xf32>
        %swap3A_1193 = vector.shape_cast %mul3A_1188 : vector<16xf32> to vector<1x16xf32>
        tpu.vector_store %arg14[%swap3A_1189, %swap3A_1190], %swap3A_1193 {strides = array<i32>} : memref<128x128xf32, #tpu.memory_space<vmem>>, vector<1x16xf32>,
        %get3A_1194 = arith.index_cast %add3A_1183 : i32 to index
        %get3A_1195 = arith.constant 16 : index
        %get3A_1196 = tpu.vector_load %arg14[%get3A_1194, %get3A_1195] {strides = array<i32>} : memref<128x128xf32, #tpu.memory_space<vmem>>, vector<1x16xf32>,
        %get3A_1197 = vector.shape_cast %get3A_1196 : vector<1x16xf32> to vector<16xf32>
        %mul3A_1198 = arith.mulf %get3A_1197, %broadcast_in_dim3A_1179 : vector<16xf32>
        %swap3A_1199 = arith.index_cast %add3A_1183 : i32 to index
        %swap3A_1200 = arith.constant 16 : index
        %swap3A_1201 = tpu.vector_load %arg14[%swap3A_1199, %swap3A_1200] {strides = array<i32>} : memref<128x128xf32, #tpu.memory_space<vmem>>, vector<1x16xf32>,
        %swap3A_1202 = vector.shape_cast %swap3A_1201 : vector<1x16xf32> to vector<16xf32>
        %swap3A_1203 = vector.shape_cast %mul3A_1198 : vector<16xf32> to vector<1x16xf32>
        tpu.vector_store %arg14[%swap3A_1199, %swap3A_1200], %swap3A_1203 {strides = array<i32>} : memref<128x128xf32, #tpu.memory_space<vmem>>, vector<1x16xf32>,
        %get3A_1204 = arith.index_cast %add3A_1183 : i32 to index
        %get3A_1205 = arith.constant 32 : index
        %get3A_1206 = tpu.vector_load %arg14[%get3A_1204, %get3A_1205] {strides = array<i32>} : memref<128x128xf32, #tpu.memory_space<vmem>>, vector<1x16xf32>,
        %get3A_1207 = vector.shape_cast %get3A_1206 : vector<1x16xf32> to vector<16xf32>
        %mul3A_1208 = arith.mulf %get3A_1207, %broadcast_in_dim3A_1179 : vector<16xf32>
        %swap3A_1209 = arith.index_cast %add3A_1183 : i32 to index
        %swap3A_1210 = arith.constant 32 : index
        %swap3A_1211 = tpu.vector_load %arg14[%swap3A_1209, %swap3A_1210] {strides = array<i32>} : memref<128x128xf32, #tpu.memory_space<vmem>>, vector<1x16xf32>,
        %swap3A_1212 = vector.shape_cast %swap3A_1211 : vector<1x16xf32> to vector<16xf32>
        %swap3A_1213 = vector.shape_cast %mul3A_1208 : vector<16xf32> to vector<1x16xf32>
        tpu.vector_store %arg14[%swap3A_1209, %swap3A_1210], %swap3A_1213 {strides = array<i32>} : memref<128x128xf32, #tpu.memory_space<vmem>>, vector<1x16xf32>,
        %get3A_1214 = arith.index_cast %add3A_1183 : i32 to index
        %get3A_1215 = arith.constant 48 : index
        %get3A_1216 = tpu.vector_load %arg14[%get3A_1214, %get3A_1215] {strides = array<i32>} : memref<128x128xf32, #tpu.memory_space<vmem>>, vector<1x16xf32>,
        %get3A_1217 = vector.shape_cast %get3A_1216 : vector<1x16xf32> to vector<16xf32>
        %mul3A_1218 = arith.mulf %get3A_1217, %broadcast_in_dim3A_1179 : vector<16xf32>
        %swap3A_1219 = arith.index_cast %add3A_1183 : i32 to index
        %swap3A_1220 = arith.constant 48 : index
        %swap3A_1221 = tpu.vector_load %arg14[%swap3A_1219, %swap3A_1220] {strides = array<i32>} : memref<128x128xf32, #tpu.memory_space<vmem>>, vector<1x16xf32>,
        %swap3A_1222 = vector.shape_cast %swap3A_1221 : vector<1x16xf32> to vector<16xf32>
        %swap3A_1223 = vector.shape_cast %mul3A_1218 : vector<16xf32> to vector<1x16xf32>
        tpu.vector_store %arg14[%swap3A_1219, %swap3A_1220], %swap3A_1223 {strides = array<i32>} : memref<128x128xf32, #tpu.memory_space<vmem>>, vector<1x16xf32>,
        %get3A_1224 = arith.index_cast %add3A_1183 : i32 to index
        %get3A_1225 = arith.constant 64 : index
        %get3A_1226 = tpu.vector_load %arg14[%get3A_1224, %get3A_1225] {strides = array<i32>} : memref<128x128xf32, #tpu.memory_space<vmem>>, vector<1x16xf32>,
        %get3A_1227 = vector.shape_cast %get3A_1226 : vector<1x16xf32> to vector<16xf32>
        %mul3A_1228 = arith.mulf %get3A_1227, %broadcast_in_dim3A_1179 : vector<16xf32>
        %swap3A_1229 = arith.index_cast %add3A_1183 : i32 to index
        %swap3A_1230 = arith.constant 64 : index
        %swap3A_1231 = tpu.vector_load %arg14[%swap3A_1229, %swap3A_1230] {strides = array<i32>} : memref<128x128xf32, #tpu.memory_space<vmem>>, vector<1x16xf32>,
        %swap3A_1232 = vector.shape_cast %swap3A_1231 : vector<1x16xf32> to vector<16xf32>
        %swap3A_1233 = vector.shape_cast %mul3A_1228 : vector<16xf32> to vector<1x16xf32>
        tpu.vector_store %arg14[%swap3A_1229, %swap3A_1230], %swap3A_1233 {strides = array<i32>} : memref<128x128xf32, #tpu.memory_space<vmem>>, vector<1x16xf32>,
        %get3A_1234 = arith.index_cast %add3A_1183 : i32 to index
        %get3A_1235 = arith.constant 80 : index
        %get3A_1236 = tpu.vector_load %arg14[%get3A_1234, %get3A_1235] {strides = array<i32>} : memref<128x128xf32, #tpu.memory_space<vmem>>, vector<1x16xf32>,
        %get3A_1237 = vector.shape_cast %get3A_1236 : vector<1x16xf32> to vector<16xf32>
        %mul3A_1238 = arith.mulf %get3A_1237, %broadcast_in_dim3A_1179 : vector<16xf32>
        %swap3A_1239 = arith.index_cast %add3A_1183 : i32 to index
        %swap3A_1240 = arith.constant 80 : index
        %swap3A_1241 = tpu.vector_load %arg14[%swap3A_1239, %swap3A_1240] {strides = array<i32>} : memref<128x128xf32, #tpu.memory_space<vmem>>, vector<1x16xf32>,
        %swap3A_1242 = vector.shape_cast %swap3A_1241 : vector<1x16xf32> to vector<16xf32>
        %swap3A_1243 = vector.shape_cast %mul3A_1238 : vector<16xf32> to vector<1x16xf32>
        tpu.vector_store %arg14[%swap3A_1239, %swap3A_1240], %swap3A_1243 {strides = array<i32>} : memref<128x128xf32, #tpu.memory_space<vmem>>, vector<1x16xf32>,
        %get3A_1244 = arith.index_cast %add3A_1183 : i32 to index
        %get3A_1245 = arith.constant 96 : index
        %get3A_1246 = tpu.vector_load %arg14[%get3A_1244, %get3A_1245] {strides = array<i32>} : memref<128x128xf32, #tpu.memory_space<vmem>>, vector<1x16xf32>,
        %get3A_1247 = vector.shape_cast %get3A_1246 : vector<1x16xf32> to vector<16xf32>
        %mul3A_1248 = arith.mulf %get3A_1247, %broadcast_in_dim3A_1179 : vector<16xf32>
        %swap3A_1249 = arith.index_cast %add3A_1183 : i32 to index
        %swap3A_1250 = arith.constant 96 : index
        %swap3A_1251 = tpu.vector_load %arg14[%swap3A_1249, %swap3A_1250] {strides = array<i32>} : memref<128x128xf32, #tpu.memory_space<vmem>>, vector<1x16xf32>,
        %swap3A_1252 = vector.shape_cast %swap3A_1251 : vector<1x16xf32> to vector<16xf32>
        %swap3A_1253 = vector.shape_cast %mul3A_1248 : vector<16xf32> to vector<1x16xf32>
        tpu.vector_store %arg14[%swap3A_1249, %swap3A_1250], %swap3A_1253 {strides = array<i32>} : memref<128x128xf32, #tpu.memory_space<vmem>>, vector<1x16xf32>,
        %get3A_1254 = arith.index_cast %add3A_1183 : i32 to index
        %get3A_1255 = arith.constant 112 : index
        %get3A_1256 = tpu.vector_load %arg14[%get3A_1254, %get3A_1255] {strides = array<i32>} : memref<128x128xf32, #tpu.memory_space<vmem>>, vector<1x16xf32>,
        %get3A_1257 = vector.shape_cast %get3A_1256 : vector<1x16xf32> to vector<16xf32>
        %mul3A_1258 = arith.mulf %get3A_1257, %broadcast_in_dim3A_1179 : vector<16xf32>
        %swap3A_1259 = arith.index_cast %add3A_1183 : i32 to index
        %swap3A_1260 = arith.constant 112 : index
        %swap3A_1261 = tpu.vector_load %arg14[%swap3A_1259, %swap3A_1260] {strides = array<i32>} : memref<128x128xf32, #tpu.memory_space<vmem>>, vector<1x16xf32>,
        %swap3A_1262 = vector.shape_cast %swap3A_1261 : vector<1x16xf32> to vector<16xf32>
        %swap3A_1263 = vector.shape_cast %mul3A_1258 : vector<16xf32> to vector<1x16xf32>
        tpu.vector_store %arg14[%swap3A_1259, %swap3A_1260], %swap3A_1263 {strides = array<i32>} : memref<128x128xf32, #tpu.memory_space<vmem>>, vector<1x16xf32>,
        %slice3A_1264 = vector.extract_strided_slice %get3A_394 {offsets = [10], sizes = [1], strides = [1]} : vector<16xf32> to vector<1xf32>
        %broadcast_in_dim3A_1265 = vector.shape_cast %slice3A_1264 : vector<1xf32> to vector<1xf32>
        %broadcast_in_dim3A_1266 = vector.broadcast %broadcast_in_dim3A_1265 : vector<1xf32> to vector<16xf32>
        %mul3A_1267 = arith.constant 16 : i32
        %mul3A_1268 = arith.muli %scan3A_387, %mul3A_1267 : i32
        %add3A_1269 = arith.constant 10 : i32
        %add3A_1270 = arith.addi %mul3A_1268, %add3A_1269 : i32
        %get3A_1271 = arith.index_cast %add3A_1270 : i32 to index
        %get3A_1272 = arith.constant 0 : index
        %get3A_1273 = tpu.vector_load %arg14[%get3A_1271, %get3A_1272] {strides = array<i32>} : memref<128x128xf32, #tpu.memory_space<vmem>>, vector<1x16xf32>,
        %get3A_1274 = vector.shape_cast %get3A_1273 : vector<1x16xf32> to vector<16xf32>
        %mul3A_1275 = arith.mulf %get3A_1274, %broadcast_in_dim3A_1266 : vector<16xf32>
        %swap3A_1276 = arith.index_cast %add3A_1270 : i32 to index
        %swap3A_1277 = arith.constant 0 : index
        %swap3A_1278 = tpu.vector_load %arg14[%swap3A_1276, %swap3A_1277] {strides = array<i32>} : memref<128x128xf32, #tpu.memory_space<vmem>>, vector<1x16xf32>,
        %swap3A_1279 = vector.shape_cast %swap3A_1278 : vector<1x16xf32> to vector<16xf32>
        %swap3A_1280 = vector.shape_cast %mul3A_1275 : vector<16xf32> to vector<1x16xf32>
        tpu.vector_store %arg14[%swap3A_1276, %swap3A_1277], %swap3A_1280 {strides = array<i32>} : memref<128x128xf32, #tpu.memory_space<vmem>>, vector<1x16xf32>,
        %get3A_1281 = arith.index_cast %add3A_1270 : i32 to index
        %get3A_1282 = arith.constant 16 : index
        %get3A_1283 = tpu.vector_load %arg14[%get3A_1281, %get3A_1282] {strides = array<i32>} : memref<128x128xf32, #tpu.memory_space<vmem>>, vector<1x16xf32>,
        %get3A_1284 = vector.shape_cast %get3A_1283 : vector<1x16xf32> to vector<16xf32>
        %mul3A_1285 = arith.mulf %get3A_1284, %broadcast_in_dim3A_1266 : vector<16xf32>
        %swap3A_1286 = arith.index_cast %add3A_1270 : i32 to index
        %swap3A_1287 = arith.constant 16 : index
        %swap3A_1288 = tpu.vector_load %arg14[%swap3A_1286, %swap3A_1287] {strides = array<i32>} : memref<128x128xf32, #tpu.memory_space<vmem>>, vector<1x16xf32>,
        %swap3A_1289 = vector.shape_cast %swap3A_1288 : vector<1x16xf32> to vector<16xf32>
        %swap3A_1290 = vector.shape_cast %mul3A_1285 : vector<16xf32> to vector<1x16xf32>
        tpu.vector_store %arg14[%swap3A_1286, %swap3A_1287], %swap3A_1290 {strides = array<i32>} : memref<128x128xf32, #tpu.memory_space<vmem>>, vector<1x16xf32>,
        %get3A_1291 = arith.index_cast %add3A_1270 : i32 to index
        %get3A_1292 = arith.constant 32 : index
        %get3A_1293 = tpu.vector_load %arg14[%get3A_1291, %get3A_1292] {strides = array<i32>} : memref<128x128xf32, #tpu.memory_space<vmem>>, vector<1x16xf32>,
        %get3A_1294 = vector.shape_cast %get3A_1293 : vector<1x16xf32> to vector<16xf32>
        %mul3A_1295 = arith.mulf %get3A_1294, %broadcast_in_dim3A_1266 : vector<16xf32>
        %swap3A_1296 = arith.index_cast %add3A_1270 : i32 to index
        %swap3A_1297 = arith.constant 32 : index
        %swap3A_1298 = tpu.vector_load %arg14[%swap3A_1296, %swap3A_1297] {strides = array<i32>} : memref<128x128xf32, #tpu.memory_space<vmem>>, vector<1x16xf32>,
        %swap3A_1299 = vector.shape_cast %swap3A_1298 : vector<1x16xf32> to vector<16xf32>
        %swap3A_1300 = vector.shape_cast %mul3A_1295 : vector<16xf32> to vector<1x16xf32>
        tpu.vector_store %arg14[%swap3A_1296, %swap3A_1297], %swap3A_1300 {strides = array<i32>} : memref<128x128xf32, #tpu.memory_space<vmem>>, vector<1x16xf32>,
        %get3A_1301 = arith.index_cast %add3A_1270 : i32 to index
        %get3A_1302 = arith.constant 48 : index
        %get3A_1303 = tpu.vector_load %arg14[%get3A_1301, %get3A_1302] {strides = array<i32>} : memref<128x128xf32, #tpu.memory_space<vmem>>, vector<1x16xf32>,
        %get3A_1304 = vector.shape_cast %get3A_1303 : vector<1x16xf32> to vector<16xf32>
        %mul3A_1305 = arith.mulf %get3A_1304, %broadcast_in_dim3A_1266 : vector<16xf32>
        %swap3A_1306 = arith.index_cast %add3A_1270 : i32 to index
        %swap3A_1307 = arith.constant 48 : index
        %swap3A_1308 = tpu.vector_load %arg14[%swap3A_1306, %swap3A_1307] {strides = array<i32>} : memref<128x128xf32, #tpu.memory_space<vmem>>, vector<1x16xf32>,
        %swap3A_1309 = vector.shape_cast %swap3A_1308 : vector<1x16xf32> to vector<16xf32>
        %swap3A_1310 = vector.shape_cast %mul3A_1305 : vector<16xf32> to vector<1x16xf32>
        tpu.vector_store %arg14[%swap3A_1306, %swap3A_1307], %swap3A_1310 {strides = array<i32>} : memref<128x128xf32, #tpu.memory_space<vmem>>, vector<1x16xf32>,
        %get3A_1311 = arith.index_cast %add3A_1270 : i32 to index
        %get3A_1312 = arith.constant 64 : index
        %get3A_1313 = tpu.vector_load %arg14[%get3A_1311, %get3A_1312] {strides = array<i32>} : memref<128x128xf32, #tpu.memory_space<vmem>>, vector<1x16xf32>,
        %get3A_1314 = vector.shape_cast %get3A_1313 : vector<1x16xf32> to vector<16xf32>
        %mul3A_1315 = arith.mulf %get3A_1314, %broadcast_in_dim3A_1266 : vector<16xf32>
        %swap3A_1316 = arith.index_cast %add3A_1270 : i32 to index
        %swap3A_1317 = arith.constant 64 : index
        %swap3A_1318 = tpu.vector_load %arg14[%swap3A_1316, %swap3A_1317] {strides = array<i32>} : memref<128x128xf32, #tpu.memory_space<vmem>>, vector<1x16xf32>,
        %swap3A_1319 = vector.shape_cast %swap3A_1318 : vector<1x16xf32> to vector<16xf32>
        %swap3A_1320 = vector.shape_cast %mul3A_1315 : vector<16xf32> to vector<1x16xf32>
        tpu.vector_store %arg14[%swap3A_1316, %swap3A_1317], %swap3A_1320 {strides = array<i32>} : memref<128x128xf32, #tpu.memory_space<vmem>>, vector<1x16xf32>,
        %get3A_1321 = arith.index_cast %add3A_1270 : i32 to index
        %get3A_1322 = arith.constant 80 : index
        %get3A_1323 = tpu.vector_load %arg14[%get3A_1321, %get3A_1322] {strides = array<i32>} : memref<128x128xf32, #tpu.memory_space<vmem>>, vector<1x16xf32>,
        %get3A_1324 = vector.shape_cast %get3A_1323 : vector<1x16xf32> to vector<16xf32>
        %mul3A_1325 = arith.mulf %get3A_1324, %broadcast_in_dim3A_1266 : vector<16xf32>
        %swap3A_1326 = arith.index_cast %add3A_1270 : i32 to index
        %swap3A_1327 = arith.constant 80 : index
        %swap3A_1328 = tpu.vector_load %arg14[%swap3A_1326, %swap3A_1327] {strides = array<i32>} : memref<128x128xf32, #tpu.memory_space<vmem>>, vector<1x16xf32>,
        %swap3A_1329 = vector.shape_cast %swap3A_1328 : vector<1x16xf32> to vector<16xf32>
        %swap3A_1330 = vector.shape_cast %mul3A_1325 : vector<16xf32> to vector<1x16xf32>
        tpu.vector_store %arg14[%swap3A_1326, %swap3A_1327], %swap3A_1330 {strides = array<i32>} : memref<128x128xf32, #tpu.memory_space<vmem>>, vector<1x16xf32>,
        %get3A_1331 = arith.index_cast %add3A_1270 : i32 to index
        %get3A_1332 = arith.constant 96 : index
        %get3A_1333 = tpu.vector_load %arg14[%get3A_1331, %get3A_1332] {strides = array<i32>} : memref<128x128xf32, #tpu.memory_space<vmem>>, vector<1x16xf32>,
        %get3A_1334 = vector.shape_cast %get3A_1333 : vector<1x16xf32> to vector<16xf32>
        %mul3A_1335 = arith.mulf %get3A_1334, %broadcast_in_dim3A_1266 : vector<16xf32>
        %swap3A_1336 = arith.index_cast %add3A_1270 : i32 to index
        %swap3A_1337 = arith.constant 96 : index
        %swap3A_1338 = tpu.vector_load %arg14[%swap3A_1336, %swap3A_1337] {strides = array<i32>} : memref<128x128xf32, #tpu.memory_space<vmem>>, vector<1x16xf32>,
        %swap3A_1339 = vector.shape_cast %swap3A_1338 : vector<1x16xf32> to vector<16xf32>
        %swap3A_1340 = vector.shape_cast %mul3A_1335 : vector<16xf32> to vector<1x16xf32>
        tpu.vector_store %arg14[%swap3A_1336, %swap3A_1337], %swap3A_1340 {strides = array<i32>} : memref<128x128xf32, #tpu.memory_space<vmem>>, vector<1x16xf32>,
        %get3A_1341 = arith.index_cast %add3A_1270 : i32 to index
        %get3A_1342 = arith.constant 112 : index
        %get3A_1343 = tpu.vector_load %arg14[%get3A_1341, %get3A_1342] {strides = array<i32>} : memref<128x128xf32, #tpu.memory_space<vmem>>, vector<1x16xf32>,
        %get3A_1344 = vector.shape_cast %get3A_1343 : vector<1x16xf32> to vector<16xf32>
        %mul3A_1345 = arith.mulf %get3A_1344, %broadcast_in_dim3A_1266 : vector<16xf32>
        %swap3A_1346 = arith.index_cast %add3A_1270 : i32 to index
        %swap3A_1347 = arith.constant 112 : index
        %swap3A_1348 = tpu.vector_load %arg14[%swap3A_1346, %swap3A_1347] {strides = array<i32>} : memref<128x128xf32, #tpu.memory_space<vmem>>, vector<1x16xf32>,
        %swap3A_1349 = vector.shape_cast %swap3A_1348 : vector<1x16xf32> to vector<16xf32>
        %swap3A_1350 = vector.shape_cast %mul3A_1345 : vector<16xf32> to vector<1x16xf32>
        tpu.vector_store %arg14[%swap3A_1346, %swap3A_1347], %swap3A_1350 {strides = array<i32>} : memref<128x128xf32, #tpu.memory_space<vmem>>, vector<1x16xf32>,
        %slice3A_1351 = vector.extract_strided_slice %get3A_394 {offsets = [11], sizes = [1], strides = [1]} : vector<16xf32> to vector<1xf32>
        %broadcast_in_dim3A_1352 = vector.shape_cast %slice3A_1351 : vector<1xf32> to vector<1xf32>
        %broadcast_in_dim3A_1353 = vector.broadcast %broadcast_in_dim3A_1352 : vector<1xf32> to vector<16xf32>
        %mul3A_1354 = arith.constant 16 : i32
        %mul3A_1355 = arith.muli %scan3A_387, %mul3A_1354 : i32
        %add3A_1356 = arith.constant 11 : i32
        %add3A_1357 = arith.addi %mul3A_1355, %add3A_1356 : i32
        %get3A_1358 = arith.index_cast %add3A_1357 : i32 to index
        %get3A_1359 = arith.constant 0 : index
        %get3A_1360 = tpu.vector_load %arg14[%get3A_1358, %get3A_1359] {strides = array<i32>} : memref<128x128xf32, #tpu.memory_space<vmem>>, vector<1x16xf32>,
        %get3A_1361 = vector.shape_cast %get3A_1360 : vector<1x16xf32> to vector<16xf32>
        %mul3A_1362 = arith.mulf %get3A_1361, %broadcast_in_dim3A_1353 : vector<16xf32>
        %swap3A_1363 = arith.index_cast %add3A_1357 : i32 to index
        %swap3A_1364 = arith.constant 0 : index
        %swap3A_1365 = tpu.vector_load %arg14[%swap3A_1363, %swap3A_1364] {strides = array<i32>} : memref<128x128xf32, #tpu.memory_space<vmem>>, vector<1x16xf32>,
        %swap3A_1366 = vector.shape_cast %swap3A_1365 : vector<1x16xf32> to vector<16xf32>
        %swap3A_1367 = vector.shape_cast %mul3A_1362 : vector<16xf32> to vector<1x16xf32>
        tpu.vector_store %arg14[%swap3A_1363, %swap3A_1364], %swap3A_1367 {strides = array<i32>} : memref<128x128xf32, #tpu.memory_space<vmem>>, vector<1x16xf32>,
        %get3A_1368 = arith.index_cast %add3A_1357 : i32 to index
        %get3A_1369 = arith.constant 16 : index
        %get3A_1370 = tpu.vector_load %arg14[%get3A_1368, %get3A_1369] {strides = array<i32>} : memref<128x128xf32, #tpu.memory_space<vmem>>, vector<1x16xf32>,
        %get3A_1371 = vector.shape_cast %get3A_1370 : vector<1x16xf32> to vector<16xf32>
        %mul3A_1372 = arith.mulf %get3A_1371, %broadcast_in_dim3A_1353 : vector<16xf32>
        %swap3A_1373 = arith.index_cast %add3A_1357 : i32 to index
        %swap3A_1374 = arith.constant 16 : index
        %swap3A_1375 = tpu.vector_load %arg14[%swap3A_1373, %swap3A_1374] {strides = array<i32>} : memref<128x128xf32, #tpu.memory_space<vmem>>, vector<1x16xf32>,
        %swap3A_1376 = vector.shape_cast %swap3A_1375 : vector<1x16xf32> to vector<16xf32>
        %swap3A_1377 = vector.shape_cast %mul3A_1372 : vector<16xf32> to vector<1x16xf32>
        tpu.vector_store %arg14[%swap3A_1373, %swap3A_1374], %swap3A_1377 {strides = array<i32>} : memref<128x128xf32, #tpu.memory_space<vmem>>, vector<1x16xf32>,
        %get3A_1378 = arith.index_cast %add3A_1357 : i32 to index
        %get3A_1379 = arith.constant 32 : index
        %get3A_1380 = tpu.vector_load %arg14[%get3A_1378, %get3A_1379] {strides = array<i32>} : memref<128x128xf32, #tpu.memory_space<vmem>>, vector<1x16xf32>,
        %get3A_1381 = vector.shape_cast %get3A_1380 : vector<1x16xf32> to vector<16xf32>
        %mul3A_1382 = arith.mulf %get3A_1381, %broadcast_in_dim3A_1353 : vector<16xf32>
        %swap3A_1383 = arith.index_cast %add3A_1357 : i32 to index
        %swap3A_1384 = arith.constant 32 : index
        %swap3A_1385 = tpu.vector_load %arg14[%swap3A_1383, %swap3A_1384] {strides = array<i32>} : memref<128x128xf32, #tpu.memory_space<vmem>>, vector<1x16xf32>,
        %swap3A_1386 = vector.shape_cast %swap3A_1385 : vector<1x16xf32> to vector<16xf32>
        %swap3A_1387 = vector.shape_cast %mul3A_1382 : vector<16xf32> to vector<1x16xf32>
        tpu.vector_store %arg14[%swap3A_1383, %swap3A_1384], %swap3A_1387 {strides = array<i32>} : memref<128x128xf32, #tpu.memory_space<vmem>>, vector<1x16xf32>,
        %get3A_1388 = arith.index_cast %add3A_1357 : i32 to index
        %get3A_1389 = arith.constant 48 : index
        %get3A_1390 = tpu.vector_load %arg14[%get3A_1388, %get3A_1389] {strides = array<i32>} : memref<128x128xf32, #tpu.memory_space<vmem>>, vector<1x16xf32>,
        %get3A_1391 = vector.shape_cast %get3A_1390 : vector<1x16xf32> to vector<16xf32>
        %mul3A_1392 = arith.mulf %get3A_1391, %broadcast_in_dim3A_1353 : vector<16xf32>
        %swap3A_1393 = arith.index_cast %add3A_1357 : i32 to index
        %swap3A_1394 = arith.constant 48 : index
        %swap3A_1395 = tpu.vector_load %arg14[%swap3A_1393, %swap3A_1394] {strides = array<i32>} : memref<128x128xf32, #tpu.memory_space<vmem>>, vector<1x16xf32>,
        %swap3A_1396 = vector.shape_cast %swap3A_1395 : vector<1x16xf32> to vector<16xf32>
        %swap3A_1397 = vector.shape_cast %mul3A_1392 : vector<16xf32> to vector<1x16xf32>
        tpu.vector_store %arg14[%swap3A_1393, %swap3A_1394], %swap3A_1397 {strides = array<i32>} : memref<128x128xf32, #tpu.memory_space<vmem>>, vector<1x16xf32>,
        %get3A_1398 = arith.index_cast %add3A_1357 : i32 to index
        %get3A_1399 = arith.constant 64 : index
        %get3A_1400 = tpu.vector_load %arg14[%get3A_1398, %get3A_1399] {strides = array<i32>} : memref<128x128xf32, #tpu.memory_space<vmem>>, vector<1x16xf32>,
        %get3A_1401 = vector.shape_cast %get3A_1400 : vector<1x16xf32> to vector<16xf32>
        %mul3A_1402 = arith.mulf %get3A_1401, %broadcast_in_dim3A_1353 : vector<16xf32>
        %swap3A_1403 = arith.index_cast %add3A_1357 : i32 to index
        %swap3A_1404 = arith.constant 64 : index
        %swap3A_1405 = tpu.vector_load %arg14[%swap3A_1403, %swap3A_1404] {strides = array<i32>} : memref<128x128xf32, #tpu.memory_space<vmem>>, vector<1x16xf32>,
        %swap3A_1406 = vector.shape_cast %swap3A_1405 : vector<1x16xf32> to vector<16xf32>
        %swap3A_1407 = vector.shape_cast %mul3A_1402 : vector<16xf32> to vector<1x16xf32>
        tpu.vector_store %arg14[%swap3A_1403, %swap3A_1404], %swap3A_1407 {strides = array<i32>} : memref<128x128xf32, #tpu.memory_space<vmem>>, vector<1x16xf32>,
        %get3A_1408 = arith.index_cast %add3A_1357 : i32 to index
        %get3A_1409 = arith.constant 80 : index
        %get3A_1410 = tpu.vector_load %arg14[%get3A_1408, %get3A_1409] {strides = array<i32>} : memref<128x128xf32, #tpu.memory_space<vmem>>, vector<1x16xf32>,
        %get3A_1411 = vector.shape_cast %get3A_1410 : vector<1x16xf32> to vector<16xf32>
        %mul3A_1412 = arith.mulf %get3A_1411, %broadcast_in_dim3A_1353 : vector<16xf32>
        %swap3A_1413 = arith.index_cast %add3A_1357 : i32 to index
        %swap3A_1414 = arith.constant 80 : index
        %swap3A_1415 = tpu.vector_load %arg14[%swap3A_1413, %swap3A_1414] {strides = array<i32>} : memref<128x128xf32, #tpu.memory_space<vmem>>, vector<1x16xf32>,
        %swap3A_1416 = vector.shape_cast %swap3A_1415 : vector<1x16xf32> to vector<16xf32>
        %swap3A_1417 = vector.shape_cast %mul3A_1412 : vector<16xf32> to vector<1x16xf32>
        tpu.vector_store %arg14[%swap3A_1413, %swap3A_1414], %swap3A_1417 {strides = array<i32>} : memref<128x128xf32, #tpu.memory_space<vmem>>, vector<1x16xf32>,
        %get3A_1418 = arith.index_cast %add3A_1357 : i32 to index
        %get3A_1419 = arith.constant 96 : index
        %get3A_1420 = tpu.vector_load %arg14[%get3A_1418, %get3A_1419] {strides = array<i32>} : memref<128x128xf32, #tpu.memory_space<vmem>>, vector<1x16xf32>,
        %get3A_1421 = vector.shape_cast %get3A_1420 : vector<1x16xf32> to vector<16xf32>
        %mul3A_1422 = arith.mulf %get3A_1421, %broadcast_in_dim3A_1353 : vector<16xf32>
        %swap3A_1423 = arith.index_cast %add3A_1357 : i32 to index
        %swap3A_1424 = arith.constant 96 : index
        %swap3A_1425 = tpu.vector_load %arg14[%swap3A_1423, %swap3A_1424] {strides = array<i32>} : memref<128x128xf32, #tpu.memory_space<vmem>>, vector<1x16xf32>,
        %swap3A_1426 = vector.shape_cast %swap3A_1425 : vector<1x16xf32> to vector<16xf32>
        %swap3A_1427 = vector.shape_cast %mul3A_1422 : vector<16xf32> to vector<1x16xf32>
        tpu.vector_store %arg14[%swap3A_1423, %swap3A_1424], %swap3A_1427 {strides = array<i32>} : memref<128x128xf32, #tpu.memory_space<vmem>>, vector<1x16xf32>,
        %get3A_1428 = arith.index_cast %add3A_1357 : i32 to index
        %get3A_1429 = arith.constant 112 : index
        %get3A_1430 = tpu.vector_load %arg14[%get3A_1428, %get3A_1429] {strides = array<i32>} : memref<128x128xf32, #tpu.memory_space<vmem>>, vector<1x16xf32>,
        %get3A_1431 = vector.shape_cast %get3A_1430 : vector<1x16xf32> to vector<16xf32>
        %mul3A_1432 = arith.mulf %get3A_1431, %broadcast_in_dim3A_1353 : vector<16xf32>
        %swap3A_1433 = arith.index_cast %add3A_1357 : i32 to index
        %swap3A_1434 = arith.constant 112 : index
        %swap3A_1435 = tpu.vector_load %arg14[%swap3A_1433, %swap3A_1434] {strides = array<i32>} : memref<128x128xf32, #tpu.memory_space<vmem>>, vector<1x16xf32>,
        %swap3A_1436 = vector.shape_cast %swap3A_1435 : vector<1x16xf32> to vector<16xf32>
        %swap3A_1437 = vector.shape_cast %mul3A_1432 : vector<16xf32> to vector<1x16xf32>
        tpu.vector_store %arg14[%swap3A_1433, %swap3A_1434], %swap3A_1437 {strides = array<i32>} : memref<128x128xf32, #tpu.memory_space<vmem>>, vector<1x16xf32>,
        %slice3A_1438 = vector.extract_strided_slice %get3A_394 {offsets = [12], sizes = [1], strides = [1]} : vector<16xf32> to vector<1xf32>
        %broadcast_in_dim3A_1439 = vector.shape_cast %slice3A_1438 : vector<1xf32> to vector<1xf32>
        %broadcast_in_dim3A_1440 = vector.broadcast %broadcast_in_dim3A_1439 : vector<1xf32> to vector<16xf32>
        %mul3A_1441 = arith.constant 16 : i32
        %mul3A_1442 = arith.muli %scan3A_387, %mul3A_1441 : i32
        %add3A_1443 = arith.constant 12 : i32
        %add3A_1444 = arith.addi %mul3A_1442, %add3A_1443 : i32
        %get3A_1445 = arith.index_cast %add3A_1444 : i32 to index
        %get3A_1446 = arith.constant 0 : index
        %get3A_1447 = tpu.vector_load %arg14[%get3A_1445, %get3A_1446] {strides = array<i32>} : memref<128x128xf32, #tpu.memory_space<vmem>>, vector<1x16xf32>,
        %get3A_1448 = vector.shape_cast %get3A_1447 : vector<1x16xf32> to vector<16xf32>
        %mul3A_1449 = arith.mulf %get3A_1448, %broadcast_in_dim3A_1440 : vector<16xf32>
        %swap3A_1450 = arith.index_cast %add3A_1444 : i32 to index
        %swap3A_1451 = arith.constant 0 : index
        %swap3A_1452 = tpu.vector_load %arg14[%swap3A_1450, %swap3A_1451] {strides = array<i32>} : memref<128x128xf32, #tpu.memory_space<vmem>>, vector<1x16xf32>,
        %swap3A_1453 = vector.shape_cast %swap3A_1452 : vector<1x16xf32> to vector<16xf32>
        %swap3A_1454 = vector.shape_cast %mul3A_1449 : vector<16xf32> to vector<1x16xf32>
        tpu.vector_store %arg14[%swap3A_1450, %swap3A_1451], %swap3A_1454 {strides = array<i32>} : memref<128x128xf32, #tpu.memory_space<vmem>>, vector<1x16xf32>,
        %get3A_1455 = arith.index_cast %add3A_1444 : i32 to index
        %get3A_1456 = arith.constant 16 : index
        %get3A_1457 = tpu.vector_load %arg14[%get3A_1455, %get3A_1456] {strides = array<i32>} : memref<128x128xf32, #tpu.memory_space<vmem>>, vector<1x16xf32>,
        %get3A_1458 = vector.shape_cast %get3A_1457 : vector<1x16xf32> to vector<16xf32>
        %mul3A_1459 = arith.mulf %get3A_1458, %broadcast_in_dim3A_1440 : vector<16xf32>
        %swap3A_1460 = arith.index_cast %add3A_1444 : i32 to index
        %swap3A_1461 = arith.constant 16 : index
        %swap3A_1462 = tpu.vector_load %arg14[%swap3A_1460, %swap3A_1461] {strides = array<i32>} : memref<128x128xf32, #tpu.memory_space<vmem>>, vector<1x16xf32>,
        %swap3A_1463 = vector.shape_cast %swap3A_1462 : vector<1x16xf32> to vector<16xf32>
        %swap3A_1464 = vector.shape_cast %mul3A_1459 : vector<16xf32> to vector<1x16xf32>
        tpu.vector_store %arg14[%swap3A_1460, %swap3A_1461], %swap3A_1464 {strides = array<i32>} : memref<128x128xf32, #tpu.memory_space<vmem>>, vector<1x16xf32>,
        %get3A_1465 = arith.index_cast %add3A_1444 : i32 to index
        %get3A_1466 = arith.constant 32 : index
        %get3A_1467 = tpu.vector_load %arg14[%get3A_1465, %get3A_1466] {strides = array<i32>} : memref<128x128xf32, #tpu.memory_space<vmem>>, vector<1x16xf32>,
        %get3A_1468 = vector.shape_cast %get3A_1467 : vector<1x16xf32> to vector<16xf32>
        %mul3A_1469 = arith.mulf %get3A_1468, %broadcast_in_dim3A_1440 : vector<16xf32>
        %swap3A_1470 = arith.index_cast %add3A_1444 : i32 to index
        %swap3A_1471 = arith.constant 32 : index
        %swap3A_1472 = tpu.vector_load %arg14[%swap3A_1470, %swap3A_1471] {strides = array<i32>} : memref<128x128xf32, #tpu.memory_space<vmem>>, vector<1x16xf32>,
        %swap3A_1473 = vector.shape_cast %swap3A_1472 : vector<1x16xf32> to vector<16xf32>
        %swap3A_1474 = vector.shape_cast %mul3A_1469 : vector<16xf32> to vector<1x16xf32>
        tpu.vector_store %arg14[%swap3A_1470, %swap3A_1471], %swap3A_1474 {strides = array<i32>} : memref<128x128xf32, #tpu.memory_space<vmem>>, vector<1x16xf32>,
        %get3A_1475 = arith.index_cast %add3A_1444 : i32 to index
        %get3A_1476 = arith.constant 48 : index
        %get3A_1477 = tpu.vector_load %arg14[%get3A_1475, %get3A_1476] {strides = array<i32>} : memref<128x128xf32, #tpu.memory_space<vmem>>, vector<1x16xf32>,
        %get3A_1478 = vector.shape_cast %get3A_1477 : vector<1x16xf32> to vector<16xf32>
        %mul3A_1479 = arith.mulf %get3A_1478, %broadcast_in_dim3A_1440 : vector<16xf32>
        %swap3A_1480 = arith.index_cast %add3A_1444 : i32 to index
        %swap3A_1481 = arith.constant 48 : index
        %swap3A_1482 = tpu.vector_load %arg14[%swap3A_1480, %swap3A_1481] {strides = array<i32>} : memref<128x128xf32, #tpu.memory_space<vmem>>, vector<1x16xf32>,
        %swap3A_1483 = vector.shape_cast %swap3A_1482 : vector<1x16xf32> to vector<16xf32>
        %swap3A_1484 = vector.shape_cast %mul3A_1479 : vector<16xf32> to vector<1x16xf32>
        tpu.vector_store %arg14[%swap3A_1480, %swap3A_1481], %swap3A_1484 {strides = array<i32>} : memref<128x128xf32, #tpu.memory_space<vmem>>, vector<1x16xf32>,
        %get3A_1485 = arith.index_cast %add3A_1444 : i32 to index
        %get3A_1486 = arith.constant 64 : index
        %get3A_1487 = tpu.vector_load %arg14[%get3A_1485, %get3A_1486] {strides = array<i32>} : memref<128x128xf32, #tpu.memory_space<vmem>>, vector<1x16xf32>,
        %get3A_1488 = vector.shape_cast %get3A_1487 : vector<1x16xf32> to vector<16xf32>
        %mul3A_1489 = arith.mulf %get3A_1488, %broadcast_in_dim3A_1440 : vector<16xf32>
        %swap3A_1490 = arith.index_cast %add3A_1444 : i32 to index
        %swap3A_1491 = arith.constant 64 : index
        %swap3A_1492 = tpu.vector_load %arg14[%swap3A_1490, %swap3A_1491] {strides = array<i32>} : memref<128x128xf32, #tpu.memory_space<vmem>>, vector<1x16xf32>,
        %swap3A_1493 = vector.shape_cast %swap3A_1492 : vector<1x16xf32> to vector<16xf32>
        %swap3A_1494 = vector.shape_cast %mul3A_1489 : vector<16xf32> to vector<1x16xf32>
        tpu.vector_store %arg14[%swap3A_1490, %swap3A_1491], %swap3A_1494 {strides = array<i32>} : memref<128x128xf32, #tpu.memory_space<vmem>>, vector<1x16xf32>,
        %get3A_1495 = arith.index_cast %add3A_1444 : i32 to index
        %get3A_1496 = arith.constant 80 : index
        %get3A_1497 = tpu.vector_load %arg14[%get3A_1495, %get3A_1496] {strides = array<i32>} : memref<128x128xf32, #tpu.memory_space<vmem>>, vector<1x16xf32>,
        %get3A_1498 = vector.shape_cast %get3A_1497 : vector<1x16xf32> to vector<16xf32>
        %mul3A_1499 = arith.mulf %get3A_1498, %broadcast_in_dim3A_1440 : vector<16xf32>
        %swap3A_1500 = arith.index_cast %add3A_1444 : i32 to index
        %swap3A_1501 = arith.constant 80 : index
        %swap3A_1502 = tpu.vector_load %arg14[%swap3A_1500, %swap3A_1501] {strides = array<i32>} : memref<128x128xf32, #tpu.memory_space<vmem>>, vector<1x16xf32>,
        %swap3A_1503 = vector.shape_cast %swap3A_1502 : vector<1x16xf32> to vector<16xf32>
        %swap3A_1504 = vector.shape_cast %mul3A_1499 : vector<16xf32> to vector<1x16xf32>
        tpu.vector_store %arg14[%swap3A_1500, %swap3A_1501], %swap3A_1504 {strides = array<i32>} : memref<128x128xf32, #tpu.memory_space<vmem>>, vector<1x16xf32>,
        %get3A_1505 = arith.index_cast %add3A_1444 : i32 to index
        %get3A_1506 = arith.constant 96 : index
        %get3A_1507 = tpu.vector_load %arg14[%get3A_1505, %get3A_1506] {strides = array<i32>} : memref<128x128xf32, #tpu.memory_space<vmem>>, vector<1x16xf32>,
        %get3A_1508 = vector.shape_cast %get3A_1507 : vector<1x16xf32> to vector<16xf32>
        %mul3A_1509 = arith.mulf %get3A_1508, %broadcast_in_dim3A_1440 : vector<16xf32>
        %swap3A_1510 = arith.index_cast %add3A_1444 : i32 to index
        %swap3A_1511 = arith.constant 96 : index
        %swap3A_1512 = tpu.vector_load %arg14[%swap3A_1510, %swap3A_1511] {strides = array<i32>} : memref<128x128xf32, #tpu.memory_space<vmem>>, vector<1x16xf32>,
        %swap3A_1513 = vector.shape_cast %swap3A_1512 : vector<1x16xf32> to vector<16xf32>
        %swap3A_1514 = vector.shape_cast %mul3A_1509 : vector<16xf32> to vector<1x16xf32>
        tpu.vector_store %arg14[%swap3A_1510, %swap3A_1511], %swap3A_1514 {strides = array<i32>} : memref<128x128xf32, #tpu.memory_space<vmem>>, vector<1x16xf32>,
        %get3A_1515 = arith.index_cast %add3A_1444 : i32 to index
        %get3A_1516 = arith.constant 112 : index
        %get3A_1517 = tpu.vector_load %arg14[%get3A_1515, %get3A_1516] {strides = array<i32>} : memref<128x128xf32, #tpu.memory_space<vmem>>, vector<1x16xf32>,
        %get3A_1518 = vector.shape_cast %get3A_1517 : vector<1x16xf32> to vector<16xf32>
        %mul3A_1519 = arith.mulf %get3A_1518, %broadcast_in_dim3A_1440 : vector<16xf32>
        %swap3A_1520 = arith.index_cast %add3A_1444 : i32 to index
        %swap3A_1521 = arith.constant 112 : index
        %swap3A_1522 = tpu.vector_load %arg14[%swap3A_1520, %swap3A_1521] {strides = array<i32>} : memref<128x128xf32, #tpu.memory_space<vmem>>, vector<1x16xf32>,
        %swap3A_1523 = vector.shape_cast %swap3A_1522 : vector<1x16xf32> to vector<16xf32>
        %swap3A_1524 = vector.shape_cast %mul3A_1519 : vector<16xf32> to vector<1x16xf32>
        tpu.vector_store %arg14[%swap3A_1520, %swap3A_1521], %swap3A_1524 {strides = array<i32>} : memref<128x128xf32, #tpu.memory_space<vmem>>, vector<1x16xf32>,
        %slice3A_1525 = vector.extract_strided_slice %get3A_394 {offsets = [13], sizes = [1], strides = [1]} : vector<16xf32> to vector<1xf32>
        %broadcast_in_dim3A_1526 = vector.shape_cast %slice3A_1525 : vector<1xf32> to vector<1xf32>
        %broadcast_in_dim3A_1527 = vector.broadcast %broadcast_in_dim3A_1526 : vector<1xf32> to vector<16xf32>
        %mul3A_1528 = arith.constant 16 : i32
        %mul3A_1529 = arith.muli %scan3A_387, %mul3A_1528 : i32
        %add3A_1530 = arith.constant 13 : i32
        %add3A_1531 = arith.addi %mul3A_1529, %add3A_1530 : i32
        %get3A_1532 = arith.index_cast %add3A_1531 : i32 to index
        %get3A_1533 = arith.constant 0 : index
        %get3A_1534 = tpu.vector_load %arg14[%get3A_1532, %get3A_1533] {strides = array<i32>} : memref<128x128xf32, #tpu.memory_space<vmem>>, vector<1x16xf32>,
        %get3A_1535 = vector.shape_cast %get3A_1534 : vector<1x16xf32> to vector<16xf32>
        %mul3A_1536 = arith.mulf %get3A_1535, %broadcast_in_dim3A_1527 : vector<16xf32>
        %swap3A_1537 = arith.index_cast %add3A_1531 : i32 to index
        %swap3A_1538 = arith.constant 0 : index
        %swap3A_1539 = tpu.vector_load %arg14[%swap3A_1537, %swap3A_1538] {strides = array<i32>} : memref<128x128xf32, #tpu.memory_space<vmem>>, vector<1x16xf32>,
        %swap3A_1540 = vector.shape_cast %swap3A_1539 : vector<1x16xf32> to vector<16xf32>
        %swap3A_1541 = vector.shape_cast %mul3A_1536 : vector<16xf32> to vector<1x16xf32>
        tpu.vector_store %arg14[%swap3A_1537, %swap3A_1538], %swap3A_1541 {strides = array<i32>} : memref<128x128xf32, #tpu.memory_space<vmem>>, vector<1x16xf32>,
        %get3A_1542 = arith.index_cast %add3A_1531 : i32 to index
        %get3A_1543 = arith.constant 16 : index
        %get3A_1544 = tpu.vector_load %arg14[%get3A_1542, %get3A_1543] {strides = array<i32>} : memref<128x128xf32, #tpu.memory_space<vmem>>, vector<1x16xf32>,
        %get3A_1545 = vector.shape_cast %get3A_1544 : vector<1x16xf32> to vector<16xf32>
        %mul3A_1546 = arith.mulf %get3A_1545, %broadcast_in_dim3A_1527 : vector<16xf32>
        %swap3A_1547 = arith.index_cast %add3A_1531 : i32 to index
        %swap3A_1548 = arith.constant 16 : index
        %swap3A_1549 = tpu.vector_load %arg14[%swap3A_1547, %swap3A_1548] {strides = array<i32>} : memref<128x128xf32, #tpu.memory_space<vmem>>, vector<1x16xf32>,
        %swap3A_1550 = vector.shape_cast %swap3A_1549 : vector<1x16xf32> to vector<16xf32>
        %swap3A_1551 = vector.shape_cast %mul3A_1546 : vector<16xf32> to vector<1x16xf32>
        tpu.vector_store %arg14[%swap3A_1547, %swap3A_1548], %swap3A_1551 {strides = array<i32>} : memref<128x128xf32, #tpu.memory_space<vmem>>, vector<1x16xf32>,
        %get3A_1552 = arith.index_cast %add3A_1531 : i32 to index
        %get3A_1553 = arith.constant 32 : index
        %get3A_1554 = tpu.vector_load %arg14[%get3A_1552, %get3A_1553] {strides = array<i32>} : memref<128x128xf32, #tpu.memory_space<vmem>>, vector<1x16xf32>,
        %get3A_1555 = vector.shape_cast %get3A_1554 : vector<1x16xf32> to vector<16xf32>
        %mul3A_1556 = arith.mulf %get3A_1555, %broadcast_in_dim3A_1527 : vector<16xf32>
        %swap3A_1557 = arith.index_cast %add3A_1531 : i32 to index
        %swap3A_1558 = arith.constant 32 : index
        %swap3A_1559 = tpu.vector_load %arg14[%swap3A_1557, %swap3A_1558] {strides = array<i32>} : memref<128x128xf32, #tpu.memory_space<vmem>>, vector<1x16xf32>,
        %swap3A_1560 = vector.shape_cast %swap3A_1559 : vector<1x16xf32> to vector<16xf32>
        %swap3A_1561 = vector.shape_cast %mul3A_1556 : vector<16xf32> to vector<1x16xf32>
        tpu.vector_store %arg14[%swap3A_1557, %swap3A_1558], %swap3A_1561 {strides = array<i32>} : memref<128x128xf32, #tpu.memory_space<vmem>>, vector<1x16xf32>,
        %get3A_1562 = arith.index_cast %add3A_1531 : i32 to index
        %get3A_1563 = arith.constant 48 : index
        %get3A_1564 = tpu.vector_load %arg14[%get3A_1562, %get3A_1563] {strides = array<i32>} : memref<128x128xf32, #tpu.memory_space<vmem>>, vector<1x16xf32>,
        %get3A_1565 = vector.shape_cast %get3A_1564 : vector<1x16xf32> to vector<16xf32>
        %mul3A_1566 = arith.mulf %get3A_1565, %broadcast_in_dim3A_1527 : vector<16xf32>
        %swap3A_1567 = arith.index_cast %add3A_1531 : i32 to index
        %swap3A_1568 = arith.constant 48 : index
        %swap3A_1569 = tpu.vector_load %arg14[%swap3A_1567, %swap3A_1568] {strides = array<i32>} : memref<128x128xf32, #tpu.memory_space<vmem>>, vector<1x16xf32>,
        %swap3A_1570 = vector.shape_cast %swap3A_1569 : vector<1x16xf32> to vector<16xf32>
        %swap3A_1571 = vector.shape_cast %mul3A_1566 : vector<16xf32> to vector<1x16xf32>
        tpu.vector_store %arg14[%swap3A_1567, %swap3A_1568], %swap3A_1571 {strides = array<i32>} : memref<128x128xf32, #tpu.memory_space<vmem>>, vector<1x16xf32>,
        %get3A_1572 = arith.index_cast %add3A_1531 : i32 to index
        %get3A_1573 = arith.constant 64 : index
        %get3A_1574 = tpu.vector_load %arg14[%get3A_1572, %get3A_1573] {strides = array<i32>} : memref<128x128xf32, #tpu.memory_space<vmem>>, vector<1x16xf32>,
        %get3A_1575 = vector.shape_cast %get3A_1574 : vector<1x16xf32> to vector<16xf32>
        %mul3A_1576 = arith.mulf %get3A_1575, %broadcast_in_dim3A_1527 : vector<16xf32>
        %swap3A_1577 = arith.index_cast %add3A_1531 : i32 to index
        %swap3A_1578 = arith.constant 64 : index
        %swap3A_1579 = tpu.vector_load %arg14[%swap3A_1577, %swap3A_1578] {strides = array<i32>} : memref<128x128xf32, #tpu.memory_space<vmem>>, vector<1x16xf32>,
        %swap3A_1580 = vector.shape_cast %swap3A_1579 : vector<1x16xf32> to vector<16xf32>
        %swap3A_1581 = vector.shape_cast %mul3A_1576 : vector<16xf32> to vector<1x16xf32>
        tpu.vector_store %arg14[%swap3A_1577, %swap3A_1578], %swap3A_1581 {strides = array<i32>} : memref<128x128xf32, #tpu.memory_space<vmem>>, vector<1x16xf32>,
        %get3A_1582 = arith.index_cast %add3A_1531 : i32 to index
        %get3A_1583 = arith.constant 80 : index
        %get3A_1584 = tpu.vector_load %arg14[%get3A_1582, %get3A_1583] {strides = array<i32>} : memref<128x128xf32, #tpu.memory_space<vmem>>, vector<1x16xf32>,
        %get3A_1585 = vector.shape_cast %get3A_1584 : vector<1x16xf32> to vector<16xf32>
        %mul3A_1586 = arith.mulf %get3A_1585, %broadcast_in_dim3A_1527 : vector<16xf32>
        %swap3A_1587 = arith.index_cast %add3A_1531 : i32 to index
        %swap3A_1588 = arith.constant 80 : index
        %swap3A_1589 = tpu.vector_load %arg14[%swap3A_1587, %swap3A_1588] {strides = array<i32>} : memref<128x128xf32, #tpu.memory_space<vmem>>, vector<1x16xf32>,
        %swap3A_1590 = vector.shape_cast %swap3A_1589 : vector<1x16xf32> to vector<16xf32>
        %swap3A_1591 = vector.shape_cast %mul3A_1586 : vector<16xf32> to vector<1x16xf32>
        tpu.vector_store %arg14[%swap3A_1587, %swap3A_1588], %swap3A_1591 {strides = array<i32>} : memref<128x128xf32, #tpu.memory_space<vmem>>, vector<1x16xf32>,
        %get3A_1592 = arith.index_cast %add3A_1531 : i32 to index
        %get3A_1593 = arith.constant 96 : index
        %get3A_1594 = tpu.vector_load %arg14[%get3A_1592, %get3A_1593] {strides = array<i32>} : memref<128x128xf32, #tpu.memory_space<vmem>>, vector<1x16xf32>,
        %get3A_1595 = vector.shape_cast %get3A_1594 : vector<1x16xf32> to vector<16xf32>
        %mul3A_1596 = arith.mulf %get3A_1595, %broadcast_in_dim3A_1527 : vector<16xf32>
        %swap3A_1597 = arith.index_cast %add3A_1531 : i32 to index
        %swap3A_1598 = arith.constant 96 : index
        %swap3A_1599 = tpu.vector_load %arg14[%swap3A_1597, %swap3A_1598] {strides = array<i32>} : memref<128x128xf32, #tpu.memory_space<vmem>>, vector<1x16xf32>,
        %swap3A_1600 = vector.shape_cast %swap3A_1599 : vector<1x16xf32> to vector<16xf32>
        %swap3A_1601 = vector.shape_cast %mul3A_1596 : vector<16xf32> to vector<1x16xf32>
        tpu.vector_store %arg14[%swap3A_1597, %swap3A_1598], %swap3A_1601 {strides = array<i32>} : memref<128x128xf32, #tpu.memory_space<vmem>>, vector<1x16xf32>,
        %get3A_1602 = arith.index_cast %add3A_1531 : i32 to index
        %get3A_1603 = arith.constant 112 : index
        %get3A_1604 = tpu.vector_load %arg14[%get3A_1602, %get3A_1603] {strides = array<i32>} : memref<128x128xf32, #tpu.memory_space<vmem>>, vector<1x16xf32>,
        %get3A_1605 = vector.shape_cast %get3A_1604 : vector<1x16xf32> to vector<16xf32>
        %mul3A_1606 = arith.mulf %get3A_1605, %broadcast_in_dim3A_1527 : vector<16xf32>
        %swap3A_1607 = arith.index_cast %add3A_1531 : i32 to index
        %swap3A_1608 = arith.constant 112 : index
        %swap3A_1609 = tpu.vector_load %arg14[%swap3A_1607, %swap3A_1608] {strides = array<i32>} : memref<128x128xf32, #tpu.memory_space<vmem>>, vector<1x16xf32>,
        %swap3A_1610 = vector.shape_cast %swap3A_1609 : vector<1x16xf32> to vector<16xf32>
        %swap3A_1611 = vector.shape_cast %mul3A_1606 : vector<16xf32> to vector<1x16xf32>
        tpu.vector_store %arg14[%swap3A_1607, %swap3A_1608], %swap3A_1611 {strides = array<i32>} : memref<128x128xf32, #tpu.memory_space<vmem>>, vector<1x16xf32>,
        %slice3A_1612 = vector.extract_strided_slice %get3A_394 {offsets = [14], sizes = [1], strides = [1]} : vector<16xf32> to vector<1xf32>
        %broadcast_in_dim3A_1613 = vector.shape_cast %slice3A_1612 : vector<1xf32> to vector<1xf32>
        %broadcast_in_dim3A_1614 = vector.broadcast %broadcast_in_dim3A_1613 : vector<1xf32> to vector<16xf32>
        %mul3A_1615 = arith.constant 16 : i32
        %mul3A_1616 = arith.muli %scan3A_387, %mul3A_1615 : i32
        %add3A_1617 = arith.constant 14 : i32
        %add3A_1618 = arith.addi %mul3A_1616, %add3A_1617 : i32
        %get3A_1619 = arith.index_cast %add3A_1618 : i32 to index
        %get3A_1620 = arith.constant 0 : index
        %get3A_1621 = tpu.vector_load %arg14[%get3A_1619, %get3A_1620] {strides = array<i32>} : memref<128x128xf32, #tpu.memory_space<vmem>>, vector<1x16xf32>,
        %get3A_1622 = vector.shape_cast %get3A_1621 : vector<1x16xf32> to vector<16xf32>
        %mul3A_1623 = arith.mulf %get3A_1622, %broadcast_in_dim3A_1614 : vector<16xf32>
        %swap3A_1624 = arith.index_cast %add3A_1618 : i32 to index
        %swap3A_1625 = arith.constant 0 : index
        %swap3A_1626 = tpu.vector_load %arg14[%swap3A_1624, %swap3A_1625] {strides = array<i32>} : memref<128x128xf32, #tpu.memory_space<vmem>>, vector<1x16xf32>,
        %swap3A_1627 = vector.shape_cast %swap3A_1626 : vector<1x16xf32> to vector<16xf32>
        %swap3A_1628 = vector.shape_cast %mul3A_1623 : vector<16xf32> to vector<1x16xf32>
        tpu.vector_store %arg14[%swap3A_1624, %swap3A_1625], %swap3A_1628 {strides = array<i32>} : memref<128x128xf32, #tpu.memory_space<vmem>>, vector<1x16xf32>,
        %get3A_1629 = arith.index_cast %add3A_1618 : i32 to index
        %get3A_1630 = arith.constant 16 : index
        %get3A_1631 = tpu.vector_load %arg14[%get3A_1629, %get3A_1630] {strides = array<i32>} : memref<128x128xf32, #tpu.memory_space<vmem>>, vector<1x16xf32>,
        %get3A_1632 = vector.shape_cast %get3A_1631 : vector<1x16xf32> to vector<16xf32>
        %mul3A_1633 = arith.mulf %get3A_1632, %broadcast_in_dim3A_1614 : vector<16xf32>
        %swap3A_1634 = arith.index_cast %add3A_1618 : i32 to index
        %swap3A_1635 = arith.constant 16 : index
        %swap3A_1636 = tpu.vector_load %arg14[%swap3A_1634, %swap3A_1635] {strides = array<i32>} : memref<128x128xf32, #tpu.memory_space<vmem>>, vector<1x16xf32>,
        %swap3A_1637 = vector.shape_cast %swap3A_1636 : vector<1x16xf32> to vector<16xf32>
        %swap3A_1638 = vector.shape_cast %mul3A_1633 : vector<16xf32> to vector<1x16xf32>
        tpu.vector_store %arg14[%swap3A_1634, %swap3A_1635], %swap3A_1638 {strides = array<i32>} : memref<128x128xf32, #tpu.memory_space<vmem>>, vector<1x16xf32>,
        %get3A_1639 = arith.index_cast %add3A_1618 : i32 to index
        %get3A_1640 = arith.constant 32 : index
        %get3A_1641 = tpu.vector_load %arg14[%get3A_1639, %get3A_1640] {strides = array<i32>} : memref<128x128xf32, #tpu.memory_space<vmem>>, vector<1x16xf32>,
        %get3A_1642 = vector.shape_cast %get3A_1641 : vector<1x16xf32> to vector<16xf32>
        %mul3A_1643 = arith.mulf %get3A_1642, %broadcast_in_dim3A_1614 : vector<16xf32>
        %swap3A_1644 = arith.index_cast %add3A_1618 : i32 to index
        %swap3A_1645 = arith.constant 32 : index
        %swap3A_1646 = tpu.vector_load %arg14[%swap3A_1644, %swap3A_1645] {strides = array<i32>} : memref<128x128xf32, #tpu.memory_space<vmem>>, vector<1x16xf32>,
        %swap3A_1647 = vector.shape_cast %swap3A_1646 : vector<1x16xf32> to vector<16xf32>
        %swap3A_1648 = vector.shape_cast %mul3A_1643 : vector<16xf32> to vector<1x16xf32>
        tpu.vector_store %arg14[%swap3A_1644, %swap3A_1645], %swap3A_1648 {strides = array<i32>} : memref<128x128xf32, #tpu.memory_space<vmem>>, vector<1x16xf32>,
        %get3A_1649 = arith.index_cast %add3A_1618 : i32 to index
        %get3A_1650 = arith.constant 48 : index
        %get3A_1651 = tpu.vector_load %arg14[%get3A_1649, %get3A_1650] {strides = array<i32>} : memref<128x128xf32, #tpu.memory_space<vmem>>, vector<1x16xf32>,
        %get3A_1652 = vector.shape_cast %get3A_1651 : vector<1x16xf32> to vector<16xf32>
        %mul3A_1653 = arith.mulf %get3A_1652, %broadcast_in_dim3A_1614 : vector<16xf32>
        %swap3A_1654 = arith.index_cast %add3A_1618 : i32 to index
        %swap3A_1655 = arith.constant 48 : index
        %swap3A_1656 = tpu.vector_load %arg14[%swap3A_1654, %swap3A_1655] {strides = array<i32>} : memref<128x128xf32, #tpu.memory_space<vmem>>, vector<1x16xf32>,
        %swap3A_1657 = vector.shape_cast %swap3A_1656 : vector<1x16xf32> to vector<16xf32>
        %swap3A_1658 = vector.shape_cast %mul3A_1653 : vector<16xf32> to vector<1x16xf32>
        tpu.vector_store %arg14[%swap3A_1654, %swap3A_1655], %swap3A_1658 {strides = array<i32>} : memref<128x128xf32, #tpu.memory_space<vmem>>, vector<1x16xf32>,
        %get3A_1659 = arith.index_cast %add3A_1618 : i32 to index
        %get3A_1660 = arith.constant 64 : index
        %get3A_1661 = tpu.vector_load %arg14[%get3A_1659, %get3A_1660] {strides = array<i32>} : memref<128x128xf32, #tpu.memory_space<vmem>>, vector<1x16xf32>,
        %get3A_1662 = vector.shape_cast %get3A_1661 : vector<1x16xf32> to vector<16xf32>
        %mul3A_1663 = arith.mulf %get3A_1662, %broadcast_in_dim3A_1614 : vector<16xf32>
        %swap3A_1664 = arith.index_cast %add3A_1618 : i32 to index
        %swap3A_1665 = arith.constant 64 : index
        %swap3A_1666 = tpu.vector_load %arg14[%swap3A_1664, %swap3A_1665] {strides = array<i32>} : memref<128x128xf32, #tpu.memory_space<vmem>>, vector<1x16xf32>,
        %swap3A_1667 = vector.shape_cast %swap3A_1666 : vector<1x16xf32> to vector<16xf32>
        %swap3A_1668 = vector.shape_cast %mul3A_1663 : vector<16xf32> to vector<1x16xf32>
        tpu.vector_store %arg14[%swap3A_1664, %swap3A_1665], %swap3A_1668 {strides = array<i32>} : memref<128x128xf32, #tpu.memory_space<vmem>>, vector<1x16xf32>,
        %get3A_1669 = arith.index_cast %add3A_1618 : i32 to index
        %get3A_1670 = arith.constant 80 : index
        %get3A_1671 = tpu.vector_load %arg14[%get3A_1669, %get3A_1670] {strides = array<i32>} : memref<128x128xf32, #tpu.memory_space<vmem>>, vector<1x16xf32>,
        %get3A_1672 = vector.shape_cast %get3A_1671 : vector<1x16xf32> to vector<16xf32>
        %mul3A_1673 = arith.mulf %get3A_1672, %broadcast_in_dim3A_1614 : vector<16xf32>
        %swap3A_1674 = arith.index_cast %add3A_1618 : i32 to index
        %swap3A_1675 = arith.constant 80 : index
        %swap3A_1676 = tpu.vector_load %arg14[%swap3A_1674, %swap3A_1675] {strides = array<i32>} : memref<128x128xf32, #tpu.memory_space<vmem>>, vector<1x16xf32>,
        %swap3A_1677 = vector.shape_cast %swap3A_1676 : vector<1x16xf32> to vector<16xf32>
        %swap3A_1678 = vector.shape_cast %mul3A_1673 : vector<16xf32> to vector<1x16xf32>
        tpu.vector_store %arg14[%swap3A_1674, %swap3A_1675], %swap3A_1678 {strides = array<i32>} : memref<128x128xf32, #tpu.memory_space<vmem>>, vector<1x16xf32>,
        %get3A_1679 = arith.index_cast %add3A_1618 : i32 to index
        %get3A_1680 = arith.constant 96 : index
        %get3A_1681 = tpu.vector_load %arg14[%get3A_1679, %get3A_1680] {strides = array<i32>} : memref<128x128xf32, #tpu.memory_space<vmem>>, vector<1x16xf32>,
        %get3A_1682 = vector.shape_cast %get3A_1681 : vector<1x16xf32> to vector<16xf32>
        %mul3A_1683 = arith.mulf %get3A_1682, %broadcast_in_dim3A_1614 : vector<16xf32>
        %swap3A_1684 = arith.index_cast %add3A_1618 : i32 to index
        %swap3A_1685 = arith.constant 96 : index
        %swap3A_1686 = tpu.vector_load %arg14[%swap3A_1684, %swap3A_1685] {strides = array<i32>} : memref<128x128xf32, #tpu.memory_space<vmem>>, vector<1x16xf32>,
        %swap3A_1687 = vector.shape_cast %swap3A_1686 : vector<1x16xf32> to vector<16xf32>
        %swap3A_1688 = vector.shape_cast %mul3A_1683 : vector<16xf32> to vector<1x16xf32>
        tpu.vector_store %arg14[%swap3A_1684, %swap3A_1685], %swap3A_1688 {strides = array<i32>} : memref<128x128xf32, #tpu.memory_space<vmem>>, vector<1x16xf32>,
        %get3A_1689 = arith.index_cast %add3A_1618 : i32 to index
        %get3A_1690 = arith.constant 112 : index
        %get3A_1691 = tpu.vector_load %arg14[%get3A_1689, %get3A_1690] {strides = array<i32>} : memref<128x128xf32, #tpu.memory_space<vmem>>, vector<1x16xf32>,
        %get3A_1692 = vector.shape_cast %get3A_1691 : vector<1x16xf32> to vector<16xf32>
        %mul3A_1693 = arith.mulf %get3A_1692, %broadcast_in_dim3A_1614 : vector<16xf32>
        %swap3A_1694 = arith.index_cast %add3A_1618 : i32 to index
        %swap3A_1695 = arith.constant 112 : index
        %swap3A_1696 = tpu.vector_load %arg14[%swap3A_1694, %swap3A_1695] {strides = array<i32>} : memref<128x128xf32, #tpu.memory_space<vmem>>, vector<1x16xf32>,
        %swap3A_1697 = vector.shape_cast %swap3A_1696 : vector<1x16xf32> to vector<16xf32>
        %swap3A_1698 = vector.shape_cast %mul3A_1693 : vector<16xf32> to vector<1x16xf32>
        tpu.vector_store %arg14[%swap3A_1694, %swap3A_1695], %swap3A_1698 {strides = array<i32>} : memref<128x128xf32, #tpu.memory_space<vmem>>, vector<1x16xf32>,
        %slice3A_1699 = vector.extract_strided_slice %get3A_394 {offsets = [15], sizes = [1], strides = [1]} : vector<16xf32> to vector<1xf32>
        %broadcast_in_dim3A_1700 = vector.shape_cast %slice3A_1699 : vector<1xf32> to vector<1xf32>
        %broadcast_in_dim3A_1701 = vector.broadcast %broadcast_in_dim3A_1700 : vector<1xf32> to vector<16xf32>
        %mul3A_1702 = arith.constant 16 : i32
        %mul3A_1703 = arith.muli %scan3A_387, %mul3A_1702 : i32
        %add3A_1704 = arith.constant 15 : i32
        %add3A_1705 = arith.addi %mul3A_1703, %add3A_1704 : i32
        %get3A_1706 = arith.index_cast %add3A_1705 : i32 to index
        %get3A_1707 = arith.constant 0 : index
        %get3A_1708 = tpu.vector_load %arg14[%get3A_1706, %get3A_1707] {strides = array<i32>} : memref<128x128xf32, #tpu.memory_space<vmem>>, vector<1x16xf32>,
        %get3A_1709 = vector.shape_cast %get3A_1708 : vector<1x16xf32> to vector<16xf32>
        %mul3A_1710 = arith.mulf %get3A_1709, %broadcast_in_dim3A_1701 : vector<16xf32>
        %swap3A_1711 = arith.index_cast %add3A_1705 : i32 to index
        %swap3A_1712 = arith.constant 0 : index
        %swap3A_1713 = tpu.vector_load %arg14[%swap3A_1711, %swap3A_1712] {strides = array<i32>} : memref<128x128xf32, #tpu.memory_space<vmem>>, vector<1x16xf32>,
        %swap3A_1714 = vector.shape_cast %swap3A_1713 : vector<1x16xf32> to vector<16xf32>
        %swap3A_1715 = vector.shape_cast %mul3A_1710 : vector<16xf32> to vector<1x16xf32>
        tpu.vector_store %arg14[%swap3A_1711, %swap3A_1712], %swap3A_1715 {strides = array<i32>} : memref<128x128xf32, #tpu.memory_space<vmem>>, vector<1x16xf32>,
        %get3A_1716 = arith.index_cast %add3A_1705 : i32 to index
        %get3A_1717 = arith.constant 16 : index
        %get3A_1718 = tpu.vector_load %arg14[%get3A_1716, %get3A_1717] {strides = array<i32>} : memref<128x128xf32, #tpu.memory_space<vmem>>, vector<1x16xf32>,
        %get3A_1719 = vector.shape_cast %get3A_1718 : vector<1x16xf32> to vector<16xf32>
        %mul3A_1720 = arith.mulf %get3A_1719, %broadcast_in_dim3A_1701 : vector<16xf32>
        %swap3A_1721 = arith.index_cast %add3A_1705 : i32 to index
        %swap3A_1722 = arith.constant 16 : index
        %swap3A_1723 = tpu.vector_load %arg14[%swap3A_1721, %swap3A_1722] {strides = array<i32>} : memref<128x128xf32, #tpu.memory_space<vmem>>, vector<1x16xf32>,
        %swap3A_1724 = vector.shape_cast %swap3A_1723 : vector<1x16xf32> to vector<16xf32>
        %swap3A_1725 = vector.shape_cast %mul3A_1720 : vector<16xf32> to vector<1x16xf32>
        tpu.vector_store %arg14[%swap3A_1721, %swap3A_1722], %swap3A_1725 {strides = array<i32>} : memref<128x128xf32, #tpu.memory_space<vmem>>, vector<1x16xf32>,
        %get3A_1726 = arith.index_cast %add3A_1705 : i32 to index
        %get3A_1727 = arith.constant 32 : index
        %get3A_1728 = tpu.vector_load %arg14[%get3A_1726, %get3A_1727] {strides = array<i32>} : memref<128x128xf32, #tpu.memory_space<vmem>>, vector<1x16xf32>,
        %get3A_1729 = vector.shape_cast %get3A_1728 : vector<1x16xf32> to vector<16xf32>
        %mul3A_1730 = arith.mulf %get3A_1729, %broadcast_in_dim3A_1701 : vector<16xf32>
        %swap3A_1731 = arith.index_cast %add3A_1705 : i32 to index
        %swap3A_1732 = arith.constant 32 : index
        %swap3A_1733 = tpu.vector_load %arg14[%swap3A_1731, %swap3A_1732] {strides = array<i32>} : memref<128x128xf32, #tpu.memory_space<vmem>>, vector<1x16xf32>,
        %swap3A_1734 = vector.shape_cast %swap3A_1733 : vector<1x16xf32> to vector<16xf32>
        %swap3A_1735 = vector.shape_cast %mul3A_1730 : vector<16xf32> to vector<1x16xf32>
        tpu.vector_store %arg14[%swap3A_1731, %swap3A_1732], %swap3A_1735 {strides = array<i32>} : memref<128x128xf32, #tpu.memory_space<vmem>>, vector<1x16xf32>,
        %get3A_1736 = arith.index_cast %add3A_1705 : i32 to index
        %get3A_1737 = arith.constant 48 : index
        %get3A_1738 = tpu.vector_load %arg14[%get3A_1736, %get3A_1737] {strides = array<i32>} : memref<128x128xf32, #tpu.memory_space<vmem>>, vector<1x16xf32>,
        %get3A_1739 = vector.shape_cast %get3A_1738 : vector<1x16xf32> to vector<16xf32>
        %mul3A_1740 = arith.mulf %get3A_1739, %broadcast_in_dim3A_1701 : vector<16xf32>
        %swap3A_1741 = arith.index_cast %add3A_1705 : i32 to index
        %swap3A_1742 = arith.constant 48 : index
        %swap3A_1743 = tpu.vector_load %arg14[%swap3A_1741, %swap3A_1742] {strides = array<i32>} : memref<128x128xf32, #tpu.memory_space<vmem>>, vector<1x16xf32>,
        %swap3A_1744 = vector.shape_cast %swap3A_1743 : vector<1x16xf32> to vector<16xf32>
        %swap3A_1745 = vector.shape_cast %mul3A_1740 : vector<16xf32> to vector<1x16xf32>
        tpu.vector_store %arg14[%swap3A_1741, %swap3A_1742], %swap3A_1745 {strides = array<i32>} : memref<128x128xf32, #tpu.memory_space<vmem>>, vector<1x16xf32>,
        %get3A_1746 = arith.index_cast %add3A_1705 : i32 to index
        %get3A_1747 = arith.constant 64 : index
        %get3A_1748 = tpu.vector_load %arg14[%get3A_1746, %get3A_1747] {strides = array<i32>} : memref<128x128xf32, #tpu.memory_space<vmem>>, vector<1x16xf32>,
        %get3A_1749 = vector.shape_cast %get3A_1748 : vector<1x16xf32> to vector<16xf32>
        %mul3A_1750 = arith.mulf %get3A_1749, %broadcast_in_dim3A_1701 : vector<16xf32>
        %swap3A_1751 = arith.index_cast %add3A_1705 : i32 to index
        %swap3A_1752 = arith.constant 64 : index
        %swap3A_1753 = tpu.vector_load %arg14[%swap3A_1751, %swap3A_1752] {strides = array<i32>} : memref<128x128xf32, #tpu.memory_space<vmem>>, vector<1x16xf32>,
        %swap3A_1754 = vector.shape_cast %swap3A_1753 : vector<1x16xf32> to vector<16xf32>
        %swap3A_1755 = vector.shape_cast %mul3A_1750 : vector<16xf32> to vector<1x16xf32>
        tpu.vector_store %arg14[%swap3A_1751, %swap3A_1752], %swap3A_1755 {strides = array<i32>} : memref<128x128xf32, #tpu.memory_space<vmem>>, vector<1x16xf32>,
        %get3A_1756 = arith.index_cast %add3A_1705 : i32 to index
        %get3A_1757 = arith.constant 80 : index
        %get3A_1758 = tpu.vector_load %arg14[%get3A_1756, %get3A_1757] {strides = array<i32>} : memref<128x128xf32, #tpu.memory_space<vmem>>, vector<1x16xf32>,
        %get3A_1759 = vector.shape_cast %get3A_1758 : vector<1x16xf32> to vector<16xf32>
        %mul3A_1760 = arith.mulf %get3A_1759, %broadcast_in_dim3A_1701 : vector<16xf32>
        %swap3A_1761 = arith.index_cast %add3A_1705 : i32 to index
        %swap3A_1762 = arith.constant 80 : index
        %swap3A_1763 = tpu.vector_load %arg14[%swap3A_1761, %swap3A_1762] {strides = array<i32>} : memref<128x128xf32, #tpu.memory_space<vmem>>, vector<1x16xf32>,
        %swap3A_1764 = vector.shape_cast %swap3A_1763 : vector<1x16xf32> to vector<16xf32>
        %swap3A_1765 = vector.shape_cast %mul3A_1760 : vector<16xf32> to vector<1x16xf32>
        tpu.vector_store %arg14[%swap3A_1761, %swap3A_1762], %swap3A_1765 {strides = array<i32>} : memref<128x128xf32, #tpu.memory_space<vmem>>, vector<1x16xf32>,
        %get3A_1766 = arith.index_cast %add3A_1705 : i32 to index
        %get3A_1767 = arith.constant 96 : index
        %get3A_1768 = tpu.vector_load %arg14[%get3A_1766, %get3A_1767] {strides = array<i32>} : memref<128x128xf32, #tpu.memory_space<vmem>>, vector<1x16xf32>,
        %get3A_1769 = vector.shape_cast %get3A_1768 : vector<1x16xf32> to vector<16xf32>
        %mul3A_1770 = arith.mulf %get3A_1769, %broadcast_in_dim3A_1701 : vector<16xf32>
        %swap3A_1771 = arith.index_cast %add3A_1705 : i32 to index
        %swap3A_1772 = arith.constant 96 : index
        %swap3A_1773 = tpu.vector_load %arg14[%swap3A_1771, %swap3A_1772] {strides = array<i32>} : memref<128x128xf32, #tpu.memory_space<vmem>>, vector<1x16xf32>,
        %swap3A_1774 = vector.shape_cast %swap3A_1773 : vector<1x16xf32> to vector<16xf32>
        %swap3A_1775 = vector.shape_cast %mul3A_1770 : vector<16xf32> to vector<1x16xf32>
        tpu.vector_store %arg14[%swap3A_1771, %swap3A_1772], %swap3A_1775 {strides = array<i32>} : memref<128x128xf32, #tpu.memory_space<vmem>>, vector<1x16xf32>,
        %get3A_1776 = arith.index_cast %add3A_1705 : i32 to index
        %get3A_1777 = arith.constant 112 : index
        %get3A_1778 = tpu.vector_load %arg14[%get3A_1776, %get3A_1777] {strides = array<i32>} : memref<128x128xf32, #tpu.memory_space<vmem>>, vector<1x16xf32>,
        %get3A_1779 = vector.shape_cast %get3A_1778 : vector<1x16xf32> to vector<16xf32>
        %mul3A_1780 = arith.mulf %get3A_1779, %broadcast_in_dim3A_1701 : vector<16xf32>
        %swap3A_1781 = arith.index_cast %add3A_1705 : i32 to index
        %swap3A_1782 = arith.constant 112 : index
        %swap3A_1783 = tpu.vector_load %arg14[%swap3A_1781, %swap3A_1782] {strides = array<i32>} : memref<128x128xf32, #tpu.memory_space<vmem>>, vector<1x16xf32>,
        %swap3A_1784 = vector.shape_cast %swap3A_1783 : vector<1x16xf32> to vector<16xf32>
        %swap3A_1785 = vector.shape_cast %mul3A_1780 : vector<16xf32> to vector<1x16xf32>
        tpu.vector_store %arg14[%swap3A_1781, %swap3A_1782], %swap3A_1785 {strides = array<i32>} : memref<128x128xf32, #tpu.memory_space<vmem>>, vector<1x16xf32>,
      }
      %scan3A_385 = arith.constant 8 : i32
      %run_scoped3A_386 = arith.constant 0 : i32
      "tpu.region"() ({
        %run_scoped3A_387 = tpu.sem_alloc : memref<!tpu.dma_semaphore, #tpu.memory_space<semaphore_mem>>
        %dma_start3A_388 = arith.constant 0 : i32
        %dma_start3A_389 = tpu.memref_slice %arg10[%run_scoped3A_386, %dma_start3A_388] : memref<1x128xi32, #tpu.memory_space<vmem>> -> memref<1x128xi32, #tpu.memory_space<vmem>>
        %dma_start3A_390 = tpu.memref_squeeze %dma_start3A_389 : memref<1x128xi32, #tpu.memory_space<vmem>> -> memref<128xi32, #tpu.memory_space<vmem>>
        %dma_start3A_391 = arith.constant 0 : i32
        %dma_start3A_392 = arith.constant 0 : i32
        %dma_start3A_393 = tpu.memref_slice %arg15[%dma_start3A_391, %dma_start3A_392] : memref<10240x128xf32, #tpu.memory_space<vmem_shared>> -> memref<10240x128xf32, #tpu.memory_space<vmem_shared>>
        tpu.enqueue_indirect_dma source(%arg14 : memref<128x128xf32, #tpu.memory_space<vmem>>) target(%dma_start3A_393 : memref<10240x128xf32, #tpu.memory_space<vmem_shared>>) offsets(%dma_start3A_390 : memref<128xi32, #tpu.memory_space<vmem>>) semaphore(%run_scoped3A_387 : memref<!tpu.dma_semaphore, #tpu.memory_space<semaphore_mem>>) {add = true}
        %dma_wait3A_394 = arith.constant 0 : i32
        %dma_wait3A_395 = tpu.memref_slice %arg10[%run_scoped3A_386, %dma_wait3A_394] : memref<1x128xi32, #tpu.memory_space<vmem>> -> memref<1x128xi32, #tpu.memory_space<vmem>>
        %dma_wait3A_396 = tpu.memref_squeeze %dma_wait3A_395 : memref<1x128xi32, #tpu.memory_space<vmem>> -> memref<128xi32, #tpu.memory_space<vmem>>
        %dma_wait3A_397 = arith.constant 0 : i32
        %dma_wait3A_398 = arith.constant 0 : i32
        %dma_wait3A_399 = tpu.memref_slice %arg15[%dma_wait3A_397, %dma_wait3A_398] : memref<10240x128xf32, #tpu.memory_space<vmem_shared>> -> memref<10240x128xf32, #tpu.memory_space<vmem_shared>>
        tpu.wait_indirect_dma semaphore(%run_scoped3A_387 : memref<!tpu.dma_semaphore, #tpu.memory_space<semaphore_mem>>) src(%arg14 : memref<128x128xf32, #tpu.memory_space<vmem>>) dst(%dma_wait3A_399 : memref<10240x128xf32, #tpu.memory_space<vmem_shared>>)
        tpu.yield
      }) : () -> ()
    }
    %scan3A_103 = arith.constant 81 : i32
    %barrier3A_104 = arith.constant 0 : index
    tpu.barrier barrier_id(%barrier3A_104)
    %mul3A_105 = arith.constant 640 : i32
    %mul3A_106 = arith.muli %arg1, %mul3A_105 : i32
    %mul3A_107 = arith.constant 640 : i32
    %mul3A_108 = arith.muli %arg1, %mul3A_107 : i32
    "tpu.region"() ({
      %run_scoped3A_111 = tpu.sem_alloc : memref<!tpu.dma_semaphore, #tpu.memory_space<semaphore_mem>>
      %dma_start3A = arith.constant 0 : i32
      %dma_start3A_112 = tpu.memref_slice %arg7[%arg0, %mul3A_108, %dma_start3A] : memref<2x10240x128xf32, #tpu.memory_space<hbm>> -> memref<1x640x128xf32, #tpu.memory_space<hbm>>
      %dma_start3A_113 = tpu.memref_squeeze %dma_start3A_112 : memref<1x640x128xf32, #tpu.memory_space<hbm>> -> memref<640x128xf32, #tpu.memory_space<hbm>>
      %dma_start3A_114 = arith.constant 0 : i32
      %dma_start3A_115 = tpu.memref_slice %arg15[%mul3A_106, %dma_start3A_114] : memref<10240x128xf32, #tpu.memory_space<vmem_shared>> -> memref<640x128xf32, #tpu.memory_space<vmem_shared>>
      tpu.enqueue_dma source(%dma_start3A_115 : memref<640x128xf32, #tpu.memory_space<vmem_shared>>) target(%dma_start3A_113 : memref<640x128xf32, #tpu.memory_space<hbm>>) target_semaphore(%run_scoped3A_111 : memref<!tpu.dma_semaphore, #tpu.memory_space<semaphore_mem>>)
      %dma_wait3A = arith.constant 0 : i32
      %dma_wait3A_116 = tpu.memref_slice %arg7[%arg0, %mul3A_108, %dma_wait3A] : memref<2x10240x128xf32, #tpu.memory_space<hbm>> -> memref<1x640x128xf32, #tpu.memory_space<hbm>>
      %dma_wait3A_117 = tpu.memref_squeeze %dma_wait3A_116 : memref<1x640x128xf32, #tpu.memory_space<hbm>> -> memref<640x128xf32, #tpu.memory_space<hbm>>
      %dma_wait3A_118 = arith.constant 0 : i32
      %dma_wait3A_119 = tpu.memref_slice %arg15[%mul3A_106, %dma_wait3A_118] : memref<10240x128xf32, #tpu.memory_space<vmem_shared>> -> memref<640x128xf32, #tpu.memory_space<vmem_shared>>
      tpu.wait_dma2 semaphore(%run_scoped3A_111 : memref<!tpu.dma_semaphore, #tpu.memory_space<semaphore_mem>>) src(%dma_wait3A_119 : memref<640x128xf32, #tpu.memory_space<vmem_shared>>) dst(%dma_wait3A_117 : memref<640x128xf32, #tpu.memory_space<hbm>>)
      tpu.yield
    }) : () -> ()
    %eq3A = arith.constant 0 : i32
    %eq3A_109 = arith.cmpi eq, %arg1, %eq3A : i32
    %convert_element_type3A = arith.extui %eq3A_109 : i1 to i32
    %cond3A = arith.constant 0 : i32
    %cond3A_110 = arith.cmpi ne, %convert_element_type3A, %cond3A : i32
    scf.if %cond3A_110 {
      %mul3A_111 = arith.constant 10240 : i32
      %mul3A_112 = arith.muli %arg0, %mul3A_111 : i32
      "tpu.region"() ({
        %run_scoped3A_113 = tpu.sem_alloc : memref<!tpu.dma_semaphore, #tpu.memory_space<semaphore_mem>>
        %dma_start3A = tpu.memref_slice %arg8[%mul3A_112] : memref<20480xf32, #tpu.memory_space<hbm>> -> memref<10240xf32, #tpu.memory_space<hbm>>
        tpu.enqueue_dma source(%arg16 : memref<10240xf32, #tpu.memory_space<vmem_shared>>) target(%dma_start3A : memref<10240xf32, #tpu.memory_space<hbm>>) target_semaphore(%run_scoped3A_113 : memref<!tpu.dma_semaphore, #tpu.memory_space<semaphore_mem>>)
        %dma_wait3A = tpu.memref_slice %arg8[%mul3A_112] : memref<20480xf32, #tpu.memory_space<hbm>> -> memref<10240xf32, #tpu.memory_space<hbm>>
        tpu.wait_dma2 semaphore(%run_scoped3A_113 : memref<!tpu.dma_semaphore, #tpu.memory_space<semaphore_mem>>) src(%arg16 : memref<10240xf32, #tpu.memory_space<vmem_shared>>) dst(%dma_wait3A : memref<10240xf32, #tpu.memory_space<hbm>>)
        tpu.yield
      }) : () -> ()
    } else {
    }
    return
  }
}

module attributes {stable_mosaic.version = 14 : i64} {
  func.func @_k1_body(%arg0: memref<10000x128xf32, #tpu.memory_space<vmem>>, %arg1: memref<128x128xf32, #tpu.memory_space<vmem>>, %arg2: memref<2x128xf32, #tpu.memory_space<vmem>>, %arg3: memref<10000x128xf32, #tpu.memory_space<vmem>>, %arg4: memref<1x10000xf32, #tpu.memory_space<vmem>>, %arg5: memref<1x10000xf32, #tpu.memory_space<vmem>>) attributes {dimension_semantics = [], scalar_prefetch = 0 : i64, scratch_operands = 0 : i64, tpu.core_type = #tpu.core_type<tc>} {
    %get3A = arith.constant 0 : index
    %get3A_0 = arith.constant 0 : index
    %get3A_1 = vector.load %arg0[%get3A, %get3A_0] : memref<10000x128xf32, #tpu.memory_space<vmem>>, vector<10000x128xf32>
    %get3A_2 = arith.constant 0 : index
    %get3A_3 = arith.constant 0 : index
    %get3A_4 = vector.load %arg1[%get3A_2, %get3A_3] : memref<128x128xf32, #tpu.memory_space<vmem>>, vector<128x128xf32>
    %dot_general3A = arith.constant dense<0.000000e+00> : vector<10000x128xf32>
    %dot_general3A_5 = tpu.matmul %get3A_1, %get3A_4, %dot_general3A {dimension_numbers = #tpu.dot_dimension_numbers<[1], [0], [0], [1], [0, 0, 1, 1], [], []>, precision = #tpu.contract_precision<fp32>, transpose_lhs_hint = false} : vector<10000x128xf32>, vector<128x128xf32>, vector<10000x128xf32> -> vector<10000x128xf32>
    %swap3A = arith.constant 0 : index
    %swap3A_6 = arith.constant 0 : index
    %swap3A_7 = vector.load %arg3[%swap3A, %swap3A_6] : memref<10000x128xf32, #tpu.memory_space<vmem>>, vector<10000x128xf32>
    tpu.vector_store %arg3[%swap3A, %swap3A_6], %dot_general3A_5 {strides = array<i32>} : memref<10000x128xf32, #tpu.memory_space<vmem>>, vector<10000x128xf32>,
    %get3A_8 = arith.constant 0 : index
    %get3A_9 = arith.constant 0 : index
    %get3A_10 = vector.load %arg2[%get3A_8, %get3A_9] : memref<2x128xf32, #tpu.memory_space<vmem>>, vector<1x128xf32>
    %dot_general3A_11 = arith.constant dense<0.000000e+00> : vector<1x10000xf32>
    %dot_general3A_12 = tpu.matmul %get3A_10, %dot_general3A_5, %dot_general3A_11 {dimension_numbers = #tpu.dot_dimension_numbers<[1], [1], [0], [0], [0, 0, 1, 0], [], []>, precision = #tpu.contract_precision<fp32>, transpose_lhs_hint = false} : vector<1x128xf32>, vector<10000x128xf32>, vector<1x10000xf32> -> vector<1x10000xf32>
    %swap3A_13 = arith.constant 0 : index
    %swap3A_14 = arith.constant 0 : index
    %swap3A_15 = vector.load %arg4[%swap3A_13, %swap3A_14] : memref<1x10000xf32, #tpu.memory_space<vmem>>, vector<1x10000xf32>
    tpu.vector_store %arg4[%swap3A_13, %swap3A_14], %dot_general3A_12 {strides = array<i32>} : memref<1x10000xf32, #tpu.memory_space<vmem>>, vector<1x10000xf32>,
    %get3A_16 = arith.constant 1 : index
    %get3A_17 = arith.constant 0 : index
    %get3A_18 = vector.load %arg2[%get3A_16, %get3A_17] : memref<2x128xf32, #tpu.memory_space<vmem>>, vector<1x128xf32>
    %dot_general3A_19 = arith.constant dense<0.000000e+00> : vector<1x10000xf32>
    %dot_general3A_20 = tpu.matmul %get3A_18, %dot_general3A_5, %dot_general3A_19 {dimension_numbers = #tpu.dot_dimension_numbers<[1], [1], [0], [0], [0, 0, 1, 0], [], []>, precision = #tpu.contract_precision<fp32>, transpose_lhs_hint = false} : vector<1x128xf32>, vector<10000x128xf32>, vector<1x10000xf32> -> vector<1x10000xf32>
    %swap3A_21 = arith.constant 0 : index
    %swap3A_22 = arith.constant 0 : index
    %swap3A_23 = vector.load %arg5[%swap3A_21, %swap3A_22] : memref<1x10000xf32, #tpu.memory_space<vmem>>, vector<1x10000xf32>
    tpu.vector_store %arg5[%swap3A_21, %swap3A_22], %dot_general3A_20 {strides = array<i32>} : memref<1x10000xf32, #tpu.memory_space<vmem>>, vector<1x10000xf32>,
    return
  }
}

module attributes {stable_mosaic.version = 14 : i64} {
  func.func @_k3_body(%arg0: i32, %arg1: memref<1000x128xf32, #tpu.memory_space<vmem>>, %arg2: memref<1000x128xf32, #tpu.memory_space<vmem>>, %arg3: memref<1000x2xf32, #tpu.memory_space<vmem>>, %arg4: memref<1x128xf32, #tpu.memory_space<vmem>>, %arg5: memref<1000x128xf32, #tpu.memory_space<vmem>>) attributes {dimension_semantics = [#tpu.dimension_semantics<arbitrary>], iteration_bounds = array<i64: 10>, scalar_prefetch = 0 : i64, scratch_operands = 0 : i64, tpu.core_type = #tpu.core_type<tc>, window_params = [{transform_indices = @transform_0, window_bounds = array<i64: 1000, 128>}, {transform_indices = @transform_1, window_bounds = array<i64: 1000, 128>}, {transform_indices = @transform_2, window_bounds = array<i64: 1000, 2>}, {pipeline_mode = #tpu.pipeline_mode<synchronous>, transform_indices = @transform_3, window_bounds = array<i64: 1, 128>}, {transform_indices = @transform_4, window_bounds = array<i64: 1000, 128>}]} {
    %get3A = arith.constant 0 : index
    %get3A_0 = arith.constant 0 : index
    %get3A_1 = vector.load %arg3[%get3A, %get3A_0] : memref<1000x2xf32, #tpu.memory_space<vmem>>, vector<1000x1xf32>
    %get3A_2 = vector.shape_cast %get3A_1 : vector<1000x1xf32> to vector<1000xf32>
    %get3A_3 = arith.constant 0 : index
    %get3A_4 = arith.constant 1 : index
    %get3A_5 = vector.load %arg3[%get3A_3, %get3A_4] : memref<1000x2xf32, #tpu.memory_space<vmem>>, vector<1000x1xf32>
    %get3A_6 = vector.shape_cast %get3A_5 : vector<1000x1xf32> to vector<1000xf32>
    %add3A = arith.addf %get3A_2, %get3A_6 : vector<1000xf32>
    %add3A_7 = arith.constant 1.000000e-16 : f32
    %add3A_8 = vector.broadcast %add3A_7 : f32 to vector<1000xf32>
    %add3A_9 = arith.addf %add3A, %add3A_8 : vector<1000xf32>
    %div3A = arith.constant 1.000000e+00 : f32
    %div3A_10 = vector.broadcast %div3A : f32 to vector<1000xf32>
    %div3A_11 = arith.divf %div3A_10, %add3A_9 : vector<1000xf32>
    %get3A_12 = arith.constant 0 : index
    %get3A_13 = arith.constant 0 : index
    %get3A_14 = vector.load %arg1[%get3A_12, %get3A_13] : memref<1000x128xf32, #tpu.memory_space<vmem>>, vector<1000x128xf32>
    %get3A_15 = arith.constant 0 : index
    %get3A_16 = arith.constant 0 : index
    %get3A_17 = vector.load %arg2[%get3A_15, %get3A_16] : memref<1000x128xf32, #tpu.memory_space<vmem>>, vector<1000x128xf32>
    %add3A_18 = arith.addf %get3A_14, %get3A_17 : vector<1000x128xf32>
    %broadcast_in_dim3A = vector.shape_cast %div3A_11 : vector<1000xf32> to vector<1000x1xf32>
    %mul3A = vector.broadcast %broadcast_in_dim3A : vector<1000x1xf32> to vector<1000x128xf32>
    %mul3A_19 = arith.mulf %add3A_18, %mul3A : vector<1000x128xf32>
    %get3A_20 = arith.constant 0 : index
    %get3A_21 = arith.constant 0 : index
    %get3A_22 = vector.load %arg4[%get3A_20, %get3A_21] : memref<1x128xf32, #tpu.memory_space<vmem>>, vector<1x128xf32>
    %add3A_23 = vector.broadcast %get3A_22 : vector<1x128xf32> to vector<1000x128xf32>
    %add3A_24 = arith.addf %mul3A_19, %add3A_23 : vector<1000x128xf32>
    %max3A = arith.constant 0.000000e+00 : f32
    %max3A_25 = vector.broadcast %max3A : f32 to vector<1000x128xf32>
    %max3A_26 = arith.maximumf %add3A_24, %max3A_25 : vector<1000x128xf32>
    %swap3A = arith.constant 0 : index
    %swap3A_27 = arith.constant 0 : index
    %swap3A_28 = vector.load %arg5[%swap3A, %swap3A_27] : memref<1000x128xf32, #tpu.memory_space<vmem>>, vector<1000x128xf32>
    tpu.vector_store %arg5[%swap3A, %swap3A_27], %max3A_26 {strides = array<i32>} : memref<1000x128xf32, #tpu.memory_space<vmem>>, vector<1000x128xf32>,
    return
  }
  func.func @transform_0(%arg0: i32) -> (i32, i32) {
    %c0_i32 = arith.constant 0 : i32
    %c0_i32_0 = arith.constant 0 : i32
    return %arg0, %c0_i32 : i32, i32
  }
  func.func @transform_1(%arg0: i32) -> (i32, i32) {
    %c0_i32 = arith.constant 0 : i32
    %c0_i32_0 = arith.constant 0 : i32
    return %arg0, %c0_i32 : i32, i32
  }
  func.func @transform_2(%arg0: i32) -> (i32, i32) {
    %c0_i32 = arith.constant 0 : i32
    %c0_i32_0 = arith.constant 0 : i32
    return %arg0, %c0_i32 : i32, i32
  }
  func.func @transform_3(%arg0: i32) -> (i32, i32) {
    %c0_i32 = arith.constant 0 : i32
    %c0_i32_0 = arith.constant 0 : i32
    %c0_i32_1 = arith.constant 0 : i32
    return %c0_i32, %c0_i32_0 : i32, i32
  }
  func.func @transform_4(%arg0: i32) -> (i32, i32) {
    %c0_i32 = arith.constant 0 : i32
    %c0_i32_0 = arith.constant 0 : i32
    return %arg0, %c0_i32 : i32, i32
  }
}

module attributes {stable_mosaic.version = 14 : i64} {
  func.func @_k45_body(%arg0: i32, %arg1: memref<1x16000xf32, #tpu.memory_space<vmem>>, %arg2: memref<16000x128xf32, #tpu.memory_space<vmem>>, %arg3: memref<1x128xf32, #tpu.memory_space<vmem>>, %arg4: memref<128x10000xf32, #tpu.memory_space<vmem>>, %arg5: memref<1x10000xf32, #tpu.memory_space<vmem>>, %arg6: memref<1x10000xf32, #tpu.memory_space<vmem>>, %arg7: memref<1x128xf32, #tpu.memory_space<vmem>>) attributes {dimension_semantics = [#tpu.dimension_semantics<arbitrary>], iteration_bounds = array<i64: 80>, scalar_prefetch = 0 : i64, scratch_operands = 1 : i64, tpu.core_type = #tpu.core_type<tc>, window_params = [{transform_indices = @transform_0, window_bounds = array<i64: 1, 16000>}, {transform_indices = @transform_1, window_bounds = array<i64: 16000, 128>}, {pipeline_mode = #tpu.pipeline_mode<synchronous>, transform_indices = @transform_2, window_bounds = array<i64: 1, 128>}, {pipeline_mode = #tpu.pipeline_mode<synchronous>, transform_indices = @transform_3, window_bounds = array<i64: 128, 10000>}, {pipeline_mode = #tpu.pipeline_mode<synchronous>, transform_indices = @transform_4, window_bounds = array<i64: 1, 10000>}, {pipeline_mode = #tpu.pipeline_mode<synchronous>, transform_indices = @transform_5, window_bounds = array<i64: 1, 10000>}]} {
    %get3A = arith.constant 0 : index
    %get3A_0 = arith.constant 0 : index
    %get3A_1 = vector.load %arg1[%get3A, %get3A_0] : memref<1x16000xf32, #tpu.memory_space<vmem>>, vector<1x16000xf32>
    %get3A_2 = arith.constant 0 : index
    %get3A_3 = arith.constant 0 : index
    %get3A_4 = vector.load %arg2[%get3A_2, %get3A_3] : memref<16000x128xf32, #tpu.memory_space<vmem>>, vector<16000x128xf32>
    %dot_general3A = arith.constant dense<0.000000e+00> : vector<1x128xf32>
    %dot_general3A_5 = tpu.matmul %get3A_1, %get3A_4, %dot_general3A {dimension_numbers = #tpu.dot_dimension_numbers<[1], [0], [0], [1], [0, 0, 1, 1], [], []>, precision = #tpu.contract_precision<fp32>, transpose_lhs_hint = false} : vector<1x16000xf32>, vector<16000x128xf32>, vector<1x128xf32> -> vector<1x128xf32>
    %eq3A = arith.constant 0 : i32
    %eq3A_6 = arith.cmpi eq, %arg0, %eq3A : i32
    %convert_element_type3A = arith.extui %eq3A_6 : i1 to i32
    %cond3A = arith.constant 0 : i32
    %cond3A_7 = arith.cmpi ne, %convert_element_type3A, %cond3A : i32
    scf.if %cond3A_7 {
      %swap3A = arith.constant 0 : index
      %swap3A_17 = arith.constant 0 : index
      %swap3A_18 = vector.load %arg7[%swap3A, %swap3A_17] : memref<1x128xf32, #tpu.memory_space<vmem>>, vector<1x128xf32>
      tpu.vector_store %arg7[%swap3A, %swap3A_17], %dot_general3A_5 {strides = array<i32>} : memref<1x128xf32, #tpu.memory_space<vmem>>, vector<1x128xf32>,
    } else {
    }
    %gt3A = arith.constant 0 : i32
    %gt3A_8 = arith.cmpi sgt, %arg0, %gt3A : i32
    %convert_element_type3A_9 = arith.extui %gt3A_8 : i1 to i32
    %cond3A_10 = arith.constant 0 : i32
    %cond3A_11 = arith.cmpi ne, %convert_element_type3A_9, %cond3A_10 : i32
    scf.if %cond3A_11 {
      %get3A_17 = arith.constant 0 : index
      %get3A_18 = arith.constant 0 : index
      %get3A_19 = vector.load %arg7[%get3A_17, %get3A_18] : memref<1x128xf32, #tpu.memory_space<vmem>>, vector<1x128xf32>
      %add3A = arith.addf %get3A_19, %dot_general3A_5 : vector<1x128xf32>
      %swap3A = arith.constant 0 : index
      %swap3A_20 = arith.constant 0 : index
      %swap3A_21 = vector.load %arg7[%swap3A, %swap3A_20] : memref<1x128xf32, #tpu.memory_space<vmem>>, vector<1x128xf32>
      tpu.vector_store %arg7[%swap3A, %swap3A_20], %add3A {strides = array<i32>} : memref<1x128xf32, #tpu.memory_space<vmem>>, vector<1x128xf32>,
    } else {
    }
    %eq3A_12 = arith.constant 79 : i32
    %eq3A_13 = arith.cmpi eq, %arg0, %eq3A_12 : i32
    %convert_element_type3A_14 = arith.extui %eq3A_13 : i1 to i32
    %cond3A_15 = arith.constant 0 : i32
    %cond3A_16 = arith.cmpi ne, %convert_element_type3A_14, %cond3A_15 : i32
    scf.if %cond3A_16 {
      %get3A_17 = arith.constant 0 : index
      %get3A_18 = arith.constant 0 : index
      %get3A_19 = vector.load %arg7[%get3A_17, %get3A_18] : memref<1x128xf32, #tpu.memory_space<vmem>>, vector<1x128xf32>
      %get3A_20 = arith.constant 0 : index
      %get3A_21 = arith.constant 0 : index
      %get3A_22 = vector.load %arg3[%get3A_20, %get3A_21] : memref<1x128xf32, #tpu.memory_space<vmem>>, vector<1x128xf32>
      %add3A = arith.addf %get3A_19, %get3A_22 : vector<1x128xf32>
      %max3A = arith.constant 0.000000e+00 : f32
      %max3A_23 = vector.broadcast %max3A : f32 to vector<1x128xf32>
      %max3A_24 = arith.maximumf %add3A, %max3A_23 : vector<1x128xf32>
      %get3A_25 = arith.constant 0 : index
      %get3A_26 = arith.constant 0 : index
      %get3A_27 = vector.load %arg4[%get3A_25, %get3A_26] : memref<128x10000xf32, #tpu.memory_space<vmem>>, vector<128x10000xf32>
      %dot_general3A_28 = arith.constant dense<0.000000e+00> : vector<1x10000xf32>
      %dot_general3A_29 = tpu.matmul %max3A_24, %get3A_27, %dot_general3A_28 {dimension_numbers = #tpu.dot_dimension_numbers<[1], [0], [0], [1], [0, 0, 1, 1], [], []>, precision = #tpu.contract_precision<fp32>, transpose_lhs_hint = false} : vector<1x128xf32>, vector<128x10000xf32>, vector<1x10000xf32> -> vector<1x10000xf32>
      %get3A_30 = arith.constant 0 : index
      %get3A_31 = arith.constant 0 : index
      %get3A_32 = vector.load %arg5[%get3A_30, %get3A_31] : memref<1x10000xf32, #tpu.memory_space<vmem>>, vector<1x10000xf32>
      %add3A_33 = arith.addf %dot_general3A_29, %get3A_32 : vector<1x10000xf32>
      %max3A_34 = arith.constant 0.000000e+00 : f32
      %max3A_35 = vector.broadcast %max3A_34 : f32 to vector<1x10000xf32>
      %max3A_36 = arith.maximumf %add3A_33, %max3A_35 : vector<1x10000xf32>
      %swap3A = arith.constant 0 : index
      %swap3A_37 = arith.constant 0 : index
      %swap3A_38 = vector.load %arg6[%swap3A, %swap3A_37] : memref<1x10000xf32, #tpu.memory_space<vmem>>, vector<1x10000xf32>
      tpu.vector_store %arg6[%swap3A, %swap3A_37], %max3A_36 {strides = array<i32>} : memref<1x10000xf32, #tpu.memory_space<vmem>>, vector<1x10000xf32>,
    } else {
    }
    return
  }
  func.func @transform_0(%arg0: i32) -> (i32, i32) {
    %c0_i32 = arith.constant 0 : i32
    %c0_i32_0 = arith.constant 0 : i32
    return %c0_i32, %arg0 : i32, i32
  }
  func.func @transform_1(%arg0: i32) -> (i32, i32) {
    %c0_i32 = arith.constant 0 : i32
    %c0_i32_0 = arith.constant 0 : i32
    return %arg0, %c0_i32 : i32, i32
  }
  func.func @transform_2(%arg0: i32) -> (i32, i32) {
    %c0_i32 = arith.constant 0 : i32
    %c0_i32_0 = arith.constant 0 : i32
    %c0_i32_1 = arith.constant 0 : i32
    return %c0_i32, %c0_i32_0 : i32, i32
  }
  func.func @transform_3(%arg0: i32) -> (i32, i32) {
    %c0_i32 = arith.constant 0 : i32
    %c0_i32_0 = arith.constant 0 : i32
    %c0_i32_1 = arith.constant 0 : i32
    return %c0_i32, %c0_i32_0 : i32, i32
  }
  func.func @transform_4(%arg0: i32) -> (i32, i32) {
    %c0_i32 = arith.constant 0 : i32
    %c0_i32_0 = arith.constant 0 : i32
    %c0_i32_1 = arith.constant 0 : i32
    return %c0_i32, %c0_i32_0 : i32, i32
  }
  func.func @transform_5(%arg0: i32) -> (i32, i32) {
    %c0_i32 = arith.constant 0 : i32
    %c0_i32_0 = arith.constant 0 : i32
    %c0_i32_1 = arith.constant 0 : i32
    return %c0_i32, %c0_i32_0 : i32, i32
  }
}

</mosaic_0001>

<sc_bundles>
// kernel: kernel.6.cloned.1.call-start
scs
__scs_entry_jumppad:
0x0: {  	(pc) =	sbr.rel $0x88, $3  }
0x1: {  	(tag) =	ssettag $0x0;
	lr =	simm.s32 $0x1  }
0x2: {  	[smem:$0x3F97] =	sst lr;
	_ =	strace $0xD0000000  }
0x3: {  	_ = 	snop  }
0x4: {  	_ = 	snop  }
0x5: {  	_ = 	snop  }
0x6: {  	_ = 	snop  }
0x7: {  	_ = 	snop  }
__scs_overlays_trampoline_lowered:
0x8: {  	[smem:$0x3FA6] =	sst s0  }
0x9: {  	[smem:$0x3FA7] =	sst s1  }
0xa: {  	[smem:$0x3FA8] =	sst s2  }
0xb: {  	[smem:$0x3FA9] =	sst s3  }
0xc: {  	[smem:$0x3FAA] =	sst s4  }
0xd: {  	[smem:$0x3FAB] =	sst s5  }
0xe: {  	[smem:$0x3FAC] =	sst s6  }
0xf: {  	[smem:$0x3FAD] =	sst s7  }
0x10: {  	[smem:$0x3FAE] =	sst s8  }
0x11: {  	[smem:$0x3FAF] =	sst s9;
	s0 =	simm.s32 @!p0 $0x0  }
0x12: {  	s1 =	sld [smem:$0x3F95];
	s0 =	simm.s32 @p0 $0x1  }
0x13: {  	[smem:$0x3FB0] =	sst s0;
	s0 =	simm.s32 @!p1 $0x0  }
0x14: {  	s2 =	sld [smem:$0x3F94];
	s0 =	simm.s32 @p1 $0x1  }
0x15: {  	[smem:$0x3FB1] =	sst s0;
	s0 =	simm.s32 @!p2 $0x0  }
0x16: {  	s3 =	sld [smem:$0x3FDB];
	s0 =	simm.s32 @p2 $0x1  }
0x17: {  	s4 =	simm.s32 $0x1BF5;
	[smem:$0x3FB3] =	sst s0  }
0x18: {  	s0 =	sld [smem:$0x3F96];
	_ =	swait.ge [sflag:s4], $0x0  }
0x19: {  	s7 =	sld [smem:$0x3F97]  }
0x1a: {  	s8 =	sadd.s32 $0xFFFFE003, lr  }
0x1b: {  	s9 =	sadd.s32 $0xFFFFFEF7, lr;
	s5 =	simm.s32 $0xFFFFFFFF;
	p2 =	slt.u32 s8, $0xFFFFF086  }
0x1c: {  	p1 =	slt.u32 s9, $0xF7A;
	s5 =	simm.s32 @!p2 $0x0  }
0x1d: {  	s5 =	simm.s32 @p1 $0x1;
	p0 =	seq.s32 s7, s2  }
0x1e: {  	s7 =	smul.u32 @!p0 $0xF7A, s2;
	p2 =	seq.s32 @!p0 s5, $0x0  }
0x1f: {  	s9 =	smul.u32 $0xF7A, s1;
	s8 =	simm.s32 @!p0 $0x1BF5;
	p2 =	por !p2, p0  }
0x20: {  	[sflag:s8] =	ssyncset.s32 @!p0 $0xFFFFF086;
	s6 =	sadd.s32 @!p0 s3, s7;
	s7 =	simm.s32 @!p0 $0x108  }
0x21: {  	s3 =	sadd.s32 s3, s9;
	s6 =	sadd.s32 @!p0 $0x88, s6;
	s7 =	simm.s32 @p2 $0x1082  }
0x22: {  	[simem:s7], [sflag:s8] =	dma.local @!p0 [hbm:s6], $0xF7A  }
0x23: {  	s9 =	sor.u32 $0xD0000000, s2;
	s6 =	simm.s32 $0x108;
	_ =	swait.ge @!p0 [sflag:s8], $0x0  }
0x24: {  	s3 =	sadd.s32 $0x88, s3;
	s6 =	simm.s32 @!p1 $0x1082;
	[sflag:s4] =	ssyncset.s32 $0xFFFFF086  }
0x25: {  	[simem:s6], [sflag:s4] =	dma.local [hbm:s3], $0xF7A  }
0x26: {  	[smem:$0x3F97] =	sst s1;
	(tag) =	ssettag s2;
	_ =	strace s9  }
0x27: {  	s1 =	sld [smem:$0x3FA7]  }
0x28: {  	s2 =	sld [smem:$0x3FA8]  }
0x29: {  	s4 =	sld [smem:$0x3FAA]  }
0x2a: {  	p0 =	seq.s32 s5, $0x0;
	s5 =	sld [smem:$0x3FAB]  }
0x2b: {  	s6 =	sld [smem:$0x3FAC]  }
0x2c: {  	s7 =	sld [smem:$0x3FAD]  }
0x2d: {  	s3 =	simm.s32 $0x108;
	s8 =	sld [smem:$0x3FAE]  }
0x2e: {  	s3 =	simm.s32 @!p0 $0x1082;
	s9 =	sld [smem:$0x3FAF]  }
0x2f: {  	lr =	sadd.s32 s0, s3;
	s0 =	sld [smem:$0x3FA6]  }
0x30: {  	s3 =	sld [smem:$0x3FA9]  }
0x31: {  	[smem:$0x3FB2] =	sst s10  }
0x32: {  	s10 =	sld [smem:$0x3FB0];
	_ =	sdelay $0x3  }
0x33: {  	p0 =	seq.s32 s10, $0x1;
	s10 =	sld [smem:$0x3FB2];
	_ =	sdelay $0x3  }
0x34: {  	[smem:$0x3FB2] =	sst s10  }
0x35: {  	s10 =	sld [smem:$0x3FB1];
	_ =	sdelay $0x3  }
0x36: {  	p1 =	seq.s32 s10, $0x1;
	s10 =	sld [smem:$0x3FB2];
	_ =	sdelay $0x3  }
0x37: {  	[smem:$0x3FB2] =	sst s10  }
0x38: {  	s10 =	sld [smem:$0x3FB3]  }
0x39: {  	_ = 	snop;
	(pc) =	sbr.ind lr, $3  }
0x3a: {  	_ = 	snop  }
0x3b: {  	_ = 	snop  }
0x3c: {  	p2 =	seq.s32 s10, $0x1;
	s10 =	sld [smem:$0x3FB2]  }
0x3d: {  	_ =	shalt  }
0x3e: {  	_ =	shalt  }
0x3f: {  	_ =	shalt  }
0x40: {  	_ =	shalt  }
0x41: {  	_ =	shalt  }
0x42: {  	_ =	shalt  }
0x43: {  	_ =	shalt  }
0x44: {  	_ =	shalt  }
0x45: {  	_ =	shalt  }
0x46: {  	_ =	shalt  }
0x47: {  	_ =	shalt  }
0x48: {  	_ =	shalt  }
0x49: {  	_ =	shalt  }
0x4a: {  	_ =	shalt  }
0x4b: {  	_ =	shalt  }
0x4c: {  	_ =	shalt  }
0x4d: {  	_ =	shalt  }
0x4e: {  	_ =	shalt  }
0x4f: {  	_ =	shalt  }
0x50: {  	_ =	shalt  }
0x51: {  	_ =	shalt  }
0x52: {  	_ =	shalt  }
0x53: {  	_ =	shalt  }
0x54: {  	_ =	shalt  }
0x55: {  	_ =	shalt  }
0x56: {  	_ =	shalt  }
0x57: {  	_ =	shalt  }
0x58: {  	_ =	shalt  }
0x59: {  	_ =	shalt  }
0x5a: {  	_ =	shalt  }
0x5b: {  	_ =	shalt  }
0x5c: {  	_ =	shalt  }
0x5d: {  	_ =	shalt  }
0x5e: {  	_ =	shalt  }
0x5f: {  	_ =	shalt  }
0x60: {  	_ =	shalt  }
0x61: {  	_ =	shalt  }
0x62: {  	_ =	shalt  }
0x63: {  	_ =	shalt  }
0x64: {  	_ =	shalt  }
0x65: {  	_ =	shalt  }
0x66: {  	_ =	shalt  }
0x67: {  	_ =	shalt  }
0x68: {  	_ =	shalt  }
0x69: {  	_ =	shalt  }
0x6a: {  	_ =	shalt  }
0x6b: {  	_ =	shalt  }
0x6c: {  	_ =	shalt  }
0x6d: {  	_ =	shalt  }
0x6e: {  	_ =	shalt  }
0x6f: {  	_ =	shalt  }
0x70: {  	_ =	shalt  }
0x71: {  	_ =	shalt  }
0x72: {  	_ =	shalt  }
0x73: {  	_ =	shalt  }
0x74: {  	_ =	shalt  }
0x75: {  	_ =	shalt  }
0x76: {  	_ =	shalt  }
0x77: {  	_ =	shalt  }
0x78: {  	_ =	shalt  }
0x79: {  	_ =	shalt  }
0x7a: {  	_ =	shalt  }
0x7b: {  	_ =	shalt  }
0x7c: {  	_ =	shalt  }
0x7d: {  	_ =	shalt  }
0x7e: {  	_ =	shalt  }
0x7f: {  	_ =	shalt  }
0x80: {  	_ =	shalt  }
0x81: {  	_ =	shalt  }
0x82: {  	_ =	shalt  }
0x83: {  	_ =	shalt  }
0x84: {  	_ =	shalt  }
0x85: {  	_ =	shalt  }
0x86: {  	_ =	shalt  }
0x87: {  	_ =	shalt  }
.Lfunc_end0:
.L_simem_size_0:
called_computation_lowered:
.L_overlay_start_0:
0x88: {  	s2 =	sld [smem:$0x3FD9]  }
0x89: {  	s3 =	sld [smem:$0x3FFE];
	_ =	sdelay $0x1  }
0x8a: {  	s1 =	srdreg.scid  }
0x8b: {  	s0 =	sand.u32 $0x1, s1  }
0x8c: {  	s16 =	sshll.u32 s0, $0xA;
	s2 =	sadd.s32 s3, s2  }
0x8d: {  	s2 =	sadd.s32 s2, s16  }
0x8e: {  	[smem:$0x3FBE] =	sst s2  }
0x8f: {  	_ = 	snop  }
0x90: {  	(tm) =	ssettm $0x1  }
0x91: {  	s17 =	sld [smem:$0x3FFB];
	_ =	sdelay $0x3  }
0x92: {  	_ =	strace s17  }
0x93: {  	s2 =	sld [smem:$0x3FFC];
	_ =	sdelay $0x3  }
0x94: {  	_ =	strace s2  }
0x95: {  	s2 =	sld [smem:$0x3FFD];
	_ =	sdelay $0x3  }
0x96: {  	_ =	strace s2  }
0x97: {  	_ =	strace $0x8FFFFFFF  }
0x98: {  	s18 =	sld [smem:$0x3FDB];
	_ =	sdelay $0x1  }
0x99: {  	s19 =	simm.s32 $_scs_section_size  }
0x9a: {  	s4 =	simm.s32 $_size__tile_overlayer_lowered;
	s5 =	simm.s32 $_tile_overlayer_lowered  }
0x9b: {  	s22 =	simm.s32 $0x1BFF;
	s21 =	sshll.u32 s5, $0x1;
	s2 =	sadd.s32 s19, s18  }
0x9c: {  	s6 =	simm.s32 $0x0;
	s20 =	sshll.u32 s4, $0x1;
	s4 =	sadd.s32 s21, s2  }
0x9d: {  	[timem:s6], [sflag:s22] =	dma.local [hbm:s4], s20  }
0x9e: {  	_ =	swait.ge [sflag:s22], s20  }
0x9f: {  	s3 =	ssub.s32 $0x0, s20;
	[sflag:s22] =	ssyncset.done $0x0  }
0xa0: {  	[sflag:s22] =	ssyncadd.s32 s3;
	_ =	sdelay $0x1  }
0xa1: {  	s23 =	simm.s32 $0x1B8B  }
0xa2: {  	_ =	swait.ge [sflag:s23], $0x1  }
0xa3: {  	[sflag:s23] =	ssyncset.done $0x0  }
0xa4: {  	s25 =	simm.s32 $0x1B8E;
	s24 =	sld [smem:$0x3FFE];
	[sflag:s23] =	ssyncadd.s32 $0xFFFFFFFF  }
0xa5: {  	s26 =	simm.s32 $execute0_lowered;
	[smem:$0x3FD2] =	sst s25  }
0xa6: {  	s4 =	sshll.u32 s26, $0x1;
	_ =	strace $0x80000046;
	[dreg:$0x1] =	wrdreg $0xFFFFFFFF  }
0xa7: {  	s28 =	simm.s32 $_size_execute0_lowered;
	s2 =	sadd.s32 s2, s4;
	[dreg:$0x0] =	wrdreg $0x0  }
0xa8: {  	s4 =	sshll.u32 s28, $0x1;
	[dreg:$0x2] =	wrdreg s2  }
0xa9: {  	[dreg:$0x3] =	wrdreg s4  }
0xaa: {  	[dreg:$0x4] =	wrdreg $0xC0  }
0xab: {  	_ =	task [dreg:s6], $0x5FFFF  }
0xac: {  	[dreg:$0x1] =	wrdreg $0xFFFFFFFF  }
0xad: {  	[dreg:$0x0] =	wrdreg $0x60  }
0xae: {  	[dreg:$0x2] =	wrdreg s24  }
0xaf: {  	[dreg:$0x3] =	wrdreg $0x42800  }
0xb0: {  	[dreg:$0x4] =	wrdreg $0x182800  }
0xb1: {  	[dreg:$0x5] =	wrdreg $0x9  }
0xb2: {  	_ =	task.clear_ibuf [dreg:s6], $0x6FFFF;
	_ =	strace $0x90000046  }
0xb3: {  	s29 =	simm.s32 $0x9;
	_ =	strace $0x80000048  }
0xb4: {  	_ =	swait.ge [sflag:s29], $0x1  }
0xb5: {  	[sflag:s29] =	ssyncadd.s32 $0xFFFFFFFF  }
0xb6: {  	_ =	strace $0x90000048  }
0xb7: {  	_ =	sfence  }
0xb8: {  	s30 =	sld [smem:$0x0];
	_ =	sdelay $0x2  }
0xb9: {  	s31 =	sshll.u32 s1, $0xD;
	s1 =	sshrl.u32 s1, $0x2  }
0xba: {  	s3 =	sand.u32 $0x4000, s31;
	s1 =	sadd.s32 s1, s30  }
0xbb: {  	s0 =	sor.u32 s3, s0;
	s1 =	sshll.u32 s1, $0x11  }
0xbc: {  	s0 =	sor.u32 s1, s0  }
0xbd: {  	s0 =	sadd.s32 $0x8F2B, s0  }
0xbe: {  	[sflag:s0] =	ssyncadd.remote.s32 $0x1  }
0xbf: {  	_ =	sfence.sel $0xFFFF  }
0xc0: {  	[dreg:$0x0] =	wrdreg $0xFFFFFFFF;
	(pc) =	sbr.abs _section_cstart, $3  }
0xc1: {  	[dreg:$0x1] =	wrdreg $0xFFFFFFFF  }
0xc2: {  	_ =	task.clear_ibuf [dreg:s6], $0x2FFFF;
	_ =	strace $0x9FFFFFFF  }
0xc3: {  	(tm) =	ssettm $0x7FFFFFFF  }
tec
execute0_lowered:
.L_overlay_start_1:
0x0: {  	(tag) =	ssettag $0x1  }
0x1: {  	s0 =	rddreg [dreg:$0x0]  }
0x2: {  	s1 =	rddreg [dreg:$0x1]  }
0x3: {  	s2 =	rddreg [dreg:$0x2]  }
0x4: {  	s3 =	srdreg.scid;
	s26 =	stileid.u32;
	s28 =	simm.s32 $0x80  }
0x5: {  	s29 =	simm.s32 $0x180;
	s30 =	simm.s32 $0x200;
	s31 =	simm.s32 $0x2  }
0x6: {  	s4 =	sand.u32 $0x1, s3;
	s3 =	simm.s32 $0x0;
	s10 =	smul.u32 $0x14000, s26  }
0x7: {  	s5 =	sadd.s32 $0x1200, s0;
	s6 =	sadd.s32 $0xB400, s0;
	s13 =	smul.u32 $0x280, s26  }
0x8: {  	s7 =	sadd.s32 $0x3C800, s0;
	s8 =	sadd.s32 $0x3CE00, s0;
	s14 =	smul.u32 $0x50000, s26  }
0x9: {  	p0 =	sne.s32 s26, $0x0;
	s9 =	smul.u32 $0x140000, s4;
	[smem:$0x7FF] =	sst s3  }
0xa: {  	s11 =	smul.u32 $0x500, s4;
	s19 =	ssub.s32 $0x2, s4;
	s4 =	sshll.u32 s4, $0x4  }
0xb: {  	_ =	strace $0x80000047;
	s20 =	sshrl.u32 s19, $0x1;
	s16 =	sadd.s32 $0x80, s13  }
0xc: {  	s4 =	sor.u32 s26, s4;
	s21 =	sshrl.u32 s14, $0x2;
	s23 =	sadd.s32 $0x100, s13  }
0xd: {  	s18 =	sadd.s32 $0x180, s13;
	s26 =	simm.s32 $0x100;
	s10 =	sadd.s32 s10, s9  }
0xe: {  	s9 =	sadd.s32 $0x15600, s0;
	s22 =	sshll.u32 s16, $0x7;
	s15 =	sshll.u32 s23, $0x7  }
0xf: {  	s24 =	sshll.u32 s18, $0x7;
	s16 =	sadd.s32 s16, s2;
	s18 =	sadd.s32 s18, s2  }
0x10: {  	s10 =	sshrl.u32 s10, $0x3;
	s14 =	sadd.s32 s22, s1;
	s15 =	sadd.s32 s15, s1  }
0x11: {  	s12 =	sadd.s32 s10, s0;
	s0 =	sadd.s32 s11, s0;
	s11 =	ssub.s32 s19, s20  }
0x12: {  	s10 =	sadd.s32 s21, s1;
	[dreg:$0x4] =	wrdreg s14;
	s19 =	sadd.s32 $0x200, s13  }
0x13: {  	v0 =	vimm.f32 $0.0e+00;
	v1 =	vimm.s32 $0x0;
	[dreg:$0x5] =	wrdreg s15;
	s15 =	sadd.s32 s24, s1;
	s13 =	sadd.s32 s13, s2  }
0x14: {  	v2 =	vimm.s32 $0x1;
	v3 =	vimm.s32 $0x2;
	v4 =	vimm.s32 $0x3;
	s20 =	smul.u32 $0x2880, s4;
	s24 =	simm.s32 $0x280;
	[dreg:$0x6] =	wrdreg s15  }
0x15: {  	v5 =	vimm.s32 $0x4;
	v6 =	vimm.s32 $0x5;
	v7 =	vimm.s32 $0x6;
	s4 =	simm.s32 $0x1;
	s17 =	sshll.u32 s19, $0x7;
	[dreg:$0x8] =	wrdreg s13  }
0x16: {  	v8 =	vimm.s32 $0x7;
	v9 =	vimm.s32 $0x8;
	v10 =	vimm.s32 $0x9;
	s19 =	sadd.s32 s19, s2;
	s21 =	sadd.s32 $0x3D400, s12;
	s22 =	sadd.s32 $0x8D400, s0  }
0x17: {  	v11 =	vimm.s32 $0xA;
	v12 =	vimm.s32 $0xB;
	v13 =	vimm.s32 $0xC;
	s0 =	simm.s32 $0x3;
	s25 =	sadd.s32 s17, s1;
	s17 =	sadd.s32 s23, s2  }
0x18: {  	v14 =	vimm.s32 $0xD;
	v15 =	vimm.s32 $0xE;
	v16 =	vimm.s32 $0xF;
	s23 =	smax.u32 s11, $0x1;
	[dreg:$0x7] =	wrdreg s25;
	s25 =	simm.s32 $0x4  }
.LBB2_1:
0x19: {  	s11 =	simm.s32 $0x0;
	s12 =	simm.s32 $0x200  }
.LBB2_2:
0x1a: {  	p1 =	sne.s32 s12, $0xFE00;
	[tilespmem:s11+$0x2F0] =	vst v0  }
0x1b: {  	[tilespmem:s11+$0x280] =	vst v0  }
0x1c: {  	[tilespmem:s11+$0x290] =	vst v0  }
.Ltmp0:
0x1d: {  	[tilespmem:s11+$0x2A0] =	vst v0;
	(pc) =	sbr.rel @p1 .LBB2_2-.Ltmp0, $4  }
0x1e: {  	[tilespmem:s11+$0x2B0] =	vst v0  }
0x1f: {  	[tilespmem:s11+$0x2C0] =	vst v0  }
0x20: {  	[tilespmem:s11+$0x2D0] =	vst v0  }
0x21: {  	[tilespmem:s11+$0x2E0] =	vst v0;
	s11 =	sshra.s32 s12, $0x2;
	s12 =	sadd.s32 $0x200, s12  }
0x22: {  	[tilespmem:s11+$0x2F0] =	vst v0  }
0x23: {  	[tilespmem:s11+$0x280] =	vst v0  }
0x24: {  	[tilespmem:s11+$0x290] =	vst v0  }
0x25: {  	[tilespmem:s11+$0x2A0] =	vst v0  }
0x26: {  	[tilespmem:s11+$0x2B0] =	vst v0  }
0x27: {  	[tilespmem:s11+$0x2C0] =	vst v0  }
0x28: {  	[tilespmem:s11+$0x2D0] =	vst v0  }
0x29: {  	[tilespmem:s11+$0x2E0] =	vst v0  }
0x2a: {  	[tilespmem:$0x100] =	vst v0  }
0x2b: {  	[tilespmem:$0x110] =	vst v0  }
0x2c: {  	[tilespmem:$0x120] =	vst v0  }
0x2d: {  	[tilespmem:$0x130] =	vst v0  }
0x2e: {  	[tilespmem:$0x140] =	vst v0  }
0x2f: {  	[tilespmem:$0x150] =	vst v0  }
0x30: {  	[tilespmem:$0x160] =	vst v0  }
0x31: {  	[tilespmem:$0x170] =	vst v0  }
0x32: {  	[spmem:s10] =	stream.linear.scatter [tilespmem:s24], [sflag:$0x4], $0x4000, $0x38;
	[tilespmem:$0x18500] =	vst v63  }
0x33: {  	_ =	swait.ge [sflag:s25], $0x4000  }
0x34: {  	[sflag:s25] =	ssyncset.done $0x0  }
0x35: {  	s15 =	rddreg [dreg:$0x4];
	[sflag:s25] =	ssyncadd.s32 $0xFFFFC000  }
0x36: {  	[spmem:s15] =	stream.linear.scatter [tilespmem:s24], [sflag:$0x4], $0x4000, $0x38;
	[tilespmem:$0x18500] =	vst v63  }
0x37: {  	_ =	swait.ge [sflag:s25], $0x4000  }
0x38: {  	[sflag:s25] =	ssyncset.done $0x0  }
0x39: {  	s12 =	rddreg [dreg:$0x5];
	[sflag:s25] =	ssyncadd.s32 $0xFFFFC000  }
0x3a: {  	[spmem:s12] =	stream.linear.scatter [tilespmem:s24], [sflag:$0x4], $0x4000, $0x38;
	[tilespmem:$0x18500] =	vst v63  }
0x3b: {  	_ =	swait.ge [sflag:s25], $0x4000  }
0x3c: {  	[sflag:s25] =	ssyncset.done $0x0  }
0x3d: {  	s13 =	rddreg [dreg:$0x6];
	[sflag:s25] =	ssyncadd.s32 $0xFFFFC000  }
0x3e: {  	[spmem:s13] =	stream.linear.scatter [tilespmem:s24], [sflag:$0x4], $0x4000, $0x38;
	[tilespmem:$0x18500] =	vst v63  }
0x3f: {  	_ =	swait.ge [sflag:s25], $0x4000  }
0x40: {  	[sflag:s25] =	ssyncset.done $0x0  }
0x41: {  	s14 =	rddreg [dreg:$0x7];
	[sflag:s25] =	ssyncadd.s32 $0xFFFFC000  }
0x42: {  	[spmem:s14] =	stream.linear.scatter [tilespmem:s24], [sflag:$0x4], $0x4000, $0x38;
	[tilespmem:$0x18500] =	vst v63  }
0x43: {  	_ =	swait.ge [sflag:s25], $0x4000  }
0x44: {  	[sflag:s25] =	ssyncset.done $0x0  }
0x45: {  	s15 =	rddreg [dreg:$0x8];
	[sflag:s25] =	ssyncadd.s32 $0xFFFFC000  }
0x46: {  	[spmem:s15] =	stream.linear.scatter [tilespmem:s26], [sflag:$0x4], $0x80, $0x38;
	[tilespmem:$0x18500] =	vst v63  }
0x47: {  	_ =	swait.ge [sflag:s25], $0x80  }
0x48: {  	[sflag:s25] =	ssyncset.done $0x0  }
0x49: {  	[sflag:s25] =	ssyncadd.s32 $0xFFFFFF80  }
0x4a: {  	[spmem:s16] =	stream.linear.scatter [tilespmem:s26], [sflag:$0x4], $0x80, $0x38;
	[tilespmem:$0x18500] =	vst v63  }
0x4b: {  	_ =	swait.ge [sflag:s25], $0x80  }
0x4c: {  	[sflag:s25] =	ssyncset.done $0x0  }
0x4d: {  	[sflag:s25] =	ssyncadd.s32 $0xFFFFFF80  }
0x4e: {  	[spmem:s17] =	stream.linear.scatter [tilespmem:s26], [sflag:$0x4], $0x80, $0x38;
	[tilespmem:$0x18500] =	vst v63  }
0x4f: {  	_ =	swait.ge [sflag:s25], $0x80  }
0x50: {  	[sflag:s25] =	ssyncset.done $0x0  }
0x51: {  	[sflag:s25] =	ssyncadd.s32 $0xFFFFFF80  }
0x52: {  	[spmem:s18] =	stream.linear.scatter [tilespmem:s26], [sflag:$0x4], $0x80, $0x38;
	[tilespmem:$0x18500] =	vst v63  }
0x53: {  	_ =	swait.ge [sflag:s25], $0x80  }
0x54: {  	[sflag:s25] =	ssyncset.done $0x0  }
0x55: {  	[sflag:s25] =	ssyncadd.s32 $0xFFFFFF80  }
0x56: {  	[spmem:s19] =	stream.linear.scatter [tilespmem:s26], [sflag:$0x4], $0x80, $0x38;
	[tilespmem:$0x18500] =	vst v63  }
0x57: {  	_ =	swait.ge [sflag:s25], $0x80  }
0x58: {  	[sflag:s25] =	ssyncset.done $0x0  }
0x59: {  	[sflag:s25] =	ssyncadd.s32 $0xFFFFFF80  }
0x5a: {  	s11 =	simm.s32 $0x0;
	s12 =	simm.s32 $0x0;
	[bflag:$0x0] =	sbarrier.arrive $0xFFFF  }
.LBB2_4:
0x5b: {  	s13 =	sshll.u32 s12, $0x7  }
0x5c: {  	s13 =	sadd.s32 s20, s13  }
0x5d: {  	s14 =	sshrl.u32 s13, $0x3  }
0x5e: {  	s15 =	sadd.s32 s5, s14  }
0x5f: {  	[tilespmem:s11], [sflag:$0x4] =	stream.linear.gather [hbm4b:s15+s11], $0x80, $0x38;
	[tilespmem:$0x18500] =	vst v63  }
0x60: {  	_ =	swait.ge [sflag:s25], $0x80  }
0x61: {  	[sflag:s25] =	ssyncset.done $0x0  }
0x62: {  	s14 =	sadd.s32 s6, s14;
	[sflag:s25] =	ssyncadd.s32 $0xFFFFFF80  }
0x63: {  	[tilespmem:s28], [sflag:$0x4] =	stream.linear.gather [hbm4b:s14+s11], $0x80, $0x38;
	[tilespmem:$0x18500] =	vst v63  }
0x64: {  	_ =	swait.ge [sflag:s25], $0x80  }
0x65: {  	[sflag:s25] =	ssyncset.done $0x0  }
0x66: {  	[sflag:s25] =	ssyncadd.s32 $0xFFFFFF80  }
0x67: {  	[tilespmem:s24], [sflag:$0x1] =	stream.indirect.gather [hbm4b:s9+s28], $0x80, s11, s28, $0xb8;
	[tilespmem:$0x18500] =	vst v63  }
0x68: {  	_ = 	snop  }
0x69: {  	[tilespmem:s29], [sflag:$0x2] =	stream.indirect.gather [hbm4b:s7+s28], $0x1, s11, s28, $0xb8;
	[tilespmem:$0x18500] =	vst v63  }
0x6a: {  	_ = 	snop  }
0x6b: {  	[tilespmem:s30], [sflag:$0x3] =	stream.indirect.gather [hbm4b:s8+s28], $0x1, s28, s28, $0xb8;
	[tilespmem:$0x18500] =	vst v63  }
0x6c: {  	_ =	swait.ge [sflag:s31], $0x80  }
0x6d: {  	[sflag:s31] =	ssyncset.done $0x0  }
0x6e: {  	[sflag:s31] =	ssyncadd.s32 $0xFFFFFF80  }
0x6f: {  	_ =	swait.ge [sflag:s0], $0x80  }
0x70: {  	[sflag:s0] =	ssyncset.done $0x0  }
0x71: {  	[sflag:s0] =	ssyncadd.s32 $0xFFFFFF80  }
0x72: {  	v17 =	vld [tilespmem:$0x180]  }
0x73: {  	v18 =	vld [tilespmem:$0x200]  }
0x74: {  	v19 =	vld [tilespmem:$0x190]  }
0x75: {  	v20 =	vld [tilespmem:$0x210]  }
0x76: {  	v21 =	vld [tilespmem:$0x1A0]  }
0x77: {  	v22 =	vld [tilespmem:$0x220]  }
0x78: {  	v23 =	vld [tilespmem:$0x1B0]  }
0x79: {  	v24 =	vld [tilespmem:$0x230]  }
0x7a: {  	v25 =	vld [tilespmem:$0x1C0]  }
0x7b: {  	v26 =	vld [tilespmem:$0x240]  }
0x7c: {  	v55 =	vld [tilespmem:$0x1E0]  }
0x7d: {  	v29 =	vld [tilespmem:$0x260]  }
0x7e: {  	v30 =	vld [tilespmem:$0x1F0];
	v17 =	vadd.f32 v18, v17  }
0x7f: {  	v57 =	vld [tilespmem:$0x270];
	v19 =	vadd.f32 v20, v19  }
0x80: {  	v54 =	vld [tilespmem:$0x250];
	v27 =	vmul.f32 $2.000000030e-01, v17  }
0x81: {  	v18 =	vld [tilespmem:$0x1D0];
	v28 =	vmul.f32 $2.000000030e-01, v19  }
0x82: {  	v21 =	vadd.f32 v22, v21;
	v17 =	vmax.f32 v17, v27  }
0x83: {  	v23 =	vadd.f32 v24, v23;
	v19 =	vmax.f32 v19, v28;
	v17 =	vmul.f32 $1.442695020e+00, v17  }
0x84: {  	v58 =	vadd.f32 v29, v55;
	v60 =	vadd.f32 v57, v30;
	v19 =	vmul.f32 $1.442695020e+00, v19  }
0x85: {  	v56 =	vmul.f32 $2.000000030e-01, v21;
	(erf) = vpow2.f32 v17;
	v17 =	vadd.f32 v26, v25  }
0x86: {  	v18 =	vadd.f32 v54, v18;
	(erf) = vpow2.f32 v19;
	v19 =	vmul.f32 $2.000000030e-01, v23  }
0x87: {  	v62 =	vmul.f32 $2.000000030e-01, v58;
	v21 =	vmax.f32 v21, v56;
	v59 =	vmul.f32 $2.000000030e-01, v17  }
0x88: {  	v21 =	vmul.f32 $1.442695020e+00, v21;
	v61 =	vmul.f32 $2.000000030e-01, v18;
	v19 =	vmax.f32 v23, v19  }
0x89: {  	v63 =	vmul.f32 $2.000000030e-01, v60;
	v19 =	vmul.f32 $1.442695020e+00, v19;
	v17 =	vmax.f32 v17, v59  }
0x8a: {  	(erf) = vpow2.f32 v21;
	v18 =	vmax.f32 v18, v61;
	v17 =	vmul.f32 $1.442695020e+00, v17  }
0x8b: {  	v18 =	vmul.f32 $1.442695020e+00, v18;
	(erf) = vpow2.f32 v19;
	v19 =	vmax.f32 v58, v62  }
0x8c: {  	(erf) = vpow2.f32 v17;
	v17 =	vmax.f32 v60, v63;
	v19 =	vmul.f32 $1.442695020e+00, v19  }
0x8d: {  	(erf) = vpow2.f32 v18;
	v17 =	vmul.f32 $1.442695020e+00, v17  }
0x8e: {  	(erf) = vpow2.f32 v19  }
0x8f: {  	(erf) = vpow2.f32 v17;
	_ =	sdelay $0x1  }
0x90: {  	p1 =	slt.u32 s13, $0x50910;
	s15 =	sor.u32 $0x10, s13;
	v17 =	vpop (erf)  }
0x91: {  	p5 =	slt.u32 s15, $0x50910;
	s15 =	sor.u32 $0x20, s13;
	v18 =	vpop (erf);
	v17 =	vpsel !p1, $0x0, v17  }
0x92: {  	p6 =	slt.u32 s15, $0x50910;
	s15 =	sor.u32 $0x30, s13;
	v19 =	vpop (erf);
	[tilespmem:$0x100] =	vst v17;
	v17 =	vpsel !p5, $0x0, v18  }
0x93: {  	p2 =	slt.u32 s15, $0x50910;
	s15 =	sor.u32 $0x40, s13;
	v18 =	vpop (erf);
	[tilespmem:$0x110] =	vst v17;
	v17 =	vpsel !p6, $0x0, v19  }
0x94: {  	p3 =	slt.u32 s15, $0x50910;
	s15 =	sor.u32 $0x50, s13;
	v19 =	vpop (erf);
	[tilespmem:$0x120] =	vst v17;
	v17 =	vpsel !p2, $0x0, v18  }
0x95: {  	p4 =	slt.u32 s15, $0x50910;
	s15 =	sor.u32 $0x60, s13;
	v18 =	vpop (erf);
	[tilespmem:$0x130] =	vst v17;
	v17 =	vpsel !p3, $0x0, v19  }
0x96: {  	s13 =	sor.u32 $0x70, s13;
	p5 =	slt.u32 s15, $0x50910;
	v19 =	vpop (erf);
	[tilespmem:$0x140] =	vst v17;
	v17 =	vpsel !p4, $0x0, v18  }
0x97: {  	p6 =	slt.u32 s13, $0x50910;
	[tilespmem:$0x150] =	vst v17;
	v17 =	vpsel !p5, $0x0, v19;
	v18 =	vpop (erf)  }
0x98: {  	[tilespmem:$0x160] =	vst v17;
	v17 =	vpsel !p6, $0x0, v18  }
0x99: {  	[tilespmem:$0x170] =	vst v17  }
0x9a: {  	[spmem:s2] =	stream.indirect.scatter.add.f32 [tilespmem:s26], [sflag:$0x4], $0x1, s28, s28, $0xb8;
	[tilespmem:$0x18500] =	vst v63  }
0x9b: {  	_ =	swait.ge [sflag:s25], $0x80  }
0x9c: {  	[sflag:s25] =	ssyncset.done $0x0  }
0x9d: {  	[sflag:s25] =	ssyncadd.s32 $0xFFFFFF80  }
0x9e: {  	_ =	swait.ge [sflag:s4], $0x4000  }
0x9f: {  	[sflag:s4] =	ssyncset.done $0x0  }
0xa0: {  	s13 =	simm.s32 $0x0;
	[sflag:s4] =	ssyncadd.s32 $0xFFFFC000  }
.LBB2_5:
0xa1: {  	s14 =	sshll.u32 s13, $0x4  }
0xa2: {  	s14 =	sand.u32 $0x3FFFFFF0, s14  }
0xa3: {  	s15 =	sshll.u32 s13, $0xB;
	v17 =	vld [tilespmem:s14+$0x100]  }
0xa4: {  	s14 =	sand.u32 $0x3FFFF800, s15  }
0xa5: {  	v18 =	vld [tilespmem:s14+$0x280]  }
0xa6: {  	v19 =	vld [tilespmem:s14+$0x290]  }
0xa7: {  	v20 =	vld [tilespmem:s14+$0x2A0]  }
0xa8: {  	v22 =	vld [tilespmem:s14+$0x2B0];
	v21 =	vperm.xlane v17, v1  }
0xa9: {  	v23 =	vld [tilespmem:s14+$0x2C0]  }
0xaa: {  	v24 =	vld [tilespmem:s14+$0x2D0];
	v18 =	vmul.f32 v21, v18  }
0xab: {  	v25 =	vld [tilespmem:s14+$0x2E0];
	v19 =	vmul.f32 v21, v19  }
0xac: {  	v38 =	vld [tilespmem:s14+$0x2F0];
	[tilespmem:s14+$0x280] =	vst v18;
	v18 =	vmul.f32 v21, v20  }
0xad: {  	v39 =	vld [tilespmem:s14+$0x300];
	[tilespmem:s14+$0x290] =	vst v19;
	v19 =	vmul.f32 v21, v22  }
0xae: {  	v40 =	vld [tilespmem:s14+$0x310];
	[tilespmem:s14+$0x2A0] =	vst v18;
	v18 =	vmul.f32 v21, v23  }
0xaf: {  	v41 =	vld [tilespmem:s14+$0x320];
	[tilespmem:s14+$0x2B0] =	vst v19;
	v19 =	vmul.f32 v21, v24  }
0xb0: {  	v26 =	vld [tilespmem:s14+$0x330];
	v42 =	vperm.xlane v17, v2;
	[tilespmem:s14+$0x2C0] =	vst v18;
	v18 =	vmul.f32 v21, v25  }
0xb1: {  	v43 =	vld [tilespmem:s14+$0x340];
	[tilespmem:s14+$0x2D0] =	vst v19;
	v19 =	vmul.f32 v21, v38  }
0xb2: {  	v44 =	vld [tilespmem:s14+$0x350];
	[tilespmem:s14+$0x2E0] =	vst v18;
	v18 =	vmul.f32 v42, v39  }
0xb3: {  	v45 =	vld [tilespmem:s14+$0x360];
	[tilespmem:s14+$0x2F0] =	vst v19;
	v19 =	vmul.f32 v42, v40  }
0xb4: {  	v46 =	vld [tilespmem:s14+$0x370];
	[tilespmem:s14+$0x300] =	vst v18;
	v18 =	vmul.f32 v42, v41  }
0xb5: {  	v47 =	vld [tilespmem:s14+$0x380];
	[tilespmem:s14+$0x310] =	vst v19;
	v19 =	vmul.f32 v42, v26  }
0xb6: {  	v48 =	vld [tilespmem:s14+$0x390];
	[tilespmem:s14+$0x320] =	vst v18;
	v18 =	vmul.f32 v42, v43  }
0xb7: {  	v49 =	vld [tilespmem:s14+$0x3A0];
	[tilespmem:s14+$0x330] =	vst v19;
	v19 =	vmul.f32 v42, v44  }
0xb8: {  	v51 =	vld [tilespmem:s14+$0x3B0];
	v50 =	vperm.xlane v17, v3;
	[tilespmem:s14+$0x340] =	vst v18;
	v18 =	vmul.f32 v42, v45  }
0xb9: {  	v52 =	vld [tilespmem:s14+$0x3C0];
	[tilespmem:s14+$0x350] =	vst v19;
	v19 =	vmul.f32 v42, v46  }
0xba: {  	v53 =	vld [tilespmem:s14+$0x3D0];
	[tilespmem:s14+$0x360] =	vst v18;
	v18 =	vmul.f32 v50, v47  }
0xbb: {  	v54 =	vld [tilespmem:s14+$0x3E0];
	[tilespmem:s14+$0x370] =	vst v19;
	v19 =	vmul.f32 v50, v48  }
0xbc: {  	v55 =	vld [tilespmem:s14+$0x3F0];
	[tilespmem:s14+$0x380] =	vst v18;
	v18 =	vmul.f32 v50, v49  }
0xbd: {  	v56 =	vld [tilespmem:s14+$0x400];
	[tilespmem:s14+$0x390] =	vst v19;
	v19 =	vmul.f32 v50, v51  }
0xbe: {  	v57 =	vld [tilespmem:s14+$0x410];
	[tilespmem:s14+$0x3A0] =	vst v18;
	v18 =	vmul.f32 v50, v52  }
0xbf: {  	v58 =	vld [tilespmem:s14+$0x420];
	[tilespmem:s14+$0x3B0] =	vst v19;
	v19 =	vmul.f32 v50, v53  }
0xc0: {  	v60 =	vld [tilespmem:s14+$0x430];
	v59 =	vperm.xlane v17, v4;
	[tilespmem:s14+$0x3C0] =	vst v18;
	v18 =	vmul.f32 v50, v54  }
0xc1: {  	v61 =	vld [tilespmem:s14+$0x440];
	[tilespmem:s14+$0x3D0] =	vst v19;
	v19 =	vmul.f32 v50, v55  }
0xc2: {  	v62 =	vld [tilespmem:s14+$0x450];
	[tilespmem:s14+$0x3E0] =	vst v18;
	v18 =	vmul.f32 v59, v56  }
0xc3: {  	v63 =	vld [tilespmem:s14+$0x460];
	[tilespmem:s14+$0x3F0] =	vst v19;
	v19 =	vmul.f32 v59, v57  }
0xc4: {  	v28 =	vld [tilespmem:s14+$0x470];
	[tilespmem:s14+$0x400] =	vst v18;
	v18 =	vmul.f32 v59, v58  }
0xc5: {  	v29 =	vld [tilespmem:s14+$0x480];
	[tilespmem:s14+$0x410] =	vst v19;
	v19 =	vmul.f32 v59, v60  }
0xc6: {  	v30 =	vld [tilespmem:s14+$0x490];
	[tilespmem:s14+$0x420] =	vst v18;
	v18 =	vmul.f32 v59, v61  }
0xc7: {  	v31 =	vld [tilespmem:s14+$0x4A0];
	[tilespmem:s14+$0x430] =	vst v19;
	v19 =	vmul.f32 v59, v62  }
0xc8: {  	v33 =	vld [tilespmem:s14+$0x4B0];
	v32 =	vperm.xlane v17, v5;
	[tilespmem:s14+$0x440] =	vst v18;
	v18 =	vmul.f32 v59, v63  }
0xc9: {  	v34 =	vld [tilespmem:s14+$0x4C0];
	[tilespmem:s14+$0x450] =	vst v19;
	v19 =	vmul.f32 v59, v28  }
0xca: {  	v35 =	vld [tilespmem:s14+$0x4D0];
	[tilespmem:s14+$0x460] =	vst v18;
	v18 =	vmul.f32 v32, v29  }
0xcb: {  	v36 =	vld [tilespmem:s14+$0x4E0];
	[tilespmem:s14+$0x470] =	vst v19;
	v19 =	vmul.f32 v32, v30  }
0xcc: {  	v37 =	vld [tilespmem:s14+$0x4F0];
	[tilespmem:s14+$0x480] =	vst v18;
	v18 =	vmul.f32 v32, v31  }
0xcd: {  	v38 =	vld [tilespmem:s14+$0x500];
	[tilespmem:s14+$0x490] =	vst v19;
	v19 =	vmul.f32 v32, v33  }
0xce: {  	v39 =	vld [tilespmem:s14+$0x510];
	[tilespmem:s14+$0x4A0] =	vst v18;
	v18 =	vmul.f32 v32, v34  }
0xcf: {  	v40 =	vld [tilespmem:s14+$0x520];
	[tilespmem:s14+$0x4B0] =	vst v19;
	v19 =	vmul.f32 v32, v35  }
0xd0: {  	v41 =	vperm.xlane v17, v6;
	v42 =	vld [tilespmem:s14+$0x530];
	[tilespmem:s14+$0x4C0] =	vst v18;
	v18 =	vmul.f32 v32, v36  }
0xd1: {  	v43 =	vld [tilespmem:s14+$0x540];
	[tilespmem:s14+$0x4D0] =	vst v19;
	v19 =	vmul.f32 v32, v37  }
0xd2: {  	v44 =	vld [tilespmem:s14+$0x550];
	[tilespmem:s14+$0x4E0] =	vst v18;
	v18 =	vmul.f32 v41, v38  }
0xd3: {  	v45 =	vld [tilespmem:s14+$0x560];
	[tilespmem:s14+$0x4F0] =	vst v19;
	v19 =	vmul.f32 v41, v39  }
0xd4: {  	v46 =	vld [tilespmem:s14+$0x570];
	[tilespmem:s14+$0x500] =	vst v18;
	v18 =	vmul.f32 v41, v40  }
0xd5: {  	v47 =	vld [tilespmem:s14+$0x580];
	[tilespmem:s14+$0x510] =	vst v19;
	v19 =	vmul.f32 v41, v42  }
0xd6: {  	v48 =	vld [tilespmem:s14+$0x590];
	[tilespmem:s14+$0x520] =	vst v18;
	v18 =	vmul.f32 v41, v43  }
0xd7: {  	v49 =	vld [tilespmem:s14+$0x5A0];
	[tilespmem:s14+$0x530] =	vst v19;
	v19 =	vmul.f32 v41, v44  }
0xd8: {  	v51 =	vld [tilespmem:s14+$0x5B0];
	v50 =	vperm.xlane v17, v7;
	[tilespmem:s14+$0x540] =	vst v18;
	v18 =	vmul.f32 v41, v45  }
0xd9: {  	v52 =	vld [tilespmem:s14+$0x5C0];
	[tilespmem:s14+$0x550] =	vst v19;
	v19 =	vmul.f32 v41, v46  }
0xda: {  	v53 =	vld [tilespmem:s14+$0x5D0];
	[tilespmem:s14+$0x560] =	vst v18;
	v18 =	vmul.f32 v50, v47  }
0xdb: {  	v54 =	vld [tilespmem:s14+$0x5E0];
	[tilespmem:s14+$0x570] =	vst v19;
	v19 =	vmul.f32 v50, v48  }
0xdc: {  	v55 =	vld [tilespmem:s14+$0x5F0];
	[tilespmem:s14+$0x580] =	vst v18;
	v18 =	vmul.f32 v50, v49  }
0xdd: {  	v56 =	vld [tilespmem:s14+$0x600];
	[tilespmem:s14+$0x590] =	vst v19;
	v19 =	vmul.f32 v50, v51  }
0xde: {  	v57 =	vld [tilespmem:s14+$0x610];
	[tilespmem:s14+$0x5A0] =	vst v18;
	v18 =	vmul.f32 v50, v52  }
0xdf: {  	v58 =	vld [tilespmem:s14+$0x620];
	[tilespmem:s14+$0x5B0] =	vst v19;
	v19 =	vmul.f32 v50, v53  }
0xe0: {  	v60 =	vld [tilespmem:s14+$0x630];
	v59 =	vperm.xlane v17, v8;
	[tilespmem:s14+$0x5C0] =	vst v18;
	v18 =	vmul.f32 v50, v54  }
0xe1: {  	v61 =	vld [tilespmem:s14+$0x640];
	[tilespmem:s14+$0x5D0] =	vst v19;
	v19 =	vmul.f32 v50, v55  }
0xe2: {  	v62 =	vld [tilespmem:s14+$0x650];
	[tilespmem:s14+$0x5E0] =	vst v18;
	v18 =	vmul.f32 v59, v56  }
0xe3: {  	v63 =	vld [tilespmem:s14+$0x660];
	[tilespmem:s14+$0x5F0] =	vst v19;
	v19 =	vmul.f32 v59, v57  }
0xe4: {  	v28 =	vld [tilespmem:s14+$0x670];
	[tilespmem:s14+$0x600] =	vst v18;
	v18 =	vmul.f32 v59, v58  }
0xe5: {  	v29 =	vld [tilespmem:s14+$0x680];
	[tilespmem:s14+$0x610] =	vst v19;
	v19 =	vmul.f32 v59, v60  }
0xe6: {  	v30 =	vld [tilespmem:s14+$0x690];
	[tilespmem:s14+$0x620] =	vst v18;
	v18 =	vmul.f32 v59, v61  }
0xe7: {  	v31 =	vld [tilespmem:s14+$0x6A0];
	[tilespmem:s14+$0x630] =	vst v19;
	v19 =	vmul.f32 v59, v62  }
0xe8: {  	v33 =	vld [tilespmem:s14+$0x6B0];
	v32 =	vperm.xlane v17, v9;
	[tilespmem:s14+$0x640] =	vst v18;
	v18 =	vmul.f32 v59, v63  }
0xe9: {  	v34 =	vld [tilespmem:s14+$0x6C0];
	[tilespmem:s14+$0x650] =	vst v19;
	v19 =	vmul.f32 v59, v28  }
0xea: {  	v35 =	vld [tilespmem:s14+$0x6D0];
	[tilespmem:s14+$0x660] =	vst v18;
	v18 =	vmul.f32 v32, v29  }
0xeb: {  	v36 =	vld [tilespmem:s14+$0x6E0];
	[tilespmem:s14+$0x670] =	vst v19;
	v19 =	vmul.f32 v32, v30  }
0xec: {  	v37 =	vld [tilespmem:s14+$0x6F0];
	[tilespmem:s14+$0x680] =	vst v18;
	v18 =	vmul.f32 v32, v31  }
0xed: {  	v38 =	vld [tilespmem:s14+$0x700];
	[tilespmem:s14+$0x690] =	vst v19;
	v19 =	vmul.f32 v32, v33  }
0xee: {  	v39 =	vld [tilespmem:s14+$0x710];
	[tilespmem:s14+$0x6A0] =	vst v18;
	v18 =	vmul.f32 v32, v34  }
0xef: {  	v40 =	vld [tilespmem:s14+$0x720];
	[tilespmem:s14+$0x6B0] =	vst v19;
	v19 =	vmul.f32 v32, v35  }
0xf0: {  	v42 =	vld [tilespmem:s14+$0x730];
	v41 =	vperm.xlane v17, v10;
	[tilespmem:s14+$0x6C0] =	vst v18;
	v18 =	vmul.f32 v32, v36  }
0xf1: {  	v43 =	vld [tilespmem:s14+$0x740];
	[tilespmem:s14+$0x6D0] =	vst v19;
	v19 =	vmul.f32 v32, v37  }
0xf2: {  	v44 =	vld [tilespmem:s14+$0x750];
	[tilespmem:s14+$0x6E0] =	vst v18;
	v18 =	vmul.f32 v41, v38  }
0xf3: {  	v45 =	vld [tilespmem:s14+$0x760];
	[tilespmem:s14+$0x6F0] =	vst v19;
	v19 =	vmul.f32 v41, v39  }
0xf4: {  	v46 =	vld [tilespmem:s14+$0x770];
	[tilespmem:s14+$0x700] =	vst v18;
	v18 =	vmul.f32 v41, v40  }
0xf5: {  	v47 =	vld [tilespmem:s14+$0x780];
	[tilespmem:s14+$0x710] =	vst v19;
	v19 =	vmul.f32 v41, v42  }
0xf6: {  	v48 =	vld [tilespmem:s14+$0x790];
	[tilespmem:s14+$0x720] =	vst v18;
	v18 =	vmul.f32 v41, v43  }
0xf7: {  	v49 =	vld [tilespmem:s14+$0x7A0];
	[tilespmem:s14+$0x730] =	vst v19;
	v19 =	vmul.f32 v41, v44  }
0xf8: {  	v51 =	vld [tilespmem:s14+$0x7B0];
	v50 =	vperm.xlane v17, v11;
	[tilespmem:s14+$0x740] =	vst v18;
	v18 =	vmul.f32 v41, v45  }
0xf9: {  	v52 =	vld [tilespmem:s14+$0x7C0];
	[tilespmem:s14+$0x750] =	vst v19;
	v19 =	vmul.f32 v41, v46  }
0xfa: {  	v53 =	vld [tilespmem:s14+$0x7D0];
	[tilespmem:s14+$0x760] =	vst v18;
	v18 =	vmul.f32 v50, v47  }
0xfb: {  	v54 =	vld [tilespmem:s14+$0x7E0];
	[tilespmem:s14+$0x770] =	vst v19;
	v19 =	vmul.f32 v50, v48  }
0xfc: {  	v55 =	vld [tilespmem:s14+$0x7F0];
	[tilespmem:s14+$0x780] =	vst v18;
	v18 =	vmul.f32 v50, v49  }
0xfd: {  	v56 =	vld [tilespmem:s14+$0x800];
	[tilespmem:s14+$0x790] =	vst v19;
	v19 =	vmul.f32 v50, v51  }
0xfe: {  	v57 =	vld [tilespmem:s14+$0x810];
	[tilespmem:s14+$0x7A0] =	vst v18;
	v18 =	vmul.f32 v50, v52  }
0xff: {  	v58 =	vld [tilespmem:s14+$0x820];
	[tilespmem:s14+$0x7B0] =	vst v19;
	v19 =	vmul.f32 v50, v53  }
0x100: {  	v60 =	vld [tilespmem:s14+$0x830];
	v59 =	vperm.xlane v17, v12;
	[tilespmem:s14+$0x7C0] =	vst v18;
	v18 =	vmul.f32 v50, v54  }
0x101: {  	v61 =	vld [tilespmem:s14+$0x840];
	[tilespmem:s14+$0x7D0] =	vst v19;
	v19 =	vmul.f32 v50, v55  }
0x102: {  	v62 =	vld [tilespmem:s14+$0x850];
	[tilespmem:s14+$0x7E0] =	vst v18;
	v18 =	vmul.f32 v59, v56  }
0x103: {  	v63 =	vld [tilespmem:s14+$0x860];
	[tilespmem:s14+$0x7F0] =	vst v19;
	v19 =	vmul.f32 v59, v57  }
0x104: {  	v28 =	vld [tilespmem:s14+$0x870];
	[tilespmem:s14+$0x800] =	vst v18;
	v18 =	vmul.f32 v59, v58  }
0x105: {  	v29 =	vld [tilespmem:s14+$0x880];
	[tilespmem:s14+$0x810] =	vst v19;
	v19 =	vmul.f32 v59, v60  }
0x106: {  	v30 =	vld [tilespmem:s14+$0x890];
	[tilespmem:s14+$0x820] =	vst v18;
	v18 =	vmul.f32 v59, v61  }
0x107: {  	v31 =	vld [tilespmem:s14+$0x8A0];
	[tilespmem:s14+$0x830] =	vst v19;
	v19 =	vmul.f32 v59, v62  }
0x108: {  	v33 =	vld [tilespmem:s14+$0x8B0];
	v32 =	vperm.xlane v17, v13;
	[tilespmem:s14+$0x840] =	vst v18;
	v18 =	vmul.f32 v59, v63  }
0x109: {  	v34 =	vld [tilespmem:s14+$0x8C0];
	[tilespmem:s14+$0x850] =	vst v19;
	v19 =	vmul.f32 v59, v28  }
0x10a: {  	v35 =	vld [tilespmem:s14+$0x8D0];
	[tilespmem:s14+$0x860] =	vst v18;
	v18 =	vmul.f32 v32, v29  }
0x10b: {  	v36 =	vld [tilespmem:s14+$0x8E0];
	[tilespmem:s14+$0x870] =	vst v19;
	v19 =	vmul.f32 v32, v30  }
0x10c: {  	v37 =	vld [tilespmem:s14+$0x8F0];
	[tilespmem:s14+$0x880] =	vst v18;
	v18 =	vmul.f32 v32, v31  }
0x10d: {  	v38 =	vld [tilespmem:s14+$0x900];
	[tilespmem:s14+$0x890] =	vst v19;
	v19 =	vmul.f32 v32, v33  }
0x10e: {  	v39 =	vld [tilespmem:s14+$0x910];
	[tilespmem:s14+$0x8A0] =	vst v18;
	v18 =	vmul.f32 v32, v34  }
0x10f: {  	v40 =	vld [tilespmem:s14+$0x920];
	[tilespmem:s14+$0x8B0] =	vst v19;
	v19 =	vmul.f32 v32, v35  }
0x110: {  	v42 =	vld [tilespmem:s14+$0x930];
	v41 =	vperm.xlane v17, v14;
	[tilespmem:s14+$0x8C0] =	vst v18;
	v18 =	vmul.f32 v32, v36  }
0x111: {  	v43 =	vld [tilespmem:s14+$0x940];
	[tilespmem:s14+$0x8D0] =	vst v19;
	v19 =	vmul.f32 v32, v37  }
0x112: {  	v44 =	vld [tilespmem:s14+$0x950];
	[tilespmem:s14+$0x8E0] =	vst v18;
	v18 =	vmul.f32 v41, v38  }
0x113: {  	v45 =	vld [tilespmem:s14+$0x960];
	[tilespmem:s14+$0x8F0] =	vst v19;
	v19 =	vmul.f32 v41, v39  }
0x114: {  	v46 =	vld [tilespmem:s14+$0x970];
	[tilespmem:s14+$0x900] =	vst v18;
	v18 =	vmul.f32 v41, v40  }
0x115: {  	v47 =	vld [tilespmem:s14+$0x980];
	[tilespmem:s14+$0x910] =	vst v19;
	v19 =	vmul.f32 v41, v42  }
0x116: {  	v48 =	vld [tilespmem:s14+$0x990];
	[tilespmem:s14+$0x920] =	vst v18;
	v18 =	vmul.f32 v41, v43  }
0x117: {  	v49 =	vld [tilespmem:s14+$0x9A0];
	[tilespmem:s14+$0x930] =	vst v19;
	v19 =	vmul.f32 v41, v44  }
0x118: {  	v51 =	vld [tilespmem:s14+$0x9B0];
	v50 =	vperm.xlane v17, v15;
	[tilespmem:s14+$0x940] =	vst v18;
	v18 =	vmul.f32 v41, v45  }
0x119: {  	v52 =	vld [tilespmem:s14+$0x9C0];
	[tilespmem:s14+$0x950] =	vst v19;
	v19 =	vmul.f32 v41, v46  }
0x11a: {  	v53 =	vld [tilespmem:s14+$0x9D0];
	[tilespmem:s14+$0x960] =	vst v18;
	v18 =	vmul.f32 v50, v47  }
0x11b: {  	v54 =	vld [tilespmem:s14+$0x9E0];
	[tilespmem:s14+$0x970] =	vst v19;
	v19 =	vmul.f32 v50, v48  }
0x11c: {  	v55 =	vld [tilespmem:s14+$0x9F0];
	[tilespmem:s14+$0x980] =	vst v18;
	v18 =	vmul.f32 v50, v49  }
0x11d: {  	v56 =	vld [tilespmem:s14+$0xA00];
	[tilespmem:s14+$0x990] =	vst v19;
	v19 =	vmul.f32 v50, v51  }
0x11e: {  	v57 =	vld [tilespmem:s14+$0xA10];
	[tilespmem:s14+$0x9A0] =	vst v18;
	v18 =	vmul.f32 v50, v52  }
0x11f: {  	v58 =	vld [tilespmem:s14+$0xA20];
	[tilespmem:s14+$0x9B0] =	vst v19;
	v19 =	vmul.f32 v50, v53  }
0x120: {  	v17 =	vperm.xlane v17, v16;
	v59 =	vld [tilespmem:s14+$0xA30];
	[tilespmem:s14+$0x9C0] =	vst v18;
	v18 =	vmul.f32 v50, v54  }
0x121: {  	v60 =	vld [tilespmem:s14+$0xA40];
	[tilespmem:s14+$0x9D0] =	vst v19;
	v19 =	vmul.f32 v50, v55  }
0x122: {  	v61 =	vld [tilespmem:s14+$0xA50];
	[tilespmem:s14+$0x9E0] =	vst v18;
	v18 =	vmul.f32 v17, v56  }
0x123: {  	v62 =	vld [tilespmem:s14+$0xA60];
	[tilespmem:s14+$0x9F0] =	vst v19;
	v19 =	vmul.f32 v17, v57  }
0x124: {  	v63 =	vld [tilespmem:s14+$0xA70];
	[tilespmem:s14+$0xA00] =	vst v18;
	v18 =	vmul.f32 v17, v58  }
0x125: {  	[tilespmem:s14+$0xA10] =	vst v19;
	v19 =	vmul.f32 v17, v59  }
0x126: {  	p1 =	sne.s32 s13, $0x7;
	[tilespmem:s14+$0xA20] =	vst v18;
	v18 =	vmul.f32 v17, v60  }
.Ltmp1:
0x127: {  	[tilespmem:s14+$0xA30] =	vst v19;
	v19 =	vmul.f32 v17, v61;
	(pc) =	sbr.rel @p1 .LBB2_5-.Ltmp1, $4  }
0x128: {  	[tilespmem:s14+$0xA40] =	vst v18;
	v18 =	vmul.f32 v17, v62  }
0x129: {  	[tilespmem:s14+$0xA50] =	vst v19;
	v17 =	vmul.f32 v17, v63  }
0x12a: {  	[tilespmem:s14+$0xA60] =	vst v18  }
0x12b: {  	s13 =	sadd.s32 $0x1, s13;
	[tilespmem:s14+$0xA70] =	vst v17  }
0x12c: {  	s12 =	sadd.s32 $0x1, s12  }
0x12d: {  	p1 =	sne.s32 s12, $0x51  }
.Ltmp2:
0x12e: {  	_ = 	snop;
	(pc) =	sbr.rel @p1 .LBB2_4-.Ltmp2, $4  }
0x12f: {  	[spmem:s1] =	stream.indirect.scatter.add.f32 [tilespmem:s24], [sflag:$0x4], $0x80, s28, s28, $0xb8;
	[tilespmem:$0x18500] =	vst v63  }
0x130: {  	_ =	swait.ge [sflag:s25], $0x4000  }
0x131: {  	[sflag:s25] =	ssyncset.done $0x0  }
0x132: {  	[sflag:s25] =	ssyncadd.s32 $0xFFFFC000  }
0x133: {  	s11 =	stileid.u32  }
0x134: {  	s11 =	sshll.u32 s11, $0x6  }
0x135: {  	[bflag:$0x0] =	sbarrier.arrive $0xFFFF;
	s12 =	sshrl.u32 s10, $0x3;
	s11 =	sor.u32 $0x1C04, s11  }
0x136: {  	[hbm:s21], [sflag:s11] =	dma.local [spmem:s12], $0x2800  }
0x137: {  	_ =	swait.ge [sflag:s25], $0x2800  }
0x138: {  	s3 =	sadd.s32 $0x1, s3;
	[sflag:s25] =	ssyncset.done $0x0  }
0x139: {  	p1 =	sne.s32 s3, s23;
	s12 =	sshrl.u32 @!p0 s2, $0x3;
	[sflag:s25] =	ssyncadd.s32 $0xFFFFD800  }
0x13a: {  	[hbm:s22], [sflag:s11] =	dma.local @!p0 [spmem:s12], $0x500  }
.Ltmp3:
0x13b: {  	_ = 	snop;
	(pc) =	sbr.rel @p1 .LBB2_1-.Ltmp3, $4  }
0x13c: {  	s11 =	simm.s32 @!p0 $0x4  }
0x13d: {  	_ =	swait.ge @!p0 [sflag:s11], $0x500  }
0x13e: {  	[sflag:s11] =	ssyncset.done @!p0 $0x0  }
0x13f: {  	[sflag:s11] =	ssyncadd.s32 @!p0 $0xFFFFFB00  }
0x140: {  	_ =	sfence.sel $0x180000  }
0x141: {  	[bflag:$0x0] =	sbarrier.arrive $0xFFFF  }
0x142: {  	_ =	strace $0x90000047  }
0x143: {  	[bflag:$0x2] =	sbarrier.arrive $0xFFFF  }
0x144: {  	s0 =	rddreg [dreg:$0x3]  }
0x145: {  	s0 =	sadd.s32 @!p0 $0x100000, s0  }
0x146: {  	[sflag:s0] =	ssyncadd.tile.s32 @!p0 $0x1;
	_ =	shalt  }
.Lfunc_end2:
_tile_overlayer_lowered:
.L_overlay_start_2:
0x147: {  	(tag) =	ssettag $0x2  }
0x148: {  	s0 =	rddreg [dreg:$0x0];
	s2 =	stileid.u32  }
0x149: {  	s1 =	rddreg [dreg:$0x1];
	p0 =	sne.s32 s2, $0x0  }
0x14a: {  	s3 =	rddreg [dreg:$0x2];
	[bflag:$0x3] =	sbarrier.arrive $0xFFFF;
	s2 =	simm.s32 @!p0 $0x1C04  }
0x14b: {  	[timem:s3], [sflag:s2] =	dma.local @!p0 [hbm:s0], s1  }
0x14c: {  	s0 =	simm.s32 @!p0 $0x4  }
0x14d: {  	_ =	swait.ge @!p0 [sflag:s0], s1  }
0x14e: {  	s1 =	ssub.s32 @!p0 $0x0, s1;
	[sflag:s0] =	ssyncset.done @!p0 $0x0  }
0x14f: {  	[sflag:s0] =	ssyncadd.s32 @!p0 s1  }
0x150: {  	[bflag:$0x3] =	sbarrier.arrive $0xFFFF  }
0x151: {  	_ =	shalt  }

</sc_bundles>
